<compile_context>
chip_gen: v7x
topology: tpu7x:2x2x1
jax: 0.10.2.dev20260603
libtpu: 0.0.44.dev20260713+nightly
codegen_flags: <defaults>
</compile_context>

<pallas_src>
import functools

import jax
import jax.numpy as jnp
from jax import lax
from jax.experimental import pallas as pl
from jax.experimental.pallas import tpu as pltpu
from jax.experimental.pallas import tpu_sc as plsc

B, N, D, H, BUCKET, NHASH = 4, 2048, 1024, 16, 64, 4
DH = D // H
T = N
NB = T // BUCKET
BH = B * H
NT = NHASH * T
CHUNKS = NHASH * NB
GCH = 8
GROWS = GCH * BUCKET
NGRP = CHUNKS // GCH
KEYS = GROWS + BUCKET
ROWBLK = 256

_NEG = -5e4
_SCALE = DH ** -0.5


def _proj_body(x_ref, wqk_ref, wv_ref, qkv_ref):
    x = x_ref[0]
    w = jnp.concatenate([wqk_ref[...], wv_ref[...]], axis=0)
    qkv_ref[0] = jax.lax.dot_general(
        x, w, (((1,), (1,)), ((), ())),
        preferred_element_type=jnp.float32)


def _project(x3, Wqk, Wv):
    return pl.pallas_call(
        _proj_body,
        grid=(B, H),
        in_specs=[
            pl.BlockSpec((1, N, D), lambda b, h: (b, 0, 0)),
            pl.BlockSpec((DH, D), lambda b, h: (h, 0)),
            pl.BlockSpec((DH, D), lambda b, h: (h, 0)),
        ],
        out_specs=pl.BlockSpec((1, T, 2 * DH), lambda b, h: (b * H + h, 0, 0)),
        out_shape=jax.ShapeDtypeStruct((BH, T, 2 * DH), jnp.float32),
    )(x3, Wqk, Wv)


def _sortpos_body(qk_ref, rot_ref, pos_ref):
    qk = qk_ref[0][:, :DH]
    rot = rot_ref[...]
    rotated = jax.lax.dot_general(
        qk, rot, (((1,), (0,)), ((), ())),
        preferred_element_type=jnp.float32)

    lane32 = jax.lax.broadcasted_iota(jnp.int32, (T, NB), 1)
    tri128 = (jax.lax.broadcasted_iota(jnp.int32, (BUCKET * 2, BUCKET * 2), 1)
              < jax.lax.broadcasted_iota(jnp.int32, (BUCKET * 2, BUCKET * 2), 0)
              ).astype(jnp.float32)
    nblk = T // 128
    seg_sel = (jax.lax.broadcasted_iota(jnp.int32, (nblk, T), 1) // 128
               == jax.lax.broadcasted_iota(jnp.int32, (nblk, T), 0)
               ).astype(jnp.float32)
    tri_blk = (jax.lax.broadcasted_iota(jnp.int32, (nblk, nblk), 1)
               < jax.lax.broadcasted_iota(jnp.int32, (nblk, nblk), 0)
               ).astype(jnp.float32)
    cum32 = (jax.lax.broadcasted_iota(jnp.int32, (NB, NB), 0)
             < jax.lax.broadcasted_iota(jnp.int32, (NB, NB), 1)
             ).astype(jnp.float32)

    cols = []
    for h in range(NHASH):
        sl = rotated[:, h * 16:(h + 1) * 16]
        both = jnp.concatenate([sl, -sl], axis=1)
        m = jnp.max(both, axis=1, keepdims=True)
        idx = jnp.where(both >= m, lane32, NB * 2)
        bucket = jnp.min(idx, axis=1, keepdims=True)
        oh = (lane32 == bucket).astype(jnp.float32)

        seg = jax.lax.dot_general(
            seg_sel, oh, (((1,), (0,)), ((), ())),
            preferred_element_type=jnp.float32)
        offs = jax.lax.dot_general(
            tri_blk, seg, (((1,), (0,)), ((), ())),
            preferred_element_type=jnp.float32)
        tot = jnp.sum(seg, axis=0, keepdims=True)
        starts = jax.lax.dot_general(
            tot, cum32, (((1,), (0,)), ((), ())),
            preferred_element_type=jnp.float32)

        blocks = []
        for i in range(nblk):
            ohb = oh[i * 128:(i + 1) * 128]
            csb = jax.lax.dot_general(
                tri128, ohb, (((1,), (0,)), ((), ())),
                preferred_element_type=jnp.float32)
            ranked = csb + offs[i:i + 1] + starts
            posb = jnp.sum(ranked * ohb, axis=1, keepdims=True)
            blocks.append(posb)
        cols.append(jnp.concatenate(blocks, axis=0))
    pos = jnp.concatenate(cols, axis=1)
    pos_ref[0] = pos.astype(jnp.int32)


def _sortpos(qkv_m, rotf):
    return pl.pallas_call(
        _sortpos_body,
        grid=(BH,),
        in_specs=[
            pl.BlockSpec((1, T, 2 * DH), lambda i: (i, 0, 0)),
            pl.BlockSpec((DH, NHASH * 16), lambda i: (0, 0)),
        ],
        out_specs=pl.BlockSpec((1, T, NHASH), lambda i: (i, 0, 0)),
        out_shape=jax.ShapeDtypeStruct((BH, T, NHASH), jnp.int32),
    )(qkv_m, rotf)


def _attn_body(qkv_ref, qkvp_ref, str_ref, strp_ref, stc_ref, bias_ref, so_ref):
    qk = qkv_ref[:, :DH]
    v = qkv_ref[:, DH:]
    st_row = str_ref[0]
    tq = stc_ref[...]

    kcat = jnp.concatenate(
        [qkvp_ref[GROWS - BUCKET:, :DH], qk], axis=0)
    vcat = jnp.concatenate(
        [qkvp_ref[GROWS - BUCKET:, DH:], v], axis=0)
    tk = jnp.concatenate(
        [strp_ref[0][:, GROWS - BUCKET:], st_row], axis=1)

    nrm = jnp.sqrt(jnp.sum(kcat * kcat, axis=1, keepdims=True))
    kn = kcat / jnp.maximum(nrm, 1e-12)
    dots = jax.lax.dot_general(
        qk, kn, (((1,), (1,)), ((), ())),
        preferred_element_type=jnp.float32) * _SCALE

    dots = jnp.where(tq == tk, _NEG, dots) + bias_ref[...]
    m = jnp.max(dots, axis=1, keepdims=True)
    e = jnp.exp(dots - m)
    s = jnp.sum(e, axis=1, keepdims=True)
    o = jax.lax.dot_general(
        e, vcat, (((1,), (0,)), ((), ())),
        preferred_element_type=jnp.float32) / s
    lse = jnp.log(s) + m
    so_ref[...] = jnp.concatenate(
        [o, jnp.broadcast_to(lse, (GROWS, DH))], axis=1)


def _attention(sqkv2, st_row, st_col):
    qc = jnp.arange(GROWS, dtype=jnp.int32)[:, None] // BUCKET
    kc = jnp.arange(KEYS, dtype=jnp.int32)[None, :] // BUCKET - 1
    band = (kc == qc) | (kc == qc - 1)
    bias = jnp.where(band, 0.0, -1e30).astype(jnp.float32)
    grid = (BH, NGRP)
    return pl.pallas_call(
        _attn_body,
        grid=grid,
        in_specs=[
            pl.BlockSpec((GROWS, 2 * DH), lambda b, g: (b * NGRP + g, 0)),
            pl.BlockSpec((GROWS, 2 * DH),
                         lambda b, g: (b * NGRP + (g + NGRP - 1) % NGRP, 0)),
            pl.BlockSpec((1, 1, GROWS), lambda b, g: (b * NGRP + g, 0, 0)),
            pl.BlockSpec((1, 1, GROWS),
                         lambda b, g: (b * NGRP + (g + NGRP - 1) % NGRP, 0, 0)),
            pl.BlockSpec((GROWS, 1), lambda b, g: (b * NGRP + g, 0)),
            pl.BlockSpec((GROWS, KEYS), lambda b, g: (0, 0)),
        ],
        out_specs=pl.BlockSpec((GROWS, 2 * DH), lambda b, g: (b * NGRP + g, 0)),
        out_shape=jax.ShapeDtypeStruct((BH * NT, 2 * DH), jnp.float32),
        compiler_params=pltpu.CompilerParams(
            dimension_semantics=("parallel", "parallel")),
    )(sqkv2, sqkv2, st_row, st_row, st_col, bias)


def _combine_body(o_ref, ctx_ref):
    lg = jnp.concatenate(
        [o_ref[0, h][:, DH:DH + 1] for h in range(NHASH)], axis=1)
    m = jnp.max(lg, axis=1, keepdims=True)
    e = jnp.exp(lg - m)
    s = jnp.sum(e, axis=1, keepdims=True)
    probs = e / s
    acc = jnp.zeros((T, DH), jnp.float32)
    for h in range(NHASH):
        acc = acc + o_ref[0, h][:, :DH] * probs[:, h:h + 1]
    ctx_ref[0] = acc


def _combine(o_us):
    return pl.pallas_call(
        _combine_body,
        grid=(BH,),
        in_specs=[
            pl.BlockSpec((1, NHASH, T, 2 * DH), lambda i: (i, 0, 0, 0)),
        ],
        out_specs=pl.BlockSpec((1, T, DH), lambda i: (i, 0, 0)),
        out_shape=jax.ShapeDtypeStruct((BH, T, DH), jnp.float32),
    )(o_us)


def _outproj_body(x_ref, w_ref, b_ref, o_ref):
    o_ref[...] = jax.lax.dot_general(
        x_ref[...], w_ref[...], (((1,), (1,)), ((), ())),
        preferred_element_type=jnp.float32) + b_ref[...]


def _outproj(ctx2, Wo, b_out2):
    return pl.pallas_call(
        _outproj_body,
        grid=(B * N // ROWBLK,),
        in_specs=[
            pl.BlockSpec((ROWBLK, D), lambda i: (i, 0)),
            pl.BlockSpec((D, D), lambda i: (0, 0)),
            pl.BlockSpec((1, D), lambda i: (0, 0)),
        ],
        out_specs=pl.BlockSpec((ROWBLK, D), lambda i: (i, 0)),
        out_shape=jax.ShapeDtypeStruct((B * N, D), jnp.float32),
    )(ctx2, Wo, b_out2)


_SCI = plsc.get_sparse_core_info()
NWORK = _SCI.num_cores * _SCI.num_subcores
UNITS = BH * NHASH
UPW = UNITS // NWORK
GC = 128


NCH = T // GC


def _permute_rows(idxref, src_hbm, dst_hbm, unit, r0, r1, gs0, gs1, ws0, ws1):
    base = unit * T

    def g(k, buf, sem):
        pltpu.async_copy(src_hbm.at[idxref.at[pl.ds(k * GC, GC)]], buf, sem)

    def gwait(buf, sem):
        pltpu.make_async_copy(
            src_hbm.at[idxref.at[pl.ds(0, GC)]], buf, sem).wait()

    def w(k, buf, sem):
        pltpu.async_copy(buf, dst_hbm.at[pl.ds(base + k * GC, GC)], sem)

    def wwait(buf, sem):
        pltpu.make_async_copy(buf, dst_hbm.at[pl.ds(base, GC)], sem).wait()

    g(0, r0, gs0)

    @pl.loop(0, NCH // 2)
    def _pair(kk):
        k0 = kk * 2
        gwait(r0, gs0)

        @pl.when(kk > 0)
        def _():
            wwait(r1, ws1)
        g(k0 + 1, r1, gs1)
        w(k0, r0, ws0)
        gwait(r1, gs1)
        wwait(r0, ws0)

        @pl.when(kk < NCH // 2 - 1)
        def _():
            g(k0 + 2, r0, gs0)
        w(k0 + 1, r1, ws1)

    wwait(r1, ws1)


def _sc_sort_body(qkv_hbm, pos_hbm, sqkv_hbm, st_hbm,
                  posv, stv, stabs, r0, r1, gs0, gs1, ws0, ws1):
    wid = lax.axis_index("s") * _SCI.num_cores + lax.axis_index("c")

    @pl.loop(0, UPW)
    def _unit(u):
        unit = wid * UPW + u
        bhbase = (unit // NHASH) * T
        pltpu.sync_copy(pos_hbm.at[unit], posv)

        @pl.loop(0, T // 16)
        def _scat(i):
            idx = posv[pl.ds(i * 16, 16)]
            val = lax.iota(jnp.int32, 16) + i * 16
            plsc.store_scatter(stv, [idx], val)
            plsc.store_scatter(stabs, [idx], val + bhbase)

        pltpu.sync_copy(stv, st_hbm.at[unit])
        _permute_rows(stabs, qkv_hbm, sqkv_hbm, unit,
                      r0, r1, gs0, gs1, ws0, ws1)


_SC_SCRATCH = [
    pltpu.VMEM((T,), jnp.int32),
    pltpu.VMEM((T,), jnp.int32),
    pltpu.VMEM((T,), jnp.int32),
    pltpu.VMEM((GC, 2 * DH), jnp.float32),
    pltpu.VMEM((GC, 2 * DH), jnp.float32),
    pltpu.SemaphoreType.DMA,
    pltpu.SemaphoreType.DMA,
    pltpu.SemaphoreType.DMA,
    pltpu.SemaphoreType.DMA,
]


@functools.partial(
    pl.kernel,
    out_type=[
        jax.ShapeDtypeStruct((BH * NT, 2 * DH), jnp.float32),
        jax.ShapeDtypeStruct((UNITS, T), jnp.int32),
    ],
    mesh=plsc.VectorSubcoreMesh(core_axis_name="c", subcore_axis_name="s"),
    scratch_types=_SC_SCRATCH,
    compiler_params=pltpu.CompilerParams(needs_layout_passes=False),
)
def _sc_sort(qkv2, pos_u, sqkv2, st2, *scratch):
    _sc_sort_body(qkv2, pos_u, sqkv2, st2, *scratch)


def _sc_unsort_body(so_hbm, pos_hbm, o_hbm,
                    posv, pabs, _unused, r0, r1, gs0, gs1, ws0, ws1):
    wid = lax.axis_index("s") * _SCI.num_cores + lax.axis_index("c")

    @pl.loop(0, UPW)
    def _unit(u):
        unit = wid * UPW + u
        pltpu.sync_copy(pos_hbm.at[unit], posv)

        @pl.loop(0, T // 16)
        def _abs(i):
            pabs[pl.ds(i * 16, 16)] = posv[pl.ds(i * 16, 16)] + unit * T

        _permute_rows(pabs, so_hbm, o_hbm, unit,
                      r0, r1, gs0, gs1, ws0, ws1)


@functools.partial(
    pl.kernel,
    out_type=jax.ShapeDtypeStruct((UNITS * T, 2 * DH), jnp.float32),
    mesh=plsc.VectorSubcoreMesh(core_axis_name="c", subcore_axis_name="s"),
    scratch_types=_SC_SCRATCH,
    compiler_params=pltpu.CompilerParams(needs_layout_passes=False),
)
def _sc_unsort(so2, pos_u, o_us, *scratch):
    _sc_unsort_body(so2, pos_u, o_us, *scratch)


@jax.jit
def kernel(queries, keys, values, attn_mask, tau, delta, Wqk, Wv, Wo, b_out):
    qkv_m = _project(queries, Wqk, Wv)

    rot = jax.random.normal(jax.random.key(42), (DH, NHASH, NB // 2),
                            dtype=jnp.float32)
    rotf = rot.reshape(DH, NHASH * (NB // 2))
    pos = _sortpos(qkv_m, rotf)
    pos_u = pos.transpose(0, 2, 1).reshape(UNITS, T)

    qkv2 = qkv_m.reshape(BH * T, 2 * DH)
    sqkv2, st2 = _sc_sort(qkv2, pos_u)
    st_row = st2.reshape(BH * NGRP, 1, GROWS)
    st_col = st2.reshape(BH * NT, 1)

    so2 = _attention(sqkv2, st_row, st_col)

    o_us2 = _sc_unsort(so2, pos_u)
    o_us = o_us2.reshape(BH, NHASH, T, 2 * DH)

    ctx = _combine(o_us)
    ctx2 = (ctx.reshape(B, H, N, DH).transpose(0, 2, 1, 3)
            .reshape(B * N, D))
    out = _outproj(ctx2, Wo, b_out.reshape(1, D))
    return out.reshape(B, N, D)

# --- scband reference (transcript-rebuilt; emitter-appended) ---
"""Pipeline reference for scband-reformer-layer-858993459688 (READ-ONLY COPY).

The authoritative reference and input builder live on the scoring server;
editing this copy changes nothing except your own understanding.
"""

import jax, jax.numpy as jnp
import numpy as np

B, N, D, H, BUCKET, NHASH = 4, 2048, 1024, 16, 64, 4
DH = D // H

def setup_inputs(seed: int = 0):
    key = jax.random.key(seed)
    ks = jax.random.split(key, 8)
    queries = jax.random.normal(ks[0], (B, N, D), dtype=jnp.float32)
    keys_ = jax.random.normal(ks[1], (B, N, D), dtype=jnp.float32)
    values = jax.random.normal(ks[2], (B, N, D), dtype=jnp.float32)
    Wqk = jax.random.normal(ks[3], (D, D), dtype=jnp.float32) * (1.0 / np.sqrt(D))
    Wv = jax.random.normal(ks[4], (D, D), dtype=jnp.float32) * (1.0 / np.sqrt(D))
    Wo = jax.random.normal(ks[5], (D, D), dtype=jnp.float32) * (1.0 / np.sqrt(D))
    b_out = jnp.zeros((D,), dtype=jnp.float32)
    return {"queries": queries, "keys": keys_, "values": values, "attn_mask": 0, "tau": 0, "delta": 0,
            "Wqk": Wqk, "Wv": Wv, "Wo": Wo, "b_out": b_out}

def _lsh_attention(qk, v, rot):
    # qk, v: (bh, T, dh); shared-QK LSH attention (reformer_pytorch semantics)
    bh, T, dh = qk.shape
    n_buckets = T // BUCKET
    # hash vectors via random rotations
    rotated = jnp.einsum('btf,fhi->bhti', qk, rot)
    rotated = jnp.concatenate([rotated, -rotated], axis=-1)
    buckets = jnp.argmax(rotated, axis=-1)  # (bh, NHASH, T)
    offsets = (jnp.arange(NHASH) * n_buckets)[None, :, None]
    buckets = (buckets + offsets).reshape(bh, NHASH * T)
    ticker = jnp.arange(NHASH * T) % T
    buckets_and_t = T * buckets + ticker[None, :]
    sticker = jnp.argsort(buckets_and_t, axis=-1)
    undo_sort = jnp.argsort(sticker, axis=-1)
    st = sticker % T
    sqk = jnp.take_along_axis(qk, st[..., None], axis=1)
    sv = jnp.take_along_axis(v, st[..., None], axis=1)
    chunks = NHASH * n_buckets
    bq_t = st.reshape(bh, chunks, BUCKET)
    bqk = sqk.reshape(bh, chunks, BUCKET, dh)
    bv = sv.reshape(bh, chunks, BUCKET, dh)
    bq = bqk
    norm = jnp.linalg.norm(bqk, axis=-1, keepdims=True)
    bk = bqk / jnp.maximum(norm, 1e-12)
    def look_one_back(x):
        x_extra = jnp.concatenate([x[:, -1:], x[:, :-1]], axis=1)
        return jnp.concatenate([x, x_extra], axis=2)
    bk = look_one_back(bk)
    bv = look_one_back(bv)
    bkv_t = look_one_back(bq_t)
    dots = jnp.einsum('bcie,bcje->bcij', bq, bk) * (dh ** -0.5)
    self_mask = bq_t[:, :, :, None] == bkv_t[:, :, None, :]
    dots = jnp.where(self_mask, -5e4, dots)
    dots_lse = jax.scipy.special.logsumexp(dots, axis=-1, keepdims=True)
    local_probs = jnp.exp(dots - dots_lse)
    bo = jnp.einsum('bcij,bcje->bcie', local_probs, bv)
    so = bo.reshape(bh, NHASH * T, dh)
    slogits = dots_lse.reshape(bh, NHASH * T)
    o = jnp.take_along_axis(so, undo_sort[..., None], axis=1)
    logits = jnp.take_along_axis(slogits, undo_sort, axis=1)
    o = o.reshape(bh, NHASH, T, dh)
    logits = logits.reshape(bh, NHASH, T, 1)
    probs = jnp.exp(logits - jax.scipy.special.logsumexp(logits, axis=1, keepdims=True))
    return jnp.sum(o * probs, axis=1)

def reference(queries, keys, values, attn_mask, tau, delta, Wqk, Wv, Wo, b_out):
    # fit_length is a no-op: N % (2*bucket_size) == 0
    x = queries
    qk = x @ Wqk.T
    v = x @ Wv.T
    def merge(t):
        return t.reshape(B, N, H, DH).transpose(0, 2, 1, 3).reshape(B * H, N, DH)
    qk_m = merge(qk)
    v_m = merge(v)
    n_buckets = N // BUCKET
    rot = jax.random.normal(jax.random.key(42), (DH, NHASH, n_buckets // 2), dtype=jnp.float32)
    out = _lsh_attention(qk_m, v_m, rot)
    out = out.reshape(B, H, N, DH).transpose(0, 2, 1, 3).reshape(B, N, D)
    out = out @ Wo.T + b_out
    return out

if __name__ == "__main__":
    import jax
    _d = setup_inputs()
    print(jax.jit(kernel)(*tuple(_d.values())))

</pallas_src>

<mosaic_0001>
#map = affine_map<(d0, d1) -> (0, 0)>
module attributes {stable_mosaic.version = 14 : i64} {
  func.func @_sc_unsort(%arg0: i32, %arg1: i32, %arg2: memref<524288x128xf32, #tpu.memory_space<hbm>>, %arg3: memref<256x2048xi32, #tpu.memory_space<hbm>>, %arg4: memref<524288x128xf32, #tpu.memory_space<hbm>>, %arg5: memref<2048xi32, #tpu.memory_space<vmem>>, %arg6: memref<2048xi32, #tpu.memory_space<vmem>>, %arg7: memref<2048xi32, #tpu.memory_space<vmem>>, %arg8: memref<128x128xf32, #tpu.memory_space<vmem>>, %arg9: memref<128x128xf32, #tpu.memory_space<vmem>>, %arg10: memref<!tpu.dma_semaphore, #tpu.memory_space<semaphore_mem>>, %arg11: memref<!tpu.dma_semaphore, #tpu.memory_space<semaphore_mem>>, %arg12: memref<!tpu.dma_semaphore, #tpu.memory_space<semaphore_mem>>, %arg13: memref<!tpu.dma_semaphore, #tpu.memory_space<semaphore_mem>>) attributes {dimension_semantics = [#tpu.dimension_semantics<core_parallel>, #tpu.dimension_semantics<subcore_parallel>], iteration_bounds = array<i64: 2, 16>, scalar_prefetch = 0 : i64, scratch_operands = 9 : i64, tpu.core_type = #tpu.core_type<sc_vector_subcore>, window_params = [{transform_indices = #map}, {transform_indices = #map}, {transform_indices = #map}]} {
    %mul3A = arith.constant 2 : i32
    %mul3A_0 = arith.muli %arg1, %mul3A : i32
    %add3A = arith.addi %mul3A_0, %arg0 : i32
    %scan3A = arith.constant 0 : i32
    %scan3A_1 = arith.constant 8 : i32
    %scan3A_2 = arith.addi %scan3A, %scan3A_1 : i32
    %scan3A_3 = arith.constant 1 : i32
    scf.for %scan3A_5 = %scan3A to %scan3A_2 step %scan3A_3  : i32 {
      %mul3A_6 = arith.constant 1 : i32
      %mul3A_7 = arith.muli %scan3A_5, %mul3A_6 : i32
      %add3A_8 = arith.constant 0 : i32
      %add3A_9 = arith.addi %add3A_8, %mul3A_7 : i32
      %mul3A_10 = arith.constant 8 : i32
      %mul3A_11 = arith.muli %add3A, %mul3A_10 : i32
      %add3A_12 = arith.addi %mul3A_11, %add3A_9 : i32
      "tpu.region"() ({
        %run_scoped3A = tpu.sem_alloc : memref<!tpu.dma_semaphore, #tpu.memory_space<semaphore_mem>>
        %dma_start3A_32 = arith.constant 0 : i32
        %dma_start3A_33 = tpu.memref_slice %arg3[%add3A_12, %dma_start3A_32] : memref<256x2048xi32, #tpu.memory_space<hbm>> -> memref<1x2048xi32, #tpu.memory_space<hbm>>
        %dma_start3A_34 = tpu.memref_squeeze %dma_start3A_33 : memref<1x2048xi32, #tpu.memory_space<hbm>> -> memref<2048xi32, #tpu.memory_space<hbm>>
        %dma_start3A_35 = arith.constant 0 : i32
        %dma_start3A_36 = tpu.memref_slice %arg3[%add3A_12, %dma_start3A_35] : memref<256x2048xi32, #tpu.memory_space<hbm>> -> memref<1x2048xi32, #tpu.memory_space<hbm>>
        %dma_start3A_37 = tpu.memref_squeeze %dma_start3A_36 : memref<1x2048xi32, #tpu.memory_space<hbm>> -> memref<2048xi32, #tpu.memory_space<hbm>>
        tpu.enqueue_dma source(%dma_start3A_37 : memref<2048xi32, #tpu.memory_space<hbm>>) target(%arg5 : memref<2048xi32, #tpu.memory_space<vmem>>) target_semaphore(%run_scoped3A : memref<!tpu.dma_semaphore, #tpu.memory_space<semaphore_mem>>)
        %dma_wait3A_38 = arith.constant 0 : i32
        %dma_wait3A_39 = tpu.memref_slice %arg3[%add3A_12, %dma_wait3A_38] : memref<256x2048xi32, #tpu.memory_space<hbm>> -> memref<1x2048xi32, #tpu.memory_space<hbm>>
        %dma_wait3A_40 = tpu.memref_squeeze %dma_wait3A_39 : memref<1x2048xi32, #tpu.memory_space<hbm>> -> memref<2048xi32, #tpu.memory_space<hbm>>
        %dma_wait3A_41 = arith.constant 0 : i32
        %dma_wait3A_42 = tpu.memref_slice %arg3[%add3A_12, %dma_wait3A_41] : memref<256x2048xi32, #tpu.memory_space<hbm>> -> memref<1x2048xi32, #tpu.memory_space<hbm>>
        %dma_wait3A_43 = tpu.memref_squeeze %dma_wait3A_42 : memref<1x2048xi32, #tpu.memory_space<hbm>> -> memref<2048xi32, #tpu.memory_space<hbm>>
        tpu.wait_dma2 semaphore(%run_scoped3A : memref<!tpu.dma_semaphore, #tpu.memory_space<semaphore_mem>>) src(%dma_wait3A_43 : memref<2048xi32, #tpu.memory_space<hbm>>) dst(%arg5 : memref<2048xi32, #tpu.memory_space<vmem>>)
        tpu.yield
      }) : () -> ()
      %scan3A_13 = arith.constant 0 : i32
      %scan3A_14 = arith.constant 128 : i32
      %scan3A_15 = arith.addi %scan3A_13, %scan3A_14 : i32
      %scan3A_16 = arith.constant 1 : i32
      scf.for %scan3A_32 = %scan3A_13 to %scan3A_15 step %scan3A_16  : i32 {
        %mul3A_33 = arith.constant 1 : i32
        %mul3A_34 = arith.muli %scan3A_32, %mul3A_33 : i32
        %add3A_35 = arith.constant 0 : i32
        %add3A_36 = arith.addi %add3A_35, %mul3A_34 : i32
        %mul3A_37 = arith.constant 16 : i32
        %mul3A_38 = arith.muli %add3A_36, %mul3A_37 : i32
        %get3A = arith.index_cast %mul3A_38 : i32 to index
        %get3A_39 = tpu.vector_load %arg5[%get3A] {strides = array<i32>} : memref<2048xi32, #tpu.memory_space<vmem>>, vector<16xi32>,
        %mul3A_40 = arith.constant 2048 : i32
        %mul3A_41 = arith.muli %add3A_12, %mul3A_40 : i32
        %add3A_42 = vector.broadcast %mul3A_41 : i32 to vector<16xi32>
        %add3A_43 = arith.addi %get3A_39, %add3A_42 : vector<16xi32>
        %mul3A_44 = arith.constant 16 : i32
        %mul3A_45 = arith.muli %add3A_36, %mul3A_44 : i32
        %swap3A = arith.index_cast %mul3A_45 : i32 to index
        %swap3A_46 = tpu.vector_load %arg6[%swap3A] {strides = array<i32>} : memref<2048xi32, #tpu.memory_space<vmem>>, vector<16xi32>,
        tpu.vector_store %arg6[%swap3A], %add3A_43 {strides = array<i32>} : memref<2048xi32, #tpu.memory_space<vmem>>, vector<16xi32>,
      }
      %scan3A_17 = arith.constant 128 : i32
      %mul3A_18 = arith.constant 2048 : i32
      %mul3A_19 = arith.muli %add3A_12, %mul3A_18 : i32
      %dma_start3A = arith.constant 0 : i32
      %dma_start3A_20 = tpu.memref_slice %arg6[%dma_start3A] : memref<2048xi32, #tpu.memory_space<vmem>> -> memref<128xi32, #tpu.memory_space<vmem>>
      %dma_start3A_21 = arith.constant 0 : i32
      %dma_start3A_22 = arith.constant 0 : i32
      %dma_start3A_23 = tpu.memref_slice %arg2[%dma_start3A_21, %dma_start3A_22] : memref<524288x128xf32, #tpu.memory_space<hbm>> -> memref<524288x128xf32, #tpu.memory_space<hbm>>
      tpu.enqueue_indirect_dma source(%dma_start3A_23 : memref<524288x128xf32, #tpu.memory_space<hbm>>) target(%arg8 : memref<128x128xf32, #tpu.memory_space<vmem>>) offsets(%dma_start3A_20 : memref<128xi32, #tpu.memory_space<vmem>>) semaphore(%arg10 : memref<!tpu.dma_semaphore, #tpu.memory_space<semaphore_mem>>)
      %scan3A_24 = arith.constant 0 : i32
      %scan3A_25 = arith.constant 8 : i32
      %scan3A_26 = arith.addi %scan3A_24, %scan3A_25 : i32
      %scan3A_27 = arith.constant 1 : i32
      scf.for %scan3A_32 = %scan3A_24 to %scan3A_26 step %scan3A_27  : i32 {
        %mul3A_33 = arith.constant 1 : i32
        %mul3A_34 = arith.muli %scan3A_32, %mul3A_33 : i32
        %add3A_35 = arith.constant 0 : i32
        %add3A_36 = arith.addi %add3A_35, %mul3A_34 : i32
        %mul3A_37 = arith.constant 2 : i32
        %mul3A_38 = arith.muli %add3A_36, %mul3A_37 : i32
        %dma_wait3A_39 = arith.constant 0 : i32
        %dma_wait3A_40 = tpu.memref_slice %arg6[%dma_wait3A_39] : memref<2048xi32, #tpu.memory_space<vmem>> -> memref<128xi32, #tpu.memory_space<vmem>>
        %dma_wait3A_41 = arith.constant 0 : i32
        %dma_wait3A_42 = arith.constant 0 : i32
        %dma_wait3A_43 = tpu.memref_slice %arg2[%dma_wait3A_41, %dma_wait3A_42] : memref<524288x128xf32, #tpu.memory_space<hbm>> -> memref<524288x128xf32, #tpu.memory_space<hbm>>
        tpu.wait_indirect_dma semaphore(%arg10 : memref<!tpu.dma_semaphore, #tpu.memory_space<semaphore_mem>>) src(%dma_wait3A_43 : memref<524288x128xf32, #tpu.memory_space<hbm>>) dst(%arg8 : memref<128x128xf32, #tpu.memory_space<vmem>>)
        %gt3A = arith.constant 0 : i32
        %gt3A_44 = arith.cmpi sgt, %add3A_36, %gt3A : i32
        %convert_element_type3A = arith.extui %gt3A_44 : i1 to i32
        %cond3A = arith.constant 0 : i32
        %cond3A_45 = arith.cmpi ne, %convert_element_type3A, %cond3A : i32
        scf.if %cond3A_45 {
          %dma_wait3A_83 = arith.constant 0 : i32
          %dma_wait3A_84 = tpu.memref_slice %arg4[%mul3A_19, %dma_wait3A_83] : memref<524288x128xf32, #tpu.memory_space<hbm>> -> memref<128x128xf32, #tpu.memory_space<hbm>>
          %dma_wait3A_85 = arith.constant 0 : i32
          %dma_wait3A_86 = tpu.memref_slice %arg4[%mul3A_19, %dma_wait3A_85] : memref<524288x128xf32, #tpu.memory_space<hbm>> -> memref<128x128xf32, #tpu.memory_space<hbm>>
          tpu.wait_dma2 semaphore(%arg13 : memref<!tpu.dma_semaphore, #tpu.memory_space<semaphore_mem>>) src(%arg9 : memref<128x128xf32, #tpu.memory_space<vmem>>) dst(%dma_wait3A_86 : memref<128x128xf32, #tpu.memory_space<hbm>>)
        } else {
        }
        %add3A_46 = arith.constant 1 : i32
        %add3A_47 = arith.addi %mul3A_38, %add3A_46 : i32
        %mul3A_48 = arith.constant 128 : i32
        %mul3A_49 = arith.muli %add3A_47, %mul3A_48 : i32
        %dma_start3A_50 = tpu.memref_slice %arg6[%mul3A_49] : memref<2048xi32, #tpu.memory_space<vmem>> -> memref<128xi32, #tpu.memory_space<vmem>>
        %dma_start3A_51 = arith.constant 0 : i32
        %dma_start3A_52 = arith.constant 0 : i32
        %dma_start3A_53 = tpu.memref_slice %arg2[%dma_start3A_51, %dma_start3A_52] : memref<524288x128xf32, #tpu.memory_space<hbm>> -> memref<524288x128xf32, #tpu.memory_space<hbm>>
        tpu.enqueue_indirect_dma source(%dma_start3A_53 : memref<524288x128xf32, #tpu.memory_space<hbm>>) target(%arg9 : memref<128x128xf32, #tpu.memory_space<vmem>>) offsets(%dma_start3A_50 : memref<128xi32, #tpu.memory_space<vmem>>) semaphore(%arg11 : memref<!tpu.dma_semaphore, #tpu.memory_space<semaphore_mem>>)
        %mul3A_54 = arith.constant 128 : i32
        %mul3A_55 = arith.muli %mul3A_38, %mul3A_54 : i32
        %add3A_56 = arith.addi %mul3A_19, %mul3A_55 : i32
        %dma_start3A_57 = arith.constant 0 : i32
        %dma_start3A_58 = tpu.memref_slice %arg4[%add3A_56, %dma_start3A_57] : memref<524288x128xf32, #tpu.memory_space<hbm>> -> memref<128x128xf32, #tpu.memory_space<hbm>>
        %dma_start3A_59 = arith.constant 0 : i32
        %dma_start3A_60 = tpu.memref_slice %arg4[%add3A_56, %dma_start3A_59] : memref<524288x128xf32, #tpu.memory_space<hbm>> -> memref<128x128xf32, #tpu.memory_space<hbm>>
        tpu.enqueue_dma source(%arg8 : memref<128x128xf32, #tpu.memory_space<vmem>>) target(%dma_start3A_60 : memref<128x128xf32, #tpu.memory_space<hbm>>) target_semaphore(%arg12 : memref<!tpu.dma_semaphore, #tpu.memory_space<semaphore_mem>>)
        %dma_wait3A_61 = arith.constant 0 : i32
        %dma_wait3A_62 = tpu.memref_slice %arg6[%dma_wait3A_61] : memref<2048xi32, #tpu.memory_space<vmem>> -> memref<128xi32, #tpu.memory_space<vmem>>
        %dma_wait3A_63 = arith.constant 0 : i32
        %dma_wait3A_64 = arith.constant 0 : i32
        %dma_wait3A_65 = tpu.memref_slice %arg2[%dma_wait3A_63, %dma_wait3A_64] : memref<524288x128xf32, #tpu.memory_space<hbm>> -> memref<524288x128xf32, #tpu.memory_space<hbm>>
        tpu.wait_indirect_dma semaphore(%arg11 : memref<!tpu.dma_semaphore, #tpu.memory_space<semaphore_mem>>) src(%dma_wait3A_65 : memref<524288x128xf32, #tpu.memory_space<hbm>>) dst(%arg9 : memref<128x128xf32, #tpu.memory_space<vmem>>)
        %dma_wait3A_66 = arith.constant 0 : i32
        %dma_wait3A_67 = tpu.memref_slice %arg4[%mul3A_19, %dma_wait3A_66] : memref<524288x128xf32, #tpu.memory_space<hbm>> -> memref<128x128xf32, #tpu.memory_space<hbm>>
        %dma_wait3A_68 = arith.constant 0 : i32
        %dma_wait3A_69 = tpu.memref_slice %arg4[%mul3A_19, %dma_wait3A_68] : memref<524288x128xf32, #tpu.memory_space<hbm>> -> memref<128x128xf32, #tpu.memory_space<hbm>>
        tpu.wait_dma2 semaphore(%arg12 : memref<!tpu.dma_semaphore, #tpu.memory_space<semaphore_mem>>) src(%arg8 : memref<128x128xf32, #tpu.memory_space<vmem>>) dst(%dma_wait3A_69 : memref<128x128xf32, #tpu.memory_space<hbm>>)
        %lt3A = arith.constant 7 : i32
        %lt3A_70 = arith.cmpi slt, %add3A_36, %lt3A : i32
        %convert_element_type3A_71 = arith.extui %lt3A_70 : i1 to i32
        %cond3A_72 = arith.constant 0 : i32
        %cond3A_73 = arith.cmpi ne, %convert_element_type3A_71, %cond3A_72 : i32
        scf.if %cond3A_73 {
          %add3A_83 = arith.constant 2 : i32
          %add3A_84 = arith.addi %mul3A_38, %add3A_83 : i32
          %mul3A_85 = arith.constant 128 : i32
          %mul3A_86 = arith.muli %add3A_84, %mul3A_85 : i32
          %dma_start3A_87 = tpu.memref_slice %arg6[%mul3A_86] : memref<2048xi32, #tpu.memory_space<vmem>> -> memref<128xi32, #tpu.memory_space<vmem>>
          %dma_start3A_88 = arith.constant 0 : i32
          %dma_start3A_89 = arith.constant 0 : i32
          %dma_start3A_90 = tpu.memref_slice %arg2[%dma_start3A_88, %dma_start3A_89] : memref<524288x128xf32, #tpu.memory_space<hbm>> -> memref<524288x128xf32, #tpu.memory_space<hbm>>
          tpu.enqueue_indirect_dma source(%dma_start3A_90 : memref<524288x128xf32, #tpu.memory_space<hbm>>) target(%arg8 : memref<128x128xf32, #tpu.memory_space<vmem>>) offsets(%dma_start3A_87 : memref<128xi32, #tpu.memory_space<vmem>>) semaphore(%arg10 : memref<!tpu.dma_semaphore, #tpu.memory_space<semaphore_mem>>)
        } else {
        }
        %add3A_74 = arith.constant 1 : i32
        %add3A_75 = arith.addi %mul3A_38, %add3A_74 : i32
        %mul3A_76 = arith.constant 128 : i32
        %mul3A_77 = arith.muli %add3A_75, %mul3A_76 : i32
        %add3A_78 = arith.addi %mul3A_19, %mul3A_77 : i32
        %dma_start3A_79 = arith.constant 0 : i32
        %dma_start3A_80 = tpu.memref_slice %arg4[%add3A_78, %dma_start3A_79] : memref<524288x128xf32, #tpu.memory_space<hbm>> -> memref<128x128xf32, #tpu.memory_space<hbm>>
        %dma_start3A_81 = arith.constant 0 : i32
        %dma_start3A_82 = tpu.memref_slice %arg4[%add3A_78, %dma_start3A_81] : memref<524288x128xf32, #tpu.memory_space<hbm>> -> memref<128x128xf32, #tpu.memory_space<hbm>>
        tpu.enqueue_dma source(%arg9 : memref<128x128xf32, #tpu.memory_space<vmem>>) target(%dma_start3A_82 : memref<128x128xf32, #tpu.memory_space<hbm>>) target_semaphore(%arg13 : memref<!tpu.dma_semaphore, #tpu.memory_space<semaphore_mem>>)
      }
      %scan3A_28 = arith.constant 8 : i32
      %dma_wait3A = arith.constant 0 : i32
      %dma_wait3A_29 = tpu.memref_slice %arg4[%mul3A_19, %dma_wait3A] : memref<524288x128xf32, #tpu.memory_space<hbm>> -> memref<128x128xf32, #tpu.memory_space<hbm>>
      %dma_wait3A_30 = arith.constant 0 : i32
      %dma_wait3A_31 = tpu.memref_slice %arg4[%mul3A_19, %dma_wait3A_30] : memref<524288x128xf32, #tpu.memory_space<hbm>> -> memref<128x128xf32, #tpu.memory_space<hbm>>
      tpu.wait_dma2 semaphore(%arg13 : memref<!tpu.dma_semaphore, #tpu.memory_space<semaphore_mem>>) src(%arg9 : memref<128x128xf32, #tpu.memory_space<vmem>>) dst(%dma_wait3A_31 : memref<128x128xf32, #tpu.memory_space<hbm>>)
    }
    %scan3A_4 = arith.constant 8 : i32
    return
  }
}

#map = affine_map<(d0, d1) -> (0, 0)>
module attributes {stable_mosaic.version = 14 : i64} {
  func.func @_sc_sort(%arg0: i32, %arg1: i32, %arg2: memref<131072x128xf32, #tpu.memory_space<hbm>>, %arg3: memref<256x2048xi32, #tpu.memory_space<hbm>>, %arg4: memref<524288x128xf32, #tpu.memory_space<hbm>>, %arg5: memref<256x2048xi32, #tpu.memory_space<hbm>>, %arg6: memref<2048xi32, #tpu.memory_space<vmem>>, %arg7: memref<2048xi32, #tpu.memory_space<vmem>>, %arg8: memref<2048xi32, #tpu.memory_space<vmem>>, %arg9: memref<128x128xf32, #tpu.memory_space<vmem>>, %arg10: memref<128x128xf32, #tpu.memory_space<vmem>>, %arg11: memref<!tpu.dma_semaphore, #tpu.memory_space<semaphore_mem>>, %arg12: memref<!tpu.dma_semaphore, #tpu.memory_space<semaphore_mem>>, %arg13: memref<!tpu.dma_semaphore, #tpu.memory_space<semaphore_mem>>, %arg14: memref<!tpu.dma_semaphore, #tpu.memory_space<semaphore_mem>>) attributes {dimension_semantics = [#tpu.dimension_semantics<core_parallel>, #tpu.dimension_semantics<subcore_parallel>], iteration_bounds = array<i64: 2, 16>, scalar_prefetch = 0 : i64, scratch_operands = 9 : i64, tpu.core_type = #tpu.core_type<sc_vector_subcore>, window_params = [{transform_indices = #map}, {transform_indices = #map}, {transform_indices = #map}, {transform_indices = #map}]} {
    %mul3A = arith.constant 2 : i32
    %mul3A_0 = arith.muli %arg1, %mul3A : i32
    %add3A = arith.addi %mul3A_0, %arg0 : i32
    %scan3A = arith.constant 0 : i32
    %scan3A_1 = arith.constant 8 : i32
    %scan3A_2 = arith.addi %scan3A, %scan3A_1 : i32
    %scan3A_3 = arith.constant 1 : i32
    scf.for %scan3A_5 = %scan3A to %scan3A_2 step %scan3A_3  : i32 {
      %mul3A_6 = arith.constant 1 : i32
      %mul3A_7 = arith.muli %scan3A_5, %mul3A_6 : i32
      %add3A_8 = arith.constant 0 : i32
      %add3A_9 = arith.addi %add3A_8, %mul3A_7 : i32
      %mul3A_10 = arith.constant 8 : i32
      %mul3A_11 = arith.muli %add3A, %mul3A_10 : i32
      %add3A_12 = arith.addi %mul3A_11, %add3A_9 : i32
      %jit3A = arith.constant 4 : i32
      %div3A = arith.divsi %add3A_12, %jit3A : i32
      %sign3A = arith.constant 0 : i32
      %sign3A_13 = arith.cmpi sgt, %add3A_12, %sign3A : i32
      %sign3A_14 = arith.extui %sign3A_13 : i1 to i32
      %sign3A_15 = arith.constant 0 : i32
      %sign3A_16 = arith.cmpi slt, %add3A_12, %sign3A_15 : i32
      %sign3A_17 = arith.extui %sign3A_16 : i1 to i32
      %sign3A_18 = arith.subi %sign3A_14, %sign3A_17 : i32
      %sign3A_19 = arith.constant 0 : i32
      %sign3A_20 = arith.cmpi sgt, %jit3A, %sign3A_19 : i32
      %sign3A_21 = arith.extui %sign3A_20 : i1 to i32
      %sign3A_22 = arith.constant 0 : i32
      %sign3A_23 = arith.cmpi slt, %jit3A, %sign3A_22 : i32
      %sign3A_24 = arith.extui %sign3A_23 : i1 to i32
      %sign3A_25 = arith.subi %sign3A_21, %sign3A_24 : i32
      %ne3A = arith.cmpi ne, %sign3A_18, %sign3A_25 : i32
      %rem3A = arith.remsi %add3A_12, %jit3A : i32
      %ne3A_26 = arith.constant 0 : i32
      %ne3A_27 = arith.cmpi ne, %rem3A, %ne3A_26 : i32
      %and3A = arith.andi %ne3A, %ne3A_27 : i1
      %sub3A = arith.constant 1 : i32
      %sub3A_28 = arith.subi %div3A, %sub3A : i32
      %select_n3A = arith.select %and3A, %sub3A_28, %div3A : i32
      %mul3A_29 = arith.constant 2048 : i32
      %mul3A_30 = arith.muli %select_n3A, %mul3A_29 : i32
      "tpu.region"() ({
        %run_scoped3A = tpu.sem_alloc : memref<!tpu.dma_semaphore, #tpu.memory_space<semaphore_mem>>
        %dma_start3A_50 = arith.constant 0 : i32
        %dma_start3A_51 = tpu.memref_slice %arg3[%add3A_12, %dma_start3A_50] : memref<256x2048xi32, #tpu.memory_space<hbm>> -> memref<1x2048xi32, #tpu.memory_space<hbm>>
        %dma_start3A_52 = tpu.memref_squeeze %dma_start3A_51 : memref<1x2048xi32, #tpu.memory_space<hbm>> -> memref<2048xi32, #tpu.memory_space<hbm>>
        %dma_start3A_53 = arith.constant 0 : i32
        %dma_start3A_54 = tpu.memref_slice %arg3[%add3A_12, %dma_start3A_53] : memref<256x2048xi32, #tpu.memory_space<hbm>> -> memref<1x2048xi32, #tpu.memory_space<hbm>>
        %dma_start3A_55 = tpu.memref_squeeze %dma_start3A_54 : memref<1x2048xi32, #tpu.memory_space<hbm>> -> memref<2048xi32, #tpu.memory_space<hbm>>
        tpu.enqueue_dma source(%dma_start3A_55 : memref<2048xi32, #tpu.memory_space<hbm>>) target(%arg6 : memref<2048xi32, #tpu.memory_space<vmem>>) target_semaphore(%run_scoped3A : memref<!tpu.dma_semaphore, #tpu.memory_space<semaphore_mem>>)
        %dma_wait3A_56 = arith.constant 0 : i32
        %dma_wait3A_57 = tpu.memref_slice %arg3[%add3A_12, %dma_wait3A_56] : memref<256x2048xi32, #tpu.memory_space<hbm>> -> memref<1x2048xi32, #tpu.memory_space<hbm>>
        %dma_wait3A_58 = tpu.memref_squeeze %dma_wait3A_57 : memref<1x2048xi32, #tpu.memory_space<hbm>> -> memref<2048xi32, #tpu.memory_space<hbm>>
        %dma_wait3A_59 = arith.constant 0 : i32
        %dma_wait3A_60 = tpu.memref_slice %arg3[%add3A_12, %dma_wait3A_59] : memref<256x2048xi32, #tpu.memory_space<hbm>> -> memref<1x2048xi32, #tpu.memory_space<hbm>>
        %dma_wait3A_61 = tpu.memref_squeeze %dma_wait3A_60 : memref<1x2048xi32, #tpu.memory_space<hbm>> -> memref<2048xi32, #tpu.memory_space<hbm>>
        tpu.wait_dma2 semaphore(%run_scoped3A : memref<!tpu.dma_semaphore, #tpu.memory_space<semaphore_mem>>) src(%dma_wait3A_61 : memref<2048xi32, #tpu.memory_space<hbm>>) dst(%arg6 : memref<2048xi32, #tpu.memory_space<vmem>>)
        tpu.yield
      }) : () -> ()
      %scan3A_31 = arith.constant 0 : i32
      %scan3A_32 = arith.constant 128 : i32
      %scan3A_33 = arith.addi %scan3A_31, %scan3A_32 : i32
      %scan3A_34 = arith.constant 1 : i32
      scf.for %scan3A_50 = %scan3A_31 to %scan3A_33 step %scan3A_34  : i32 {
        %mul3A_51 = arith.constant 1 : i32
        %mul3A_52 = arith.muli %scan3A_50, %mul3A_51 : i32
        %add3A_53 = arith.constant 0 : i32
        %add3A_54 = arith.addi %add3A_53, %mul3A_52 : i32
        %mul3A_55 = arith.constant 16 : i32
        %mul3A_56 = arith.muli %add3A_54, %mul3A_55 : i32
        %get3A = arith.index_cast %mul3A_56 : i32 to index
        %get3A_57 = tpu.vector_load %arg6[%get3A] {strides = array<i32>} : memref<2048xi32, #tpu.memory_space<vmem>>, vector<16xi32>,
        %iota3A = tpu.iota {dimensions = array<i32: 0>} : vector<16xi32>
        %mul3A_58 = arith.constant 16 : i32
        %mul3A_59 = arith.muli %add3A_54, %mul3A_58 : i32
        %add3A_60 = vector.broadcast %mul3A_59 : i32 to vector<16xi32>
        %add3A_61 = arith.addi %iota3A, %add3A_60 : vector<16xi32>
        tpu.vector_store_idx %arg7[%get3A_57], %add3A_61 : memref<2048xi32, #tpu.memory_space<vmem>>[vector<16xi32>], vector<16xi32>,
        %add3A_62 = vector.broadcast %mul3A_30 : i32 to vector<16xi32>
        %add3A_63 = arith.addi %add3A_61, %add3A_62 : vector<16xi32>
        tpu.vector_store_idx %arg8[%get3A_57], %add3A_63 : memref<2048xi32, #tpu.memory_space<vmem>>[vector<16xi32>], vector<16xi32>,
      }
      %scan3A_35 = arith.constant 128 : i32
      "tpu.region"() ({
        %run_scoped3A = tpu.sem_alloc : memref<!tpu.dma_semaphore, #tpu.memory_space<semaphore_mem>>
        %dma_start3A_50 = arith.constant 0 : i32
        %dma_start3A_51 = tpu.memref_slice %arg5[%add3A_12, %dma_start3A_50] : memref<256x2048xi32, #tpu.memory_space<hbm>> -> memref<1x2048xi32, #tpu.memory_space<hbm>>
        %dma_start3A_52 = tpu.memref_squeeze %dma_start3A_51 : memref<1x2048xi32, #tpu.memory_space<hbm>> -> memref<2048xi32, #tpu.memory_space<hbm>>
        %dma_start3A_53 = arith.constant 0 : i32
        %dma_start3A_54 = tpu.memref_slice %arg5[%add3A_12, %dma_start3A_53] : memref<256x2048xi32, #tpu.memory_space<hbm>> -> memref<1x2048xi32, #tpu.memory_space<hbm>>
        %dma_start3A_55 = tpu.memref_squeeze %dma_start3A_54 : memref<1x2048xi32, #tpu.memory_space<hbm>> -> memref<2048xi32, #tpu.memory_space<hbm>>
        tpu.enqueue_dma source(%arg7 : memref<2048xi32, #tpu.memory_space<vmem>>) target(%dma_start3A_55 : memref<2048xi32, #tpu.memory_space<hbm>>) target_semaphore(%run_scoped3A : memref<!tpu.dma_semaphore, #tpu.memory_space<semaphore_mem>>)
        %dma_wait3A_56 = arith.constant 0 : i32
        %dma_wait3A_57 = tpu.memref_slice %arg5[%add3A_12, %dma_wait3A_56] : memref<256x2048xi32, #tpu.memory_space<hbm>> -> memref<1x2048xi32, #tpu.memory_space<hbm>>
        %dma_wait3A_58 = tpu.memref_squeeze %dma_wait3A_57 : memref<1x2048xi32, #tpu.memory_space<hbm>> -> memref<2048xi32, #tpu.memory_space<hbm>>
        %dma_wait3A_59 = arith.constant 0 : i32
        %dma_wait3A_60 = tpu.memref_slice %arg5[%add3A_12, %dma_wait3A_59] : memref<256x2048xi32, #tpu.memory_space<hbm>> -> memref<1x2048xi32, #tpu.memory_space<hbm>>
        %dma_wait3A_61 = tpu.memref_squeeze %dma_wait3A_60 : memref<1x2048xi32, #tpu.memory_space<hbm>> -> memref<2048xi32, #tpu.memory_space<hbm>>
        tpu.wait_dma2 semaphore(%run_scoped3A : memref<!tpu.dma_semaphore, #tpu.memory_space<semaphore_mem>>) src(%arg7 : memref<2048xi32, #tpu.memory_space<vmem>>) dst(%dma_wait3A_61 : memref<2048xi32, #tpu.memory_space<hbm>>)
        tpu.yield
      }) : () -> ()
      %mul3A_36 = arith.constant 2048 : i32
      %mul3A_37 = arith.muli %add3A_12, %mul3A_36 : i32
      %dma_start3A = arith.constant 0 : i32
      %dma_start3A_38 = tpu.memref_slice %arg8[%dma_start3A] : memref<2048xi32, #tpu.memory_space<vmem>> -> memref<128xi32, #tpu.memory_space<vmem>>
      %dma_start3A_39 = arith.constant 0 : i32
      %dma_start3A_40 = arith.constant 0 : i32
      %dma_start3A_41 = tpu.memref_slice %arg2[%dma_start3A_39, %dma_start3A_40] : memref<131072x128xf32, #tpu.memory_space<hbm>> -> memref<131072x128xf32, #tpu.memory_space<hbm>>
      tpu.enqueue_indirect_dma source(%dma_start3A_41 : memref<131072x128xf32, #tpu.memory_space<hbm>>) target(%arg9 : memref<128x128xf32, #tpu.memory_space<vmem>>) offsets(%dma_start3A_38 : memref<128xi32, #tpu.memory_space<vmem>>) semaphore(%arg11 : memref<!tpu.dma_semaphore, #tpu.memory_space<semaphore_mem>>)
      %scan3A_42 = arith.constant 0 : i32
      %scan3A_43 = arith.constant 8 : i32
      %scan3A_44 = arith.addi %scan3A_42, %scan3A_43 : i32
      %scan3A_45 = arith.constant 1 : i32
      scf.for %scan3A_50 = %scan3A_42 to %scan3A_44 step %scan3A_45  : i32 {
        %mul3A_51 = arith.constant 1 : i32
        %mul3A_52 = arith.muli %scan3A_50, %mul3A_51 : i32
        %add3A_53 = arith.constant 0 : i32
        %add3A_54 = arith.addi %add3A_53, %mul3A_52 : i32
        %mul3A_55 = arith.constant 2 : i32
        %mul3A_56 = arith.muli %add3A_54, %mul3A_55 : i32
        %dma_wait3A_57 = arith.constant 0 : i32
        %dma_wait3A_58 = tpu.memref_slice %arg8[%dma_wait3A_57] : memref<2048xi32, #tpu.memory_space<vmem>> -> memref<128xi32, #tpu.memory_space<vmem>>
        %dma_wait3A_59 = arith.constant 0 : i32
        %dma_wait3A_60 = arith.constant 0 : i32
        %dma_wait3A_61 = tpu.memref_slice %arg2[%dma_wait3A_59, %dma_wait3A_60] : memref<131072x128xf32, #tpu.memory_space<hbm>> -> memref<131072x128xf32, #tpu.memory_space<hbm>>
        tpu.wait_indirect_dma semaphore(%arg11 : memref<!tpu.dma_semaphore, #tpu.memory_space<semaphore_mem>>) src(%dma_wait3A_61 : memref<131072x128xf32, #tpu.memory_space<hbm>>) dst(%arg9 : memref<128x128xf32, #tpu.memory_space<vmem>>)
        %gt3A = arith.constant 0 : i32
        %gt3A_62 = arith.cmpi sgt, %add3A_54, %gt3A : i32
        %convert_element_type3A = arith.extui %gt3A_62 : i1 to i32
        %cond3A = arith.constant 0 : i32
        %cond3A_63 = arith.cmpi ne, %convert_element_type3A, %cond3A : i32
        scf.if %cond3A_63 {
          %dma_wait3A_101 = arith.constant 0 : i32
          %dma_wait3A_102 = tpu.memref_slice %arg4[%mul3A_37, %dma_wait3A_101] : memref<524288x128xf32, #tpu.memory_space<hbm>> -> memref<128x128xf32, #tpu.memory_space<hbm>>
          %dma_wait3A_103 = arith.constant 0 : i32
          %dma_wait3A_104 = tpu.memref_slice %arg4[%mul3A_37, %dma_wait3A_103] : memref<524288x128xf32, #tpu.memory_space<hbm>> -> memref<128x128xf32, #tpu.memory_space<hbm>>
          tpu.wait_dma2 semaphore(%arg14 : memref<!tpu.dma_semaphore, #tpu.memory_space<semaphore_mem>>) src(%arg10 : memref<128x128xf32, #tpu.memory_space<vmem>>) dst(%dma_wait3A_104 : memref<128x128xf32, #tpu.memory_space<hbm>>)
        } else {
        }
        %add3A_64 = arith.constant 1 : i32
        %add3A_65 = arith.addi %mul3A_56, %add3A_64 : i32
        %mul3A_66 = arith.constant 128 : i32
        %mul3A_67 = arith.muli %add3A_65, %mul3A_66 : i32
        %dma_start3A_68 = tpu.memref_slice %arg8[%mul3A_67] : memref<2048xi32, #tpu.memory_space<vmem>> -> memref<128xi32, #tpu.memory_space<vmem>>
        %dma_start3A_69 = arith.constant 0 : i32
        %dma_start3A_70 = arith.constant 0 : i32
        %dma_start3A_71 = tpu.memref_slice %arg2[%dma_start3A_69, %dma_start3A_70] : memref<131072x128xf32, #tpu.memory_space<hbm>> -> memref<131072x128xf32, #tpu.memory_space<hbm>>
        tpu.enqueue_indirect_dma source(%dma_start3A_71 : memref<131072x128xf32, #tpu.memory_space<hbm>>) target(%arg10 : memref<128x128xf32, #tpu.memory_space<vmem>>) offsets(%dma_start3A_68 : memref<128xi32, #tpu.memory_space<vmem>>) semaphore(%arg12 : memref<!tpu.dma_semaphore, #tpu.memory_space<semaphore_mem>>)
        %mul3A_72 = arith.constant 128 : i32
        %mul3A_73 = arith.muli %mul3A_56, %mul3A_72 : i32
        %add3A_74 = arith.addi %mul3A_37, %mul3A_73 : i32
        %dma_start3A_75 = arith.constant 0 : i32
        %dma_start3A_76 = tpu.memref_slice %arg4[%add3A_74, %dma_start3A_75] : memref<524288x128xf32, #tpu.memory_space<hbm>> -> memref<128x128xf32, #tpu.memory_space<hbm>>
        %dma_start3A_77 = arith.constant 0 : i32
        %dma_start3A_78 = tpu.memref_slice %arg4[%add3A_74, %dma_start3A_77] : memref<524288x128xf32, #tpu.memory_space<hbm>> -> memref<128x128xf32, #tpu.memory_space<hbm>>
        tpu.enqueue_dma source(%arg9 : memref<128x128xf32, #tpu.memory_space<vmem>>) target(%dma_start3A_78 : memref<128x128xf32, #tpu.memory_space<hbm>>) target_semaphore(%arg13 : memref<!tpu.dma_semaphore, #tpu.memory_space<semaphore_mem>>)
        %dma_wait3A_79 = arith.constant 0 : i32
        %dma_wait3A_80 = tpu.memref_slice %arg8[%dma_wait3A_79] : memref<2048xi32, #tpu.memory_space<vmem>> -> memref<128xi32, #tpu.memory_space<vmem>>
        %dma_wait3A_81 = arith.constant 0 : i32
        %dma_wait3A_82 = arith.constant 0 : i32
        %dma_wait3A_83 = tpu.memref_slice %arg2[%dma_wait3A_81, %dma_wait3A_82] : memref<131072x128xf32, #tpu.memory_space<hbm>> -> memref<131072x128xf32, #tpu.memory_space<hbm>>
        tpu.wait_indirect_dma semaphore(%arg12 : memref<!tpu.dma_semaphore, #tpu.memory_space<semaphore_mem>>) src(%dma_wait3A_83 : memref<131072x128xf32, #tpu.memory_space<hbm>>) dst(%arg10 : memref<128x128xf32, #tpu.memory_space<vmem>>)
        %dma_wait3A_84 = arith.constant 0 : i32
        %dma_wait3A_85 = tpu.memref_slice %arg4[%mul3A_37, %dma_wait3A_84] : memref<524288x128xf32, #tpu.memory_space<hbm>> -> memref<128x128xf32, #tpu.memory_space<hbm>>
        %dma_wait3A_86 = arith.constant 0 : i32
        %dma_wait3A_87 = tpu.memref_slice %arg4[%mul3A_37, %dma_wait3A_86] : memref<524288x128xf32, #tpu.memory_space<hbm>> -> memref<128x128xf32, #tpu.memory_space<hbm>>
        tpu.wait_dma2 semaphore(%arg13 : memref<!tpu.dma_semaphore, #tpu.memory_space<semaphore_mem>>) src(%arg9 : memref<128x128xf32, #tpu.memory_space<vmem>>) dst(%dma_wait3A_87 : memref<128x128xf32, #tpu.memory_space<hbm>>)
        %lt3A = arith.constant 7 : i32
        %lt3A_88 = arith.cmpi slt, %add3A_54, %lt3A : i32
        %convert_element_type3A_89 = arith.extui %lt3A_88 : i1 to i32
        %cond3A_90 = arith.constant 0 : i32
        %cond3A_91 = arith.cmpi ne, %convert_element_type3A_89, %cond3A_90 : i32
        scf.if %cond3A_91 {
          %add3A_101 = arith.constant 2 : i32
          %add3A_102 = arith.addi %mul3A_56, %add3A_101 : i32
          %mul3A_103 = arith.constant 128 : i32
          %mul3A_104 = arith.muli %add3A_102, %mul3A_103 : i32
          %dma_start3A_105 = tpu.memref_slice %arg8[%mul3A_104] : memref<2048xi32, #tpu.memory_space<vmem>> -> memref<128xi32, #tpu.memory_space<vmem>>
          %dma_start3A_106 = arith.constant 0 : i32
          %dma_start3A_107 = arith.constant 0 : i32
          %dma_start3A_108 = tpu.memref_slice %arg2[%dma_start3A_106, %dma_start3A_107] : memref<131072x128xf32, #tpu.memory_space<hbm>> -> memref<131072x128xf32, #tpu.memory_space<hbm>>
          tpu.enqueue_indirect_dma source(%dma_start3A_108 : memref<131072x128xf32, #tpu.memory_space<hbm>>) target(%arg9 : memref<128x128xf32, #tpu.memory_space<vmem>>) offsets(%dma_start3A_105 : memref<128xi32, #tpu.memory_space<vmem>>) semaphore(%arg11 : memref<!tpu.dma_semaphore, #tpu.memory_space<semaphore_mem>>)
        } else {
        }
        %add3A_92 = arith.constant 1 : i32
        %add3A_93 = arith.addi %mul3A_56, %add3A_92 : i32
        %mul3A_94 = arith.constant 128 : i32
        %mul3A_95 = arith.muli %add3A_93, %mul3A_94 : i32
        %add3A_96 = arith.addi %mul3A_37, %mul3A_95 : i32
        %dma_start3A_97 = arith.constant 0 : i32
        %dma_start3A_98 = tpu.memref_slice %arg4[%add3A_96, %dma_start3A_97] : memref<524288x128xf32, #tpu.memory_space<hbm>> -> memref<128x128xf32, #tpu.memory_space<hbm>>
        %dma_start3A_99 = arith.constant 0 : i32
        %dma_start3A_100 = tpu.memref_slice %arg4[%add3A_96, %dma_start3A_99] : memref<524288x128xf32, #tpu.memory_space<hbm>> -> memref<128x128xf32, #tpu.memory_space<hbm>>
        tpu.enqueue_dma source(%arg10 : memref<128x128xf32, #tpu.memory_space<vmem>>) target(%dma_start3A_100 : memref<128x128xf32, #tpu.memory_space<hbm>>) target_semaphore(%arg14 : memref<!tpu.dma_semaphore, #tpu.memory_space<semaphore_mem>>)
      }
      %scan3A_46 = arith.constant 8 : i32
      %dma_wait3A = arith.constant 0 : i32
      %dma_wait3A_47 = tpu.memref_slice %arg4[%mul3A_37, %dma_wait3A] : memref<524288x128xf32, #tpu.memory_space<hbm>> -> memref<128x128xf32, #tpu.memory_space<hbm>>
      %dma_wait3A_48 = arith.constant 0 : i32
      %dma_wait3A_49 = tpu.memref_slice %arg4[%mul3A_37, %dma_wait3A_48] : memref<524288x128xf32, #tpu.memory_space<hbm>> -> memref<128x128xf32, #tpu.memory_space<hbm>>
      tpu.wait_dma2 semaphore(%arg14 : memref<!tpu.dma_semaphore, #tpu.memory_space<semaphore_mem>>) src(%arg10 : memref<128x128xf32, #tpu.memory_space<vmem>>) dst(%dma_wait3A_49 : memref<128x128xf32, #tpu.memory_space<hbm>>)
    }
    %scan3A_4 = arith.constant 8 : i32
    return
  }
}

module attributes {stable_mosaic.version = 14 : i64} {
  func.func @_sortpos_body(%arg0: i32, %arg1: memref<1x2048x128xf32, #tpu.memory_space<vmem>>, %arg2: memref<64x64xf32, #tpu.memory_space<vmem>>, %arg3: memref<1x2048x4xi32, #tpu.memory_space<vmem>>) attributes {dimension_semantics = [#tpu.dimension_semantics<arbitrary>], iteration_bounds = array<i64: 64>, scalar_prefetch = 0 : i64, scratch_operands = 0 : i64, tpu.core_type = #tpu.core_type<tc>, window_params = [{transform_indices = @transform_0, window_bounds = array<i64: 1, 2048, 128>}, {pipeline_mode = #tpu.pipeline_mode<synchronous>, transform_indices = @transform_1, window_bounds = array<i64: 64, 64>}, {transform_indices = @transform_2, window_bounds = array<i64: 1, 2048, 4>}]} {
    %get3A = arith.constant 0 : index
    %get3A_0 = arith.constant 0 : index
    %get3A_1 = arith.constant 0 : index
    %get3A_2 = vector.load %arg1[%get3A, %get3A_0, %get3A_1] : memref<1x2048x128xf32, #tpu.memory_space<vmem>>, vector<1x2048x128xf32>
    %get3A_3 = vector.shape_cast %get3A_2 : vector<1x2048x128xf32> to vector<2048x128xf32>
    %slice3A = vector.extract_strided_slice %get3A_3 {offsets = [0, 0], sizes = [2048, 64], strides = [1, 1]} : vector<2048x128xf32> to vector<2048x64xf32>
    %get3A_4 = arith.constant 0 : index
    %get3A_5 = arith.constant 0 : index
    %get3A_6 = vector.load %arg2[%get3A_4, %get3A_5] : memref<64x64xf32, #tpu.memory_space<vmem>>, vector<64x64xf32>
    %dot_general3A = arith.constant dense<0.000000e+00> : vector<2048x64xf32>
    %dot_general3A_7 = tpu.matmul %slice3A, %get3A_6, %dot_general3A {dimension_numbers = #tpu.dot_dimension_numbers<[1], [0], [0], [1], [0, 0, 1, 1], [], []>, transpose_lhs_hint = false} : vector<2048x64xf32>, vector<64x64xf32>, vector<2048x64xf32> -> vector<2048x64xf32>
    %iota3A = tpu.iota {dimensions = array<i32: 1>} : vector<2048x32xi32>
    %iota3A_8 = tpu.iota {dimensions = array<i32: 1>} : vector<128x128xi32>
    %iota3A_9 = tpu.iota {dimensions = array<i32: 0>} : vector<128x128xi32>
    %lt3A = arith.cmpi slt, %iota3A_8, %iota3A_9 : vector<128x128xi32>
    %convert_element_type3A = arith.extui %lt3A : vector<128x128xi1> to vector<128x128xi32>
    %convert_element_type3A_10 = arith.sitofp %convert_element_type3A : vector<128x128xi32> to vector<128x128xf32>
    %iota3A_11 = tpu.iota {dimensions = array<i32: 1>} : vector<16x2048xi32>
    %jit3A = arith.constant 128 : i32
    %div3A = vector.broadcast %jit3A : i32 to vector<16x2048xi32>
    %div3A_12 = arith.divsi %iota3A_11, %div3A : vector<16x2048xi32>
    %sign3A = arith.constant 0 : i32
    %sign3A_13 = vector.broadcast %sign3A : i32 to vector<16x2048xi32>
    %sign3A_14 = arith.cmpi sgt, %iota3A_11, %sign3A_13 : vector<16x2048xi32>
    %sign3A_15 = arith.extui %sign3A_14 : vector<16x2048xi1> to vector<16x2048xi32>
    %sign3A_16 = arith.constant 0 : i32
    %sign3A_17 = vector.broadcast %sign3A_16 : i32 to vector<16x2048xi32>
    %sign3A_18 = arith.cmpi slt, %iota3A_11, %sign3A_17 : vector<16x2048xi32>
    %sign3A_19 = arith.extui %sign3A_18 : vector<16x2048xi1> to vector<16x2048xi32>
    %sign3A_20 = arith.subi %sign3A_15, %sign3A_19 : vector<16x2048xi32>
    %sign3A_21 = arith.constant 0 : i32
    %sign3A_22 = arith.cmpi sgt, %jit3A, %sign3A_21 : i32
    %sign3A_23 = arith.extui %sign3A_22 : i1 to i32
    %sign3A_24 = arith.constant 0 : i32
    %sign3A_25 = arith.cmpi slt, %jit3A, %sign3A_24 : i32
    %sign3A_26 = arith.extui %sign3A_25 : i1 to i32
    %sign3A_27 = arith.subi %sign3A_23, %sign3A_26 : i32
    %ne3A = vector.broadcast %sign3A_27 : i32 to vector<16x2048xi32>
    %ne3A_28 = arith.cmpi ne, %sign3A_20, %ne3A : vector<16x2048xi32>
    %rem3A = vector.broadcast %jit3A : i32 to vector<16x2048xi32>
    %rem3A_29 = arith.remsi %iota3A_11, %rem3A : vector<16x2048xi32>
    %ne3A_30 = arith.constant 0 : i32
    %ne3A_31 = vector.broadcast %ne3A_30 : i32 to vector<16x2048xi32>
    %ne3A_32 = arith.cmpi ne, %rem3A_29, %ne3A_31 : vector<16x2048xi32>
    %and3A = arith.andi %ne3A_28, %ne3A_32 : vector<16x2048xi1>
    %sub3A = arith.constant 1 : i32
    %sub3A_33 = vector.broadcast %sub3A : i32 to vector<16x2048xi32>
    %sub3A_34 = arith.subi %div3A_12, %sub3A_33 : vector<16x2048xi32>
    %select_n3A = arith.select %and3A, %sub3A_34, %div3A_12 : vector<16x2048xi1>, vector<16x2048xi32>
    %iota3A_35 = tpu.iota {dimensions = array<i32: 0>} : vector<16x2048xi32>
    %eq3A = arith.cmpi eq, %select_n3A, %iota3A_35 : vector<16x2048xi32>
    %convert_element_type3A_36 = arith.extui %eq3A : vector<16x2048xi1> to vector<16x2048xi32>
    %convert_element_type3A_37 = arith.sitofp %convert_element_type3A_36 : vector<16x2048xi32> to vector<16x2048xf32>
    %iota3A_38 = tpu.iota {dimensions = array<i32: 1>} : vector<16x16xi32>
    %iota3A_39 = tpu.iota {dimensions = array<i32: 0>} : vector<16x16xi32>
    %lt3A_40 = arith.cmpi slt, %iota3A_38, %iota3A_39 : vector<16x16xi32>
    %convert_element_type3A_41 = arith.extui %lt3A_40 : vector<16x16xi1> to vector<16x16xi32>
    %convert_element_type3A_42 = arith.sitofp %convert_element_type3A_41 : vector<16x16xi32> to vector<16x16xf32>
    %iota3A_43 = tpu.iota {dimensions = array<i32: 0>} : vector<32x32xi32>
    %iota3A_44 = tpu.iota {dimensions = array<i32: 1>} : vector<32x32xi32>
    %lt3A_45 = arith.cmpi slt, %iota3A_43, %iota3A_44 : vector<32x32xi32>
    %convert_element_type3A_46 = arith.extui %lt3A_45 : vector<32x32xi1> to vector<32x32xi32>
    %convert_element_type3A_47 = arith.sitofp %convert_element_type3A_46 : vector<32x32xi32> to vector<32x32xf32>
    %slice3A_48 = vector.extract_strided_slice %dot_general3A_7 {offsets = [0, 0], sizes = [2048, 16], strides = [1, 1]} : vector<2048x64xf32> to vector<2048x16xf32>
    %neg3A = arith.constant 0.000000e+00 : f32
    %neg3A_49 = vector.broadcast %neg3A : f32 to vector<2048x16xf32>
    %neg3A_50 = arith.subf %neg3A_49, %slice3A_48 : vector<2048x16xf32>
    %concatenate3A = tpu.concatenate %slice3A_48, %neg3A_50 in 1 : vector<2048x16xf32>, vector<2048x16xf32> -> vector<2048x32xf32>
    %reduce_max3A = arith.constant dense<0xFF800000> : vector<2048xf32>
    %reduce_max3A_51 = vector.multi_reduction <maximumf>, %concatenate3A, %reduce_max3A [1] : vector<2048x32xf32> to vector<2048xf32>
    %broadcast_in_dim3A = vector.shape_cast %reduce_max3A_51 : vector<2048xf32> to vector<2048x1xf32>
    %ge3A = vector.broadcast %broadcast_in_dim3A : vector<2048x1xf32> to vector<2048x32xf32>
    %ge3A_52 = arith.cmpf oge, %concatenate3A, %ge3A : vector<2048x32xf32>
    %jit3A_53 = arith.constant 64 : i32
    %broadcast_in_dim3A_54 = vector.broadcast %jit3A_53 : i32 to vector<2048x32xi32>
    %select_n3A_55 = arith.select %ge3A_52, %iota3A, %broadcast_in_dim3A_54 : vector<2048x32xi1>, vector<2048x32xi32>
    %reduce_min3A = arith.constant dense<2147483647> : vector<2048xi32>
    %reduce_min3A_56 = vector.multi_reduction <minsi>, %select_n3A_55, %reduce_min3A [1] : vector<2048x32xi32> to vector<2048xi32>
    %broadcast_in_dim3A_57 = vector.shape_cast %reduce_min3A_56 : vector<2048xi32> to vector<2048x1xi32>
    %eq3A_58 = vector.broadcast %broadcast_in_dim3A_57 : vector<2048x1xi32> to vector<2048x32xi32>
    %eq3A_59 = arith.cmpi eq, %iota3A, %eq3A_58 : vector<2048x32xi32>
    %convert_element_type3A_60 = arith.extui %eq3A_59 : vector<2048x32xi1> to vector<2048x32xi32>
    %convert_element_type3A_61 = arith.sitofp %convert_element_type3A_60 : vector<2048x32xi32> to vector<2048x32xf32>
    %dot_general3A_62 = arith.constant dense<0.000000e+00> : vector<16x32xf32>
    %dot_general3A_63 = tpu.matmul %convert_element_type3A_37, %convert_element_type3A_61, %dot_general3A_62 {dimension_numbers = #tpu.dot_dimension_numbers<[1], [0], [0], [1], [0, 0, 1, 1], [], []>, transpose_lhs_hint = false} : vector<16x2048xf32>, vector<2048x32xf32>, vector<16x32xf32> -> vector<16x32xf32>
    %dot_general3A_64 = arith.constant dense<0.000000e+00> : vector<16x32xf32>
    %dot_general3A_65 = tpu.matmul %convert_element_type3A_42, %dot_general3A_63, %dot_general3A_64 {dimension_numbers = #tpu.dot_dimension_numbers<[1], [0], [0], [1], [0, 0, 1, 1], [], []>, transpose_lhs_hint = false} : vector<16x16xf32>, vector<16x32xf32>, vector<16x32xf32> -> vector<16x32xf32>
    %reduce_sum3A = arith.constant dense<0.000000e+00> : vector<32xf32>
    %reduce_sum3A_66 = vector.multi_reduction <add>, %dot_general3A_63, %reduce_sum3A [0] : vector<16x32xf32> to vector<32xf32>
    %broadcast_in_dim3A_67 = vector.shape_cast %reduce_sum3A_66 : vector<32xf32> to vector<1x32xf32>
    %dot_general3A_68 = arith.constant dense<0.000000e+00> : vector<1x32xf32>
    %dot_general3A_69 = tpu.matmul %broadcast_in_dim3A_67, %convert_element_type3A_47, %dot_general3A_68 {dimension_numbers = #tpu.dot_dimension_numbers<[1], [0], [0], [1], [0, 0, 1, 1], [], []>, transpose_lhs_hint = false} : vector<1x32xf32>, vector<32x32xf32>, vector<1x32xf32> -> vector<1x32xf32>
    %slice3A_70 = vector.extract_strided_slice %convert_element_type3A_61 {offsets = [0, 0], sizes = [128, 32], strides = [1, 1]} : vector<2048x32xf32> to vector<128x32xf32>
    %dot_general3A_71 = arith.constant dense<0.000000e+00> : vector<128x32xf32>
    %dot_general3A_72 = tpu.matmul %convert_element_type3A_10, %slice3A_70, %dot_general3A_71 {dimension_numbers = #tpu.dot_dimension_numbers<[1], [0], [0], [1], [0, 0, 1, 1], [], []>, transpose_lhs_hint = false} : vector<128x128xf32>, vector<128x32xf32>, vector<128x32xf32> -> vector<128x32xf32>
    %slice3A_73 = vector.extract_strided_slice %dot_general3A_65 {offsets = [0, 0], sizes = [1, 32], strides = [1, 1]} : vector<16x32xf32> to vector<1x32xf32>
    %add3A = vector.broadcast %slice3A_73 : vector<1x32xf32> to vector<128x32xf32>
    %add3A_74 = arith.addf %dot_general3A_72, %add3A : vector<128x32xf32>
    %add3A_75 = vector.broadcast %dot_general3A_69 : vector<1x32xf32> to vector<128x32xf32>
    %add3A_76 = arith.addf %add3A_74, %add3A_75 : vector<128x32xf32>
    %mul3A = arith.mulf %add3A_76, %slice3A_70 : vector<128x32xf32>
    %reduce_sum3A_77 = arith.constant dense<0.000000e+00> : vector<128xf32>
    %reduce_sum3A_78 = vector.multi_reduction <add>, %mul3A, %reduce_sum3A_77 [1] : vector<128x32xf32> to vector<128xf32>
    %broadcast_in_dim3A_79 = vector.shape_cast %reduce_sum3A_78 : vector<128xf32> to vector<128x1xf32>
    %slice3A_80 = vector.extract_strided_slice %convert_element_type3A_61 {offsets = [128, 0], sizes = [128, 32], strides = [1, 1]} : vector<2048x32xf32> to vector<128x32xf32>
    %dot_general3A_81 = arith.constant dense<0.000000e+00> : vector<128x32xf32>
    %dot_general3A_82 = tpu.matmul %convert_element_type3A_10, %slice3A_80, %dot_general3A_81 {dimension_numbers = #tpu.dot_dimension_numbers<[1], [0], [0], [1], [0, 0, 1, 1], [], []>, transpose_lhs_hint = false} : vector<128x128xf32>, vector<128x32xf32>, vector<128x32xf32> -> vector<128x32xf32>
    %slice3A_83 = vector.extract_strided_slice %dot_general3A_65 {offsets = [1, 0], sizes = [1, 32], strides = [1, 1]} : vector<16x32xf32> to vector<1x32xf32>
    %add3A_84 = vector.broadcast %slice3A_83 : vector<1x32xf32> to vector<128x32xf32>
    %add3A_85 = arith.addf %dot_general3A_82, %add3A_84 : vector<128x32xf32>
    %add3A_86 = vector.broadcast %dot_general3A_69 : vector<1x32xf32> to vector<128x32xf32>
    %add3A_87 = arith.addf %add3A_85, %add3A_86 : vector<128x32xf32>
    %mul3A_88 = arith.mulf %add3A_87, %slice3A_80 : vector<128x32xf32>
    %reduce_sum3A_89 = arith.constant dense<0.000000e+00> : vector<128xf32>
    %reduce_sum3A_90 = vector.multi_reduction <add>, %mul3A_88, %reduce_sum3A_89 [1] : vector<128x32xf32> to vector<128xf32>
    %broadcast_in_dim3A_91 = vector.shape_cast %reduce_sum3A_90 : vector<128xf32> to vector<128x1xf32>
    %slice3A_92 = vector.extract_strided_slice %convert_element_type3A_61 {offsets = [256, 0], sizes = [128, 32], strides = [1, 1]} : vector<2048x32xf32> to vector<128x32xf32>
    %dot_general3A_93 = arith.constant dense<0.000000e+00> : vector<128x32xf32>
    %dot_general3A_94 = tpu.matmul %convert_element_type3A_10, %slice3A_92, %dot_general3A_93 {dimension_numbers = #tpu.dot_dimension_numbers<[1], [0], [0], [1], [0, 0, 1, 1], [], []>, transpose_lhs_hint = false} : vector<128x128xf32>, vector<128x32xf32>, vector<128x32xf32> -> vector<128x32xf32>
    %slice3A_95 = vector.extract_strided_slice %dot_general3A_65 {offsets = [2, 0], sizes = [1, 32], strides = [1, 1]} : vector<16x32xf32> to vector<1x32xf32>
    %add3A_96 = vector.broadcast %slice3A_95 : vector<1x32xf32> to vector<128x32xf32>
    %add3A_97 = arith.addf %dot_general3A_94, %add3A_96 : vector<128x32xf32>
    %add3A_98 = vector.broadcast %dot_general3A_69 : vector<1x32xf32> to vector<128x32xf32>
    %add3A_99 = arith.addf %add3A_97, %add3A_98 : vector<128x32xf32>
    %mul3A_100 = arith.mulf %add3A_99, %slice3A_92 : vector<128x32xf32>
    %reduce_sum3A_101 = arith.constant dense<0.000000e+00> : vector<128xf32>
    %reduce_sum3A_102 = vector.multi_reduction <add>, %mul3A_100, %reduce_sum3A_101 [1] : vector<128x32xf32> to vector<128xf32>
    %broadcast_in_dim3A_103 = vector.shape_cast %reduce_sum3A_102 : vector<128xf32> to vector<128x1xf32>
    %slice3A_104 = vector.extract_strided_slice %convert_element_type3A_61 {offsets = [384, 0], sizes = [128, 32], strides = [1, 1]} : vector<2048x32xf32> to vector<128x32xf32>
    %dot_general3A_105 = arith.constant dense<0.000000e+00> : vector<128x32xf32>
    %dot_general3A_106 = tpu.matmul %convert_element_type3A_10, %slice3A_104, %dot_general3A_105 {dimension_numbers = #tpu.dot_dimension_numbers<[1], [0], [0], [1], [0, 0, 1, 1], [], []>, transpose_lhs_hint = false} : vector<128x128xf32>, vector<128x32xf32>, vector<128x32xf32> -> vector<128x32xf32>
    %slice3A_107 = vector.extract_strided_slice %dot_general3A_65 {offsets = [3, 0], sizes = [1, 32], strides = [1, 1]} : vector<16x32xf32> to vector<1x32xf32>
    %add3A_108 = vector.broadcast %slice3A_107 : vector<1x32xf32> to vector<128x32xf32>
    %add3A_109 = arith.addf %dot_general3A_106, %add3A_108 : vector<128x32xf32>
    %add3A_110 = vector.broadcast %dot_general3A_69 : vector<1x32xf32> to vector<128x32xf32>
    %add3A_111 = arith.addf %add3A_109, %add3A_110 : vector<128x32xf32>
    %mul3A_112 = arith.mulf %add3A_111, %slice3A_104 : vector<128x32xf32>
    %reduce_sum3A_113 = arith.constant dense<0.000000e+00> : vector<128xf32>
    %reduce_sum3A_114 = vector.multi_reduction <add>, %mul3A_112, %reduce_sum3A_113 [1] : vector<128x32xf32> to vector<128xf32>
    %broadcast_in_dim3A_115 = vector.shape_cast %reduce_sum3A_114 : vector<128xf32> to vector<128x1xf32>
    %slice3A_116 = vector.extract_strided_slice %convert_element_type3A_61 {offsets = [512, 0], sizes = [128, 32], strides = [1, 1]} : vector<2048x32xf32> to vector<128x32xf32>
    %dot_general3A_117 = arith.constant dense<0.000000e+00> : vector<128x32xf32>
    %dot_general3A_118 = tpu.matmul %convert_element_type3A_10, %slice3A_116, %dot_general3A_117 {dimension_numbers = #tpu.dot_dimension_numbers<[1], [0], [0], [1], [0, 0, 1, 1], [], []>, transpose_lhs_hint = false} : vector<128x128xf32>, vector<128x32xf32>, vector<128x32xf32> -> vector<128x32xf32>
    %slice3A_119 = vector.extract_strided_slice %dot_general3A_65 {offsets = [4, 0], sizes = [1, 32], strides = [1, 1]} : vector<16x32xf32> to vector<1x32xf32>
    %add3A_120 = vector.broadcast %slice3A_119 : vector<1x32xf32> to vector<128x32xf32>
    %add3A_121 = arith.addf %dot_general3A_118, %add3A_120 : vector<128x32xf32>
    %add3A_122 = vector.broadcast %dot_general3A_69 : vector<1x32xf32> to vector<128x32xf32>
    %add3A_123 = arith.addf %add3A_121, %add3A_122 : vector<128x32xf32>
    %mul3A_124 = arith.mulf %add3A_123, %slice3A_116 : vector<128x32xf32>
    %reduce_sum3A_125 = arith.constant dense<0.000000e+00> : vector<128xf32>
    %reduce_sum3A_126 = vector.multi_reduction <add>, %mul3A_124, %reduce_sum3A_125 [1] : vector<128x32xf32> to vector<128xf32>
    %broadcast_in_dim3A_127 = vector.shape_cast %reduce_sum3A_126 : vector<128xf32> to vector<128x1xf32>
    %slice3A_128 = vector.extract_strided_slice %convert_element_type3A_61 {offsets = [640, 0], sizes = [128, 32], strides = [1, 1]} : vector<2048x32xf32> to vector<128x32xf32>
    %dot_general3A_129 = arith.constant dense<0.000000e+00> : vector<128x32xf32>
    %dot_general3A_130 = tpu.matmul %convert_element_type3A_10, %slice3A_128, %dot_general3A_129 {dimension_numbers = #tpu.dot_dimension_numbers<[1], [0], [0], [1], [0, 0, 1, 1], [], []>, transpose_lhs_hint = false} : vector<128x128xf32>, vector<128x32xf32>, vector<128x32xf32> -> vector<128x32xf32>
    %slice3A_131 = vector.extract_strided_slice %dot_general3A_65 {offsets = [5, 0], sizes = [1, 32], strides = [1, 1]} : vector<16x32xf32> to vector<1x32xf32>
    %add3A_132 = vector.broadcast %slice3A_131 : vector<1x32xf32> to vector<128x32xf32>
    %add3A_133 = arith.addf %dot_general3A_130, %add3A_132 : vector<128x32xf32>
    %add3A_134 = vector.broadcast %dot_general3A_69 : vector<1x32xf32> to vector<128x32xf32>
    %add3A_135 = arith.addf %add3A_133, %add3A_134 : vector<128x32xf32>
    %mul3A_136 = arith.mulf %add3A_135, %slice3A_128 : vector<128x32xf32>
    %reduce_sum3A_137 = arith.constant dense<0.000000e+00> : vector<128xf32>
    %reduce_sum3A_138 = vector.multi_reduction <add>, %mul3A_136, %reduce_sum3A_137 [1] : vector<128x32xf32> to vector<128xf32>
    %broadcast_in_dim3A_139 = vector.shape_cast %reduce_sum3A_138 : vector<128xf32> to vector<128x1xf32>
    %slice3A_140 = vector.extract_strided_slice %convert_element_type3A_61 {offsets = [768, 0], sizes = [128, 32], strides = [1, 1]} : vector<2048x32xf32> to vector<128x32xf32>
    %dot_general3A_141 = arith.constant dense<0.000000e+00> : vector<128x32xf32>
    %dot_general3A_142 = tpu.matmul %convert_element_type3A_10, %slice3A_140, %dot_general3A_141 {dimension_numbers = #tpu.dot_dimension_numbers<[1], [0], [0], [1], [0, 0, 1, 1], [], []>, transpose_lhs_hint = false} : vector<128x128xf32>, vector<128x32xf32>, vector<128x32xf32> -> vector<128x32xf32>
    %slice3A_143 = vector.extract_strided_slice %dot_general3A_65 {offsets = [6, 0], sizes = [1, 32], strides = [1, 1]} : vector<16x32xf32> to vector<1x32xf32>
    %add3A_144 = vector.broadcast %slice3A_143 : vector<1x32xf32> to vector<128x32xf32>
    %add3A_145 = arith.addf %dot_general3A_142, %add3A_144 : vector<128x32xf32>
    %add3A_146 = vector.broadcast %dot_general3A_69 : vector<1x32xf32> to vector<128x32xf32>
    %add3A_147 = arith.addf %add3A_145, %add3A_146 : vector<128x32xf32>
    %mul3A_148 = arith.mulf %add3A_147, %slice3A_140 : vector<128x32xf32>
    %reduce_sum3A_149 = arith.constant dense<0.000000e+00> : vector<128xf32>
    %reduce_sum3A_150 = vector.multi_reduction <add>, %mul3A_148, %reduce_sum3A_149 [1] : vector<128x32xf32> to vector<128xf32>
    %broadcast_in_dim3A_151 = vector.shape_cast %reduce_sum3A_150 : vector<128xf32> to vector<128x1xf32>
    %slice3A_152 = vector.extract_strided_slice %convert_element_type3A_61 {offsets = [896, 0], sizes = [128, 32], strides = [1, 1]} : vector<2048x32xf32> to vector<128x32xf32>
    %dot_general3A_153 = arith.constant dense<0.000000e+00> : vector<128x32xf32>
    %dot_general3A_154 = tpu.matmul %convert_element_type3A_10, %slice3A_152, %dot_general3A_153 {dimension_numbers = #tpu.dot_dimension_numbers<[1], [0], [0], [1], [0, 0, 1, 1], [], []>, transpose_lhs_hint = false} : vector<128x128xf32>, vector<128x32xf32>, vector<128x32xf32> -> vector<128x32xf32>
    %slice3A_155 = vector.extract_strided_slice %dot_general3A_65 {offsets = [7, 0], sizes = [1, 32], strides = [1, 1]} : vector<16x32xf32> to vector<1x32xf32>
    %add3A_156 = vector.broadcast %slice3A_155 : vector<1x32xf32> to vector<128x32xf32>
    %add3A_157 = arith.addf %dot_general3A_154, %add3A_156 : vector<128x32xf32>
    %add3A_158 = vector.broadcast %dot_general3A_69 : vector<1x32xf32> to vector<128x32xf32>
    %add3A_159 = arith.addf %add3A_157, %add3A_158 : vector<128x32xf32>
    %mul3A_160 = arith.mulf %add3A_159, %slice3A_152 : vector<128x32xf32>
    %reduce_sum3A_161 = arith.constant dense<0.000000e+00> : vector<128xf32>
    %reduce_sum3A_162 = vector.multi_reduction <add>, %mul3A_160, %reduce_sum3A_161 [1] : vector<128x32xf32> to vector<128xf32>
    %broadcast_in_dim3A_163 = vector.shape_cast %reduce_sum3A_162 : vector<128xf32> to vector<128x1xf32>
    %slice3A_164 = vector.extract_strided_slice %convert_element_type3A_61 {offsets = [1024, 0], sizes = [128, 32], strides = [1, 1]} : vector<2048x32xf32> to vector<128x32xf32>
    %dot_general3A_165 = arith.constant dense<0.000000e+00> : vector<128x32xf32>
    %dot_general3A_166 = tpu.matmul %convert_element_type3A_10, %slice3A_164, %dot_general3A_165 {dimension_numbers = #tpu.dot_dimension_numbers<[1], [0], [0], [1], [0, 0, 1, 1], [], []>, transpose_lhs_hint = false} : vector<128x128xf32>, vector<128x32xf32>, vector<128x32xf32> -> vector<128x32xf32>
    %slice3A_167 = vector.extract_strided_slice %dot_general3A_65 {offsets = [8, 0], sizes = [1, 32], strides = [1, 1]} : vector<16x32xf32> to vector<1x32xf32>
    %add3A_168 = vector.broadcast %slice3A_167 : vector<1x32xf32> to vector<128x32xf32>
    %add3A_169 = arith.addf %dot_general3A_166, %add3A_168 : vector<128x32xf32>
    %add3A_170 = vector.broadcast %dot_general3A_69 : vector<1x32xf32> to vector<128x32xf32>
    %add3A_171 = arith.addf %add3A_169, %add3A_170 : vector<128x32xf32>
    %mul3A_172 = arith.mulf %add3A_171, %slice3A_164 : vector<128x32xf32>
    %reduce_sum3A_173 = arith.constant dense<0.000000e+00> : vector<128xf32>
    %reduce_sum3A_174 = vector.multi_reduction <add>, %mul3A_172, %reduce_sum3A_173 [1] : vector<128x32xf32> to vector<128xf32>
    %broadcast_in_dim3A_175 = vector.shape_cast %reduce_sum3A_174 : vector<128xf32> to vector<128x1xf32>
    %slice3A_176 = vector.extract_strided_slice %convert_element_type3A_61 {offsets = [1152, 0], sizes = [128, 32], strides = [1, 1]} : vector<2048x32xf32> to vector<128x32xf32>
    %dot_general3A_177 = arith.constant dense<0.000000e+00> : vector<128x32xf32>
    %dot_general3A_178 = tpu.matmul %convert_element_type3A_10, %slice3A_176, %dot_general3A_177 {dimension_numbers = #tpu.dot_dimension_numbers<[1], [0], [0], [1], [0, 0, 1, 1], [], []>, transpose_lhs_hint = false} : vector<128x128xf32>, vector<128x32xf32>, vector<128x32xf32> -> vector<128x32xf32>
    %slice3A_179 = vector.extract_strided_slice %dot_general3A_65 {offsets = [9, 0], sizes = [1, 32], strides = [1, 1]} : vector<16x32xf32> to vector<1x32xf32>
    %add3A_180 = vector.broadcast %slice3A_179 : vector<1x32xf32> to vector<128x32xf32>
    %add3A_181 = arith.addf %dot_general3A_178, %add3A_180 : vector<128x32xf32>
    %add3A_182 = vector.broadcast %dot_general3A_69 : vector<1x32xf32> to vector<128x32xf32>
    %add3A_183 = arith.addf %add3A_181, %add3A_182 : vector<128x32xf32>
    %mul3A_184 = arith.mulf %add3A_183, %slice3A_176 : vector<128x32xf32>
    %reduce_sum3A_185 = arith.constant dense<0.000000e+00> : vector<128xf32>
    %reduce_sum3A_186 = vector.multi_reduction <add>, %mul3A_184, %reduce_sum3A_185 [1] : vector<128x32xf32> to vector<128xf32>
    %broadcast_in_dim3A_187 = vector.shape_cast %reduce_sum3A_186 : vector<128xf32> to vector<128x1xf32>
    %slice3A_188 = vector.extract_strided_slice %convert_element_type3A_61 {offsets = [1280, 0], sizes = [128, 32], strides = [1, 1]} : vector<2048x32xf32> to vector<128x32xf32>
    %dot_general3A_189 = arith.constant dense<0.000000e+00> : vector<128x32xf32>
    %dot_general3A_190 = tpu.matmul %convert_element_type3A_10, %slice3A_188, %dot_general3A_189 {dimension_numbers = #tpu.dot_dimension_numbers<[1], [0], [0], [1], [0, 0, 1, 1], [], []>, transpose_lhs_hint = false} : vector<128x128xf32>, vector<128x32xf32>, vector<128x32xf32> -> vector<128x32xf32>
    %slice3A_191 = vector.extract_strided_slice %dot_general3A_65 {offsets = [10, 0], sizes = [1, 32], strides = [1, 1]} : vector<16x32xf32> to vector<1x32xf32>
    %add3A_192 = vector.broadcast %slice3A_191 : vector<1x32xf32> to vector<128x32xf32>
    %add3A_193 = arith.addf %dot_general3A_190, %add3A_192 : vector<128x32xf32>
    %add3A_194 = vector.broadcast %dot_general3A_69 : vector<1x32xf32> to vector<128x32xf32>
    %add3A_195 = arith.addf %add3A_193, %add3A_194 : vector<128x32xf32>
    %mul3A_196 = arith.mulf %add3A_195, %slice3A_188 : vector<128x32xf32>
    %reduce_sum3A_197 = arith.constant dense<0.000000e+00> : vector<128xf32>
    %reduce_sum3A_198 = vector.multi_reduction <add>, %mul3A_196, %reduce_sum3A_197 [1] : vector<128x32xf32> to vector<128xf32>
    %broadcast_in_dim3A_199 = vector.shape_cast %reduce_sum3A_198 : vector<128xf32> to vector<128x1xf32>
    %slice3A_200 = vector.extract_strided_slice %convert_element_type3A_61 {offsets = [1408, 0], sizes = [128, 32], strides = [1, 1]} : vector<2048x32xf32> to vector<128x32xf32>
    %dot_general3A_201 = arith.constant dense<0.000000e+00> : vector<128x32xf32>
    %dot_general3A_202 = tpu.matmul %convert_element_type3A_10, %slice3A_200, %dot_general3A_201 {dimension_numbers = #tpu.dot_dimension_numbers<[1], [0], [0], [1], [0, 0, 1, 1], [], []>, transpose_lhs_hint = false} : vector<128x128xf32>, vector<128x32xf32>, vector<128x32xf32> -> vector<128x32xf32>
    %slice3A_203 = vector.extract_strided_slice %dot_general3A_65 {offsets = [11, 0], sizes = [1, 32], strides = [1, 1]} : vector<16x32xf32> to vector<1x32xf32>
    %add3A_204 = vector.broadcast %slice3A_203 : vector<1x32xf32> to vector<128x32xf32>
    %add3A_205 = arith.addf %dot_general3A_202, %add3A_204 : vector<128x32xf32>
    %add3A_206 = vector.broadcast %dot_general3A_69 : vector<1x32xf32> to vector<128x32xf32>
    %add3A_207 = arith.addf %add3A_205, %add3A_206 : vector<128x32xf32>
    %mul3A_208 = arith.mulf %add3A_207, %slice3A_200 : vector<128x32xf32>
    %reduce_sum3A_209 = arith.constant dense<0.000000e+00> : vector<128xf32>
    %reduce_sum3A_210 = vector.multi_reduction <add>, %mul3A_208, %reduce_sum3A_209 [1] : vector<128x32xf32> to vector<128xf32>
    %broadcast_in_dim3A_211 = vector.shape_cast %reduce_sum3A_210 : vector<128xf32> to vector<128x1xf32>
    %slice3A_212 = vector.extract_strided_slice %convert_element_type3A_61 {offsets = [1536, 0], sizes = [128, 32], strides = [1, 1]} : vector<2048x32xf32> to vector<128x32xf32>
    %dot_general3A_213 = arith.constant dense<0.000000e+00> : vector<128x32xf32>
    %dot_general3A_214 = tpu.matmul %convert_element_type3A_10, %slice3A_212, %dot_general3A_213 {dimension_numbers = #tpu.dot_dimension_numbers<[1], [0], [0], [1], [0, 0, 1, 1], [], []>, transpose_lhs_hint = false} : vector<128x128xf32>, vector<128x32xf32>, vector<128x32xf32> -> vector<128x32xf32>
    %slice3A_215 = vector.extract_strided_slice %dot_general3A_65 {offsets = [12, 0], sizes = [1, 32], strides = [1, 1]} : vector<16x32xf32> to vector<1x32xf32>
    %add3A_216 = vector.broadcast %slice3A_215 : vector<1x32xf32> to vector<128x32xf32>
    %add3A_217 = arith.addf %dot_general3A_214, %add3A_216 : vector<128x32xf32>
    %add3A_218 = vector.broadcast %dot_general3A_69 : vector<1x32xf32> to vector<128x32xf32>
    %add3A_219 = arith.addf %add3A_217, %add3A_218 : vector<128x32xf32>
    %mul3A_220 = arith.mulf %add3A_219, %slice3A_212 : vector<128x32xf32>
    %reduce_sum3A_221 = arith.constant dense<0.000000e+00> : vector<128xf32>
    %reduce_sum3A_222 = vector.multi_reduction <add>, %mul3A_220, %reduce_sum3A_221 [1] : vector<128x32xf32> to vector<128xf32>
    %broadcast_in_dim3A_223 = vector.shape_cast %reduce_sum3A_222 : vector<128xf32> to vector<128x1xf32>
    %slice3A_224 = vector.extract_strided_slice %convert_element_type3A_61 {offsets = [1664, 0], sizes = [128, 32], strides = [1, 1]} : vector<2048x32xf32> to vector<128x32xf32>
    %dot_general3A_225 = arith.constant dense<0.000000e+00> : vector<128x32xf32>
    %dot_general3A_226 = tpu.matmul %convert_element_type3A_10, %slice3A_224, %dot_general3A_225 {dimension_numbers = #tpu.dot_dimension_numbers<[1], [0], [0], [1], [0, 0, 1, 1], [], []>, transpose_lhs_hint = false} : vector<128x128xf32>, vector<128x32xf32>, vector<128x32xf32> -> vector<128x32xf32>
    %slice3A_227 = vector.extract_strided_slice %dot_general3A_65 {offsets = [13, 0], sizes = [1, 32], strides = [1, 1]} : vector<16x32xf32> to vector<1x32xf32>
    %add3A_228 = vector.broadcast %slice3A_227 : vector<1x32xf32> to vector<128x32xf32>
    %add3A_229 = arith.addf %dot_general3A_226, %add3A_228 : vector<128x32xf32>
    %add3A_230 = vector.broadcast %dot_general3A_69 : vector<1x32xf32> to vector<128x32xf32>
    %add3A_231 = arith.addf %add3A_229, %add3A_230 : vector<128x32xf32>
    %mul3A_232 = arith.mulf %add3A_231, %slice3A_224 : vector<128x32xf32>
    %reduce_sum3A_233 = arith.constant dense<0.000000e+00> : vector<128xf32>
    %reduce_sum3A_234 = vector.multi_reduction <add>, %mul3A_232, %reduce_sum3A_233 [1] : vector<128x32xf32> to vector<128xf32>
    %broadcast_in_dim3A_235 = vector.shape_cast %reduce_sum3A_234 : vector<128xf32> to vector<128x1xf32>
    %slice3A_236 = vector.extract_strided_slice %convert_element_type3A_61 {offsets = [1792, 0], sizes = [128, 32], strides = [1, 1]} : vector<2048x32xf32> to vector<128x32xf32>
    %dot_general3A_237 = arith.constant dense<0.000000e+00> : vector<128x32xf32>
    %dot_general3A_238 = tpu.matmul %convert_element_type3A_10, %slice3A_236, %dot_general3A_237 {dimension_numbers = #tpu.dot_dimension_numbers<[1], [0], [0], [1], [0, 0, 1, 1], [], []>, transpose_lhs_hint = false} : vector<128x128xf32>, vector<128x32xf32>, vector<128x32xf32> -> vector<128x32xf32>
    %slice3A_239 = vector.extract_strided_slice %dot_general3A_65 {offsets = [14, 0], sizes = [1, 32], strides = [1, 1]} : vector<16x32xf32> to vector<1x32xf32>
    %add3A_240 = vector.broadcast %slice3A_239 : vector<1x32xf32> to vector<128x32xf32>
    %add3A_241 = arith.addf %dot_general3A_238, %add3A_240 : vector<128x32xf32>
    %add3A_242 = vector.broadcast %dot_general3A_69 : vector<1x32xf32> to vector<128x32xf32>
    %add3A_243 = arith.addf %add3A_241, %add3A_242 : vector<128x32xf32>
    %mul3A_244 = arith.mulf %add3A_243, %slice3A_236 : vector<128x32xf32>
    %reduce_sum3A_245 = arith.constant dense<0.000000e+00> : vector<128xf32>
    %reduce_sum3A_246 = vector.multi_reduction <add>, %mul3A_244, %reduce_sum3A_245 [1] : vector<128x32xf32> to vector<128xf32>
    %broadcast_in_dim3A_247 = vector.shape_cast %reduce_sum3A_246 : vector<128xf32> to vector<128x1xf32>
    %slice3A_248 = vector.extract_strided_slice %convert_element_type3A_61 {offsets = [1920, 0], sizes = [128, 32], strides = [1, 1]} : vector<2048x32xf32> to vector<128x32xf32>
    %dot_general3A_249 = arith.constant dense<0.000000e+00> : vector<128x32xf32>
    %dot_general3A_250 = tpu.matmul %convert_element_type3A_10, %slice3A_248, %dot_general3A_249 {dimension_numbers = #tpu.dot_dimension_numbers<[1], [0], [0], [1], [0, 0, 1, 1], [], []>, transpose_lhs_hint = false} : vector<128x128xf32>, vector<128x32xf32>, vector<128x32xf32> -> vector<128x32xf32>
    %slice3A_251 = vector.extract_strided_slice %dot_general3A_65 {offsets = [15, 0], sizes = [1, 32], strides = [1, 1]} : vector<16x32xf32> to vector<1x32xf32>
    %add3A_252 = vector.broadcast %slice3A_251 : vector<1x32xf32> to vector<128x32xf32>
    %add3A_253 = arith.addf %dot_general3A_250, %add3A_252 : vector<128x32xf32>
    %add3A_254 = vector.broadcast %dot_general3A_69 : vector<1x32xf32> to vector<128x32xf32>
    %add3A_255 = arith.addf %add3A_253, %add3A_254 : vector<128x32xf32>
    %mul3A_256 = arith.mulf %add3A_255, %slice3A_248 : vector<128x32xf32>
    %reduce_sum3A_257 = arith.constant dense<0.000000e+00> : vector<128xf32>
    %reduce_sum3A_258 = vector.multi_reduction <add>, %mul3A_256, %reduce_sum3A_257 [1] : vector<128x32xf32> to vector<128xf32>
    %broadcast_in_dim3A_259 = vector.shape_cast %reduce_sum3A_258 : vector<128xf32> to vector<128x1xf32>
    %concatenate3A_260 = tpu.concatenate %broadcast_in_dim3A_79, %broadcast_in_dim3A_91, %broadcast_in_dim3A_103, %broadcast_in_dim3A_115, %broadcast_in_dim3A_127, %broadcast_in_dim3A_139, %broadcast_in_dim3A_151, %broadcast_in_dim3A_163, %broadcast_in_dim3A_175, %broadcast_in_dim3A_187, %broadcast_in_dim3A_199, %broadcast_in_dim3A_211, %broadcast_in_dim3A_223, %broadcast_in_dim3A_235, %broadcast_in_dim3A_247, %broadcast_in_dim3A_259 in 0 : vector<128x1xf32>, vector<128x1xf32>, vector<128x1xf32>, vector<128x1xf32>, vector<128x1xf32>, vector<128x1xf32>, vector<128x1xf32>, vector<128x1xf32>, vector<128x1xf32>, vector<128x1xf32>, vector<128x1xf32>, vector<128x1xf32>, vector<128x1xf32>, vector<128x1xf32>, vector<128x1xf32>, vector<128x1xf32> -> vector<2048x1xf32>
    %slice3A_261 = vector.extract_strided_slice %dot_general3A_7 {offsets = [0, 16], sizes = [2048, 16], strides = [1, 1]} : vector<2048x64xf32> to vector<2048x16xf32>
    %neg3A_262 = arith.constant 0.000000e+00 : f32
    %neg3A_263 = vector.broadcast %neg3A_262 : f32 to vector<2048x16xf32>
    %neg3A_264 = arith.subf %neg3A_263, %slice3A_261 : vector<2048x16xf32>
    %concatenate3A_265 = tpu.concatenate %slice3A_261, %neg3A_264 in 1 : vector<2048x16xf32>, vector<2048x16xf32> -> vector<2048x32xf32>
    %reduce_max3A_266 = arith.constant dense<0xFF800000> : vector<2048xf32>
    %reduce_max3A_267 = vector.multi_reduction <maximumf>, %concatenate3A_265, %reduce_max3A_266 [1] : vector<2048x32xf32> to vector<2048xf32>
    %broadcast_in_dim3A_268 = vector.shape_cast %reduce_max3A_267 : vector<2048xf32> to vector<2048x1xf32>
    %ge3A_269 = vector.broadcast %broadcast_in_dim3A_268 : vector<2048x1xf32> to vector<2048x32xf32>
    %ge3A_270 = arith.cmpf oge, %concatenate3A_265, %ge3A_269 : vector<2048x32xf32>
    %jit3A_271 = arith.constant 64 : i32
    %broadcast_in_dim3A_272 = vector.broadcast %jit3A_271 : i32 to vector<2048x32xi32>
    %select_n3A_273 = arith.select %ge3A_270, %iota3A, %broadcast_in_dim3A_272 : vector<2048x32xi1>, vector<2048x32xi32>
    %reduce_min3A_274 = arith.constant dense<2147483647> : vector<2048xi32>
    %reduce_min3A_275 = vector.multi_reduction <minsi>, %select_n3A_273, %reduce_min3A_274 [1] : vector<2048x32xi32> to vector<2048xi32>
    %broadcast_in_dim3A_276 = vector.shape_cast %reduce_min3A_275 : vector<2048xi32> to vector<2048x1xi32>
    %eq3A_277 = vector.broadcast %broadcast_in_dim3A_276 : vector<2048x1xi32> to vector<2048x32xi32>
    %eq3A_278 = arith.cmpi eq, %iota3A, %eq3A_277 : vector<2048x32xi32>
    %convert_element_type3A_279 = arith.extui %eq3A_278 : vector<2048x32xi1> to vector<2048x32xi32>
    %convert_element_type3A_280 = arith.sitofp %convert_element_type3A_279 : vector<2048x32xi32> to vector<2048x32xf32>
    %dot_general3A_281 = arith.constant dense<0.000000e+00> : vector<16x32xf32>
    %dot_general3A_282 = tpu.matmul %convert_element_type3A_37, %convert_element_type3A_280, %dot_general3A_281 {dimension_numbers = #tpu.dot_dimension_numbers<[1], [0], [0], [1], [0, 0, 1, 1], [], []>, transpose_lhs_hint = false} : vector<16x2048xf32>, vector<2048x32xf32>, vector<16x32xf32> -> vector<16x32xf32>
    %dot_general3A_283 = arith.constant dense<0.000000e+00> : vector<16x32xf32>
    %dot_general3A_284 = tpu.matmul %convert_element_type3A_42, %dot_general3A_282, %dot_general3A_283 {dimension_numbers = #tpu.dot_dimension_numbers<[1], [0], [0], [1], [0, 0, 1, 1], [], []>, transpose_lhs_hint = false} : vector<16x16xf32>, vector<16x32xf32>, vector<16x32xf32> -> vector<16x32xf32>
    %reduce_sum3A_285 = arith.constant dense<0.000000e+00> : vector<32xf32>
    %reduce_sum3A_286 = vector.multi_reduction <add>, %dot_general3A_282, %reduce_sum3A_285 [0] : vector<16x32xf32> to vector<32xf32>
    %broadcast_in_dim3A_287 = vector.shape_cast %reduce_sum3A_286 : vector<32xf32> to vector<1x32xf32>
    %dot_general3A_288 = arith.constant dense<0.000000e+00> : vector<1x32xf32>
    %dot_general3A_289 = tpu.matmul %broadcast_in_dim3A_287, %convert_element_type3A_47, %dot_general3A_288 {dimension_numbers = #tpu.dot_dimension_numbers<[1], [0], [0], [1], [0, 0, 1, 1], [], []>, transpose_lhs_hint = false} : vector<1x32xf32>, vector<32x32xf32>, vector<1x32xf32> -> vector<1x32xf32>
    %slice3A_290 = vector.extract_strided_slice %convert_element_type3A_280 {offsets = [0, 0], sizes = [128, 32], strides = [1, 1]} : vector<2048x32xf32> to vector<128x32xf32>
    %dot_general3A_291 = arith.constant dense<0.000000e+00> : vector<128x32xf32>
    %dot_general3A_292 = tpu.matmul %convert_element_type3A_10, %slice3A_290, %dot_general3A_291 {dimension_numbers = #tpu.dot_dimension_numbers<[1], [0], [0], [1], [0, 0, 1, 1], [], []>, transpose_lhs_hint = false} : vector<128x128xf32>, vector<128x32xf32>, vector<128x32xf32> -> vector<128x32xf32>
    %slice3A_293 = vector.extract_strided_slice %dot_general3A_284 {offsets = [0, 0], sizes = [1, 32], strides = [1, 1]} : vector<16x32xf32> to vector<1x32xf32>
    %add3A_294 = vector.broadcast %slice3A_293 : vector<1x32xf32> to vector<128x32xf32>
    %add3A_295 = arith.addf %dot_general3A_292, %add3A_294 : vector<128x32xf32>
    %add3A_296 = vector.broadcast %dot_general3A_289 : vector<1x32xf32> to vector<128x32xf32>
    %add3A_297 = arith.addf %add3A_295, %add3A_296 : vector<128x32xf32>
    %mul3A_298 = arith.mulf %add3A_297, %slice3A_290 : vector<128x32xf32>
    %reduce_sum3A_299 = arith.constant dense<0.000000e+00> : vector<128xf32>
    %reduce_sum3A_300 = vector.multi_reduction <add>, %mul3A_298, %reduce_sum3A_299 [1] : vector<128x32xf32> to vector<128xf32>
    %broadcast_in_dim3A_301 = vector.shape_cast %reduce_sum3A_300 : vector<128xf32> to vector<128x1xf32>
    %slice3A_302 = vector.extract_strided_slice %convert_element_type3A_280 {offsets = [128, 0], sizes = [128, 32], strides = [1, 1]} : vector<2048x32xf32> to vector<128x32xf32>
    %dot_general3A_303 = arith.constant dense<0.000000e+00> : vector<128x32xf32>
    %dot_general3A_304 = tpu.matmul %convert_element_type3A_10, %slice3A_302, %dot_general3A_303 {dimension_numbers = #tpu.dot_dimension_numbers<[1], [0], [0], [1], [0, 0, 1, 1], [], []>, transpose_lhs_hint = false} : vector<128x128xf32>, vector<128x32xf32>, vector<128x32xf32> -> vector<128x32xf32>
    %slice3A_305 = vector.extract_strided_slice %dot_general3A_284 {offsets = [1, 0], sizes = [1, 32], strides = [1, 1]} : vector<16x32xf32> to vector<1x32xf32>
    %add3A_306 = vector.broadcast %slice3A_305 : vector<1x32xf32> to vector<128x32xf32>
    %add3A_307 = arith.addf %dot_general3A_304, %add3A_306 : vector<128x32xf32>
    %add3A_308 = vector.broadcast %dot_general3A_289 : vector<1x32xf32> to vector<128x32xf32>
    %add3A_309 = arith.addf %add3A_307, %add3A_308 : vector<128x32xf32>
    %mul3A_310 = arith.mulf %add3A_309, %slice3A_302 : vector<128x32xf32>
    %reduce_sum3A_311 = arith.constant dense<0.000000e+00> : vector<128xf32>
    %reduce_sum3A_312 = vector.multi_reduction <add>, %mul3A_310, %reduce_sum3A_311 [1] : vector<128x32xf32> to vector<128xf32>
    %broadcast_in_dim3A_313 = vector.shape_cast %reduce_sum3A_312 : vector<128xf32> to vector<128x1xf32>
    %slice3A_314 = vector.extract_strided_slice %convert_element_type3A_280 {offsets = [256, 0], sizes = [128, 32], strides = [1, 1]} : vector<2048x32xf32> to vector<128x32xf32>
    %dot_general3A_315 = arith.constant dense<0.000000e+00> : vector<128x32xf32>
    %dot_general3A_316 = tpu.matmul %convert_element_type3A_10, %slice3A_314, %dot_general3A_315 {dimension_numbers = #tpu.dot_dimension_numbers<[1], [0], [0], [1], [0, 0, 1, 1], [], []>, transpose_lhs_hint = false} : vector<128x128xf32>, vector<128x32xf32>, vector<128x32xf32> -> vector<128x32xf32>
    %slice3A_317 = vector.extract_strided_slice %dot_general3A_284 {offsets = [2, 0], sizes = [1, 32], strides = [1, 1]} : vector<16x32xf32> to vector<1x32xf32>
    %add3A_318 = vector.broadcast %slice3A_317 : vector<1x32xf32> to vector<128x32xf32>
    %add3A_319 = arith.addf %dot_general3A_316, %add3A_318 : vector<128x32xf32>
    %add3A_320 = vector.broadcast %dot_general3A_289 : vector<1x32xf32> to vector<128x32xf32>
    %add3A_321 = arith.addf %add3A_319, %add3A_320 : vector<128x32xf32>
    %mul3A_322 = arith.mulf %add3A_321, %slice3A_314 : vector<128x32xf32>
    %reduce_sum3A_323 = arith.constant dense<0.000000e+00> : vector<128xf32>
    %reduce_sum3A_324 = vector.multi_reduction <add>, %mul3A_322, %reduce_sum3A_323 [1] : vector<128x32xf32> to vector<128xf32>
    %broadcast_in_dim3A_325 = vector.shape_cast %reduce_sum3A_324 : vector<128xf32> to vector<128x1xf32>
    %slice3A_326 = vector.extract_strided_slice %convert_element_type3A_280 {offsets = [384, 0], sizes = [128, 32], strides = [1, 1]} : vector<2048x32xf32> to vector<128x32xf32>
    %dot_general3A_327 = arith.constant dense<0.000000e+00> : vector<128x32xf32>
    %dot_general3A_328 = tpu.matmul %convert_element_type3A_10, %slice3A_326, %dot_general3A_327 {dimension_numbers = #tpu.dot_dimension_numbers<[1], [0], [0], [1], [0, 0, 1, 1], [], []>, transpose_lhs_hint = false} : vector<128x128xf32>, vector<128x32xf32>, vector<128x32xf32> -> vector<128x32xf32>
    %slice3A_329 = vector.extract_strided_slice %dot_general3A_284 {offsets = [3, 0], sizes = [1, 32], strides = [1, 1]} : vector<16x32xf32> to vector<1x32xf32>
    %add3A_330 = vector.broadcast %slice3A_329 : vector<1x32xf32> to vector<128x32xf32>
    %add3A_331 = arith.addf %dot_general3A_328, %add3A_330 : vector<128x32xf32>
    %add3A_332 = vector.broadcast %dot_general3A_289 : vector<1x32xf32> to vector<128x32xf32>
    %add3A_333 = arith.addf %add3A_331, %add3A_332 : vector<128x32xf32>
    %mul3A_334 = arith.mulf %add3A_333, %slice3A_326 : vector<128x32xf32>
    %reduce_sum3A_335 = arith.constant dense<0.000000e+00> : vector<128xf32>
    %reduce_sum3A_336 = vector.multi_reduction <add>, %mul3A_334, %reduce_sum3A_335 [1] : vector<128x32xf32> to vector<128xf32>
    %broadcast_in_dim3A_337 = vector.shape_cast %reduce_sum3A_336 : vector<128xf32> to vector<128x1xf32>
    %slice3A_338 = vector.extract_strided_slice %convert_element_type3A_280 {offsets = [512, 0], sizes = [128, 32], strides = [1, 1]} : vector<2048x32xf32> to vector<128x32xf32>
    %dot_general3A_339 = arith.constant dense<0.000000e+00> : vector<128x32xf32>
    %dot_general3A_340 = tpu.matmul %convert_element_type3A_10, %slice3A_338, %dot_general3A_339 {dimension_numbers = #tpu.dot_dimension_numbers<[1], [0], [0], [1], [0, 0, 1, 1], [], []>, transpose_lhs_hint = false} : vector<128x128xf32>, vector<128x32xf32>, vector<128x32xf32> -> vector<128x32xf32>
    %slice3A_341 = vector.extract_strided_slice %dot_general3A_284 {offsets = [4, 0], sizes = [1, 32], strides = [1, 1]} : vector<16x32xf32> to vector<1x32xf32>
    %add3A_342 = vector.broadcast %slice3A_341 : vector<1x32xf32> to vector<128x32xf32>
    %add3A_343 = arith.addf %dot_general3A_340, %add3A_342 : vector<128x32xf32>
    %add3A_344 = vector.broadcast %dot_general3A_289 : vector<1x32xf32> to vector<128x32xf32>
    %add3A_345 = arith.addf %add3A_343, %add3A_344 : vector<128x32xf32>
    %mul3A_346 = arith.mulf %add3A_345, %slice3A_338 : vector<128x32xf32>
    %reduce_sum3A_347 = arith.constant dense<0.000000e+00> : vector<128xf32>
    %reduce_sum3A_348 = vector.multi_reduction <add>, %mul3A_346, %reduce_sum3A_347 [1] : vector<128x32xf32> to vector<128xf32>
    %broadcast_in_dim3A_349 = vector.shape_cast %reduce_sum3A_348 : vector<128xf32> to vector<128x1xf32>
    %slice3A_350 = vector.extract_strided_slice %convert_element_type3A_280 {offsets = [640, 0], sizes = [128, 32], strides = [1, 1]} : vector<2048x32xf32> to vector<128x32xf32>
    %dot_general3A_351 = arith.constant dense<0.000000e+00> : vector<128x32xf32>
    %dot_general3A_352 = tpu.matmul %convert_element_type3A_10, %slice3A_350, %dot_general3A_351 {dimension_numbers = #tpu.dot_dimension_numbers<[1], [0], [0], [1], [0, 0, 1, 1], [], []>, transpose_lhs_hint = false} : vector<128x128xf32>, vector<128x32xf32>, vector<128x32xf32> -> vector<128x32xf32>
    %slice3A_353 = vector.extract_strided_slice %dot_general3A_284 {offsets = [5, 0], sizes = [1, 32], strides = [1, 1]} : vector<16x32xf32> to vector<1x32xf32>
    %add3A_354 = vector.broadcast %slice3A_353 : vector<1x32xf32> to vector<128x32xf32>
    %add3A_355 = arith.addf %dot_general3A_352, %add3A_354 : vector<128x32xf32>
    %add3A_356 = vector.broadcast %dot_general3A_289 : vector<1x32xf32> to vector<128x32xf32>
    %add3A_357 = arith.addf %add3A_355, %add3A_356 : vector<128x32xf32>
    %mul3A_358 = arith.mulf %add3A_357, %slice3A_350 : vector<128x32xf32>
    %reduce_sum3A_359 = arith.constant dense<0.000000e+00> : vector<128xf32>
    %reduce_sum3A_360 = vector.multi_reduction <add>, %mul3A_358, %reduce_sum3A_359 [1] : vector<128x32xf32> to vector<128xf32>
    %broadcast_in_dim3A_361 = vector.shape_cast %reduce_sum3A_360 : vector<128xf32> to vector<128x1xf32>
    %slice3A_362 = vector.extract_strided_slice %convert_element_type3A_280 {offsets = [768, 0], sizes = [128, 32], strides = [1, 1]} : vector<2048x32xf32> to vector<128x32xf32>
    %dot_general3A_363 = arith.constant dense<0.000000e+00> : vector<128x32xf32>
    %dot_general3A_364 = tpu.matmul %convert_element_type3A_10, %slice3A_362, %dot_general3A_363 {dimension_numbers = #tpu.dot_dimension_numbers<[1], [0], [0], [1], [0, 0, 1, 1], [], []>, transpose_lhs_hint = false} : vector<128x128xf32>, vector<128x32xf32>, vector<128x32xf32> -> vector<128x32xf32>
    %slice3A_365 = vector.extract_strided_slice %dot_general3A_284 {offsets = [6, 0], sizes = [1, 32], strides = [1, 1]} : vector<16x32xf32> to vector<1x32xf32>
    %add3A_366 = vector.broadcast %slice3A_365 : vector<1x32xf32> to vector<128x32xf32>
    %add3A_367 = arith.addf %dot_general3A_364, %add3A_366 : vector<128x32xf32>
    %add3A_368 = vector.broadcast %dot_general3A_289 : vector<1x32xf32> to vector<128x32xf32>
    %add3A_369 = arith.addf %add3A_367, %add3A_368 : vector<128x32xf32>
    %mul3A_370 = arith.mulf %add3A_369, %slice3A_362 : vector<128x32xf32>
    %reduce_sum3A_371 = arith.constant dense<0.000000e+00> : vector<128xf32>
    %reduce_sum3A_372 = vector.multi_reduction <add>, %mul3A_370, %reduce_sum3A_371 [1] : vector<128x32xf32> to vector<128xf32>
    %broadcast_in_dim3A_373 = vector.shape_cast %reduce_sum3A_372 : vector<128xf32> to vector<128x1xf32>
    %slice3A_374 = vector.extract_strided_slice %convert_element_type3A_280 {offsets = [896, 0], sizes = [128, 32], strides = [1, 1]} : vector<2048x32xf32> to vector<128x32xf32>
    %dot_general3A_375 = arith.constant dense<0.000000e+00> : vector<128x32xf32>
    %dot_general3A_376 = tpu.matmul %convert_element_type3A_10, %slice3A_374, %dot_general3A_375 {dimension_numbers = #tpu.dot_dimension_numbers<[1], [0], [0], [1], [0, 0, 1, 1], [], []>, transpose_lhs_hint = false} : vector<128x128xf32>, vector<128x32xf32>, vector<128x32xf32> -> vector<128x32xf32>
    %slice3A_377 = vector.extract_strided_slice %dot_general3A_284 {offsets = [7, 0], sizes = [1, 32], strides = [1, 1]} : vector<16x32xf32> to vector<1x32xf32>
    %add3A_378 = vector.broadcast %slice3A_377 : vector<1x32xf32> to vector<128x32xf32>
    %add3A_379 = arith.addf %dot_general3A_376, %add3A_378 : vector<128x32xf32>
    %add3A_380 = vector.broadcast %dot_general3A_289 : vector<1x32xf32> to vector<128x32xf32>
    %add3A_381 = arith.addf %add3A_379, %add3A_380 : vector<128x32xf32>
    %mul3A_382 = arith.mulf %add3A_381, %slice3A_374 : vector<128x32xf32>
    %reduce_sum3A_383 = arith.constant dense<0.000000e+00> : vector<128xf32>
    %reduce_sum3A_384 = vector.multi_reduction <add>, %mul3A_382, %reduce_sum3A_383 [1] : vector<128x32xf32> to vector<128xf32>
    %broadcast_in_dim3A_385 = vector.shape_cast %reduce_sum3A_384 : vector<128xf32> to vector<128x1xf32>
    %slice3A_386 = vector.extract_strided_slice %convert_element_type3A_280 {offsets = [1024, 0], sizes = [128, 32], strides = [1, 1]} : vector<2048x32xf32> to vector<128x32xf32>
    %dot_general3A_387 = arith.constant dense<0.000000e+00> : vector<128x32xf32>
    %dot_general3A_388 = tpu.matmul %convert_element_type3A_10, %slice3A_386, %dot_general3A_387 {dimension_numbers = #tpu.dot_dimension_numbers<[1], [0], [0], [1], [0, 0, 1, 1], [], []>, transpose_lhs_hint = false} : vector<128x128xf32>, vector<128x32xf32>, vector<128x32xf32> -> vector<128x32xf32>
    %slice3A_389 = vector.extract_strided_slice %dot_general3A_284 {offsets = [8, 0], sizes = [1, 32], strides = [1, 1]} : vector<16x32xf32> to vector<1x32xf32>
    %add3A_390 = vector.broadcast %slice3A_389 : vector<1x32xf32> to vector<128x32xf32>
    %add3A_391 = arith.addf %dot_general3A_388, %add3A_390 : vector<128x32xf32>
    %add3A_392 = vector.broadcast %dot_general3A_289 : vector<1x32xf32> to vector<128x32xf32>
    %add3A_393 = arith.addf %add3A_391, %add3A_392 : vector<128x32xf32>
    %mul3A_394 = arith.mulf %add3A_393, %slice3A_386 : vector<128x32xf32>
    %reduce_sum3A_395 = arith.constant dense<0.000000e+00> : vector<128xf32>
    %reduce_sum3A_396 = vector.multi_reduction <add>, %mul3A_394, %reduce_sum3A_395 [1] : vector<128x32xf32> to vector<128xf32>
    %broadcast_in_dim3A_397 = vector.shape_cast %reduce_sum3A_396 : vector<128xf32> to vector<128x1xf32>
    %slice3A_398 = vector.extract_strided_slice %convert_element_type3A_280 {offsets = [1152, 0], sizes = [128, 32], strides = [1, 1]} : vector<2048x32xf32> to vector<128x32xf32>
    %dot_general3A_399 = arith.constant dense<0.000000e+00> : vector<128x32xf32>
    %dot_general3A_400 = tpu.matmul %convert_element_type3A_10, %slice3A_398, %dot_general3A_399 {dimension_numbers = #tpu.dot_dimension_numbers<[1], [0], [0], [1], [0, 0, 1, 1], [], []>, transpose_lhs_hint = false} : vector<128x128xf32>, vector<128x32xf32>, vector<128x32xf32> -> vector<128x32xf32>
    %slice3A_401 = vector.extract_strided_slice %dot_general3A_284 {offsets = [9, 0], sizes = [1, 32], strides = [1, 1]} : vector<16x32xf32> to vector<1x32xf32>
    %add3A_402 = vector.broadcast %slice3A_401 : vector<1x32xf32> to vector<128x32xf32>
    %add3A_403 = arith.addf %dot_general3A_400, %add3A_402 : vector<128x32xf32>
    %add3A_404 = vector.broadcast %dot_general3A_289 : vector<1x32xf32> to vector<128x32xf32>
    %add3A_405 = arith.addf %add3A_403, %add3A_404 : vector<128x32xf32>
    %mul3A_406 = arith.mulf %add3A_405, %slice3A_398 : vector<128x32xf32>
    %reduce_sum3A_407 = arith.constant dense<0.000000e+00> : vector<128xf32>
    %reduce_sum3A_408 = vector.multi_reduction <add>, %mul3A_406, %reduce_sum3A_407 [1] : vector<128x32xf32> to vector<128xf32>
    %broadcast_in_dim3A_409 = vector.shape_cast %reduce_sum3A_408 : vector<128xf32> to vector<128x1xf32>
    %slice3A_410 = vector.extract_strided_slice %convert_element_type3A_280 {offsets = [1280, 0], sizes = [128, 32], strides = [1, 1]} : vector<2048x32xf32> to vector<128x32xf32>
    %dot_general3A_411 = arith.constant dense<0.000000e+00> : vector<128x32xf32>
    %dot_general3A_412 = tpu.matmul %convert_element_type3A_10, %slice3A_410, %dot_general3A_411 {dimension_numbers = #tpu.dot_dimension_numbers<[1], [0], [0], [1], [0, 0, 1, 1], [], []>, transpose_lhs_hint = false} : vector<128x128xf32>, vector<128x32xf32>, vector<128x32xf32> -> vector<128x32xf32>
    %slice3A_413 = vector.extract_strided_slice %dot_general3A_284 {offsets = [10, 0], sizes = [1, 32], strides = [1, 1]} : vector<16x32xf32> to vector<1x32xf32>
    %add3A_414 = vector.broadcast %slice3A_413 : vector<1x32xf32> to vector<128x32xf32>
    %add3A_415 = arith.addf %dot_general3A_412, %add3A_414 : vector<128x32xf32>
    %add3A_416 = vector.broadcast %dot_general3A_289 : vector<1x32xf32> to vector<128x32xf32>
    %add3A_417 = arith.addf %add3A_415, %add3A_416 : vector<128x32xf32>
    %mul3A_418 = arith.mulf %add3A_417, %slice3A_410 : vector<128x32xf32>
    %reduce_sum3A_419 = arith.constant dense<0.000000e+00> : vector<128xf32>
    %reduce_sum3A_420 = vector.multi_reduction <add>, %mul3A_418, %reduce_sum3A_419 [1] : vector<128x32xf32> to vector<128xf32>
    %broadcast_in_dim3A_421 = vector.shape_cast %reduce_sum3A_420 : vector<128xf32> to vector<128x1xf32>
    %slice3A_422 = vector.extract_strided_slice %convert_element_type3A_280 {offsets = [1408, 0], sizes = [128, 32], strides = [1, 1]} : vector<2048x32xf32> to vector<128x32xf32>
    %dot_general3A_423 = arith.constant dense<0.000000e+00> : vector<128x32xf32>
    %dot_general3A_424 = tpu.matmul %convert_element_type3A_10, %slice3A_422, %dot_general3A_423 {dimension_numbers = #tpu.dot_dimension_numbers<[1], [0], [0], [1], [0, 0, 1, 1], [], []>, transpose_lhs_hint = false} : vector<128x128xf32>, vector<128x32xf32>, vector<128x32xf32> -> vector<128x32xf32>
    %slice3A_425 = vector.extract_strided_slice %dot_general3A_284 {offsets = [11, 0], sizes = [1, 32], strides = [1, 1]} : vector<16x32xf32> to vector<1x32xf32>
    %add3A_426 = vector.broadcast %slice3A_425 : vector<1x32xf32> to vector<128x32xf32>
    %add3A_427 = arith.addf %dot_general3A_424, %add3A_426 : vector<128x32xf32>
    %add3A_428 = vector.broadcast %dot_general3A_289 : vector<1x32xf32> to vector<128x32xf32>
    %add3A_429 = arith.addf %add3A_427, %add3A_428 : vector<128x32xf32>
    %mul3A_430 = arith.mulf %add3A_429, %slice3A_422 : vector<128x32xf32>
    %reduce_sum3A_431 = arith.constant dense<0.000000e+00> : vector<128xf32>
    %reduce_sum3A_432 = vector.multi_reduction <add>, %mul3A_430, %reduce_sum3A_431 [1] : vector<128x32xf32> to vector<128xf32>
    %broadcast_in_dim3A_433 = vector.shape_cast %reduce_sum3A_432 : vector<128xf32> to vector<128x1xf32>
    %slice3A_434 = vector.extract_strided_slice %convert_element_type3A_280 {offsets = [1536, 0], sizes = [128, 32], strides = [1, 1]} : vector<2048x32xf32> to vector<128x32xf32>
    %dot_general3A_435 = arith.constant dense<0.000000e+00> : vector<128x32xf32>
    %dot_general3A_436 = tpu.matmul %convert_element_type3A_10, %slice3A_434, %dot_general3A_435 {dimension_numbers = #tpu.dot_dimension_numbers<[1], [0], [0], [1], [0, 0, 1, 1], [], []>, transpose_lhs_hint = false} : vector<128x128xf32>, vector<128x32xf32>, vector<128x32xf32> -> vector<128x32xf32>
    %slice3A_437 = vector.extract_strided_slice %dot_general3A_284 {offsets = [12, 0], sizes = [1, 32], strides = [1, 1]} : vector<16x32xf32> to vector<1x32xf32>
    %add3A_438 = vector.broadcast %slice3A_437 : vector<1x32xf32> to vector<128x32xf32>
    %add3A_439 = arith.addf %dot_general3A_436, %add3A_438 : vector<128x32xf32>
    %add3A_440 = vector.broadcast %dot_general3A_289 : vector<1x32xf32> to vector<128x32xf32>
    %add3A_441 = arith.addf %add3A_439, %add3A_440 : vector<128x32xf32>
    %mul3A_442 = arith.mulf %add3A_441, %slice3A_434 : vector<128x32xf32>
    %reduce_sum3A_443 = arith.constant dense<0.000000e+00> : vector<128xf32>
    %reduce_sum3A_444 = vector.multi_reduction <add>, %mul3A_442, %reduce_sum3A_443 [1] : vector<128x32xf32> to vector<128xf32>
    %broadcast_in_dim3A_445 = vector.shape_cast %reduce_sum3A_444 : vector<128xf32> to vector<128x1xf32>
    %slice3A_446 = vector.extract_strided_slice %convert_element_type3A_280 {offsets = [1664, 0], sizes = [128, 32], strides = [1, 1]} : vector<2048x32xf32> to vector<128x32xf32>
    %dot_general3A_447 = arith.constant dense<0.000000e+00> : vector<128x32xf32>
    %dot_general3A_448 = tpu.matmul %convert_element_type3A_10, %slice3A_446, %dot_general3A_447 {dimension_numbers = #tpu.dot_dimension_numbers<[1], [0], [0], [1], [0, 0, 1, 1], [], []>, transpose_lhs_hint = false} : vector<128x128xf32>, vector<128x32xf32>, vector<128x32xf32> -> vector<128x32xf32>
    %slice3A_449 = vector.extract_strided_slice %dot_general3A_284 {offsets = [13, 0], sizes = [1, 32], strides = [1, 1]} : vector<16x32xf32> to vector<1x32xf32>
    %add3A_450 = vector.broadcast %slice3A_449 : vector<1x32xf32> to vector<128x32xf32>
    %add3A_451 = arith.addf %dot_general3A_448, %add3A_450 : vector<128x32xf32>
    %add3A_452 = vector.broadcast %dot_general3A_289 : vector<1x32xf32> to vector<128x32xf32>
    %add3A_453 = arith.addf %add3A_451, %add3A_452 : vector<128x32xf32>
    %mul3A_454 = arith.mulf %add3A_453, %slice3A_446 : vector<128x32xf32>
    %reduce_sum3A_455 = arith.constant dense<0.000000e+00> : vector<128xf32>
    %reduce_sum3A_456 = vector.multi_reduction <add>, %mul3A_454, %reduce_sum3A_455 [1] : vector<128x32xf32> to vector<128xf32>
    %broadcast_in_dim3A_457 = vector.shape_cast %reduce_sum3A_456 : vector<128xf32> to vector<128x1xf32>
    %slice3A_458 = vector.extract_strided_slice %convert_element_type3A_280 {offsets = [1792, 0], sizes = [128, 32], strides = [1, 1]} : vector<2048x32xf32> to vector<128x32xf32>
    %dot_general3A_459 = arith.constant dense<0.000000e+00> : vector<128x32xf32>
    %dot_general3A_460 = tpu.matmul %convert_element_type3A_10, %slice3A_458, %dot_general3A_459 {dimension_numbers = #tpu.dot_dimension_numbers<[1], [0], [0], [1], [0, 0, 1, 1], [], []>, transpose_lhs_hint = false} : vector<128x128xf32>, vector<128x32xf32>, vector<128x32xf32> -> vector<128x32xf32>
    %slice3A_461 = vector.extract_strided_slice %dot_general3A_284 {offsets = [14, 0], sizes = [1, 32], strides = [1, 1]} : vector<16x32xf32> to vector<1x32xf32>
    %add3A_462 = vector.broadcast %slice3A_461 : vector<1x32xf32> to vector<128x32xf32>
    %add3A_463 = arith.addf %dot_general3A_460, %add3A_462 : vector<128x32xf32>
    %add3A_464 = vector.broadcast %dot_general3A_289 : vector<1x32xf32> to vector<128x32xf32>
    %add3A_465 = arith.addf %add3A_463, %add3A_464 : vector<128x32xf32>
    %mul3A_466 = arith.mulf %add3A_465, %slice3A_458 : vector<128x32xf32>
    %reduce_sum3A_467 = arith.constant dense<0.000000e+00> : vector<128xf32>
    %reduce_sum3A_468 = vector.multi_reduction <add>, %mul3A_466, %reduce_sum3A_467 [1] : vector<128x32xf32> to vector<128xf32>
    %broadcast_in_dim3A_469 = vector.shape_cast %reduce_sum3A_468 : vector<128xf32> to vector<128x1xf32>
    %slice3A_470 = vector.extract_strided_slice %convert_element_type3A_280 {offsets = [1920, 0], sizes = [128, 32], strides = [1, 1]} : vector<2048x32xf32> to vector<128x32xf32>
    %dot_general3A_471 = arith.constant dense<0.000000e+00> : vector<128x32xf32>
    %dot_general3A_472 = tpu.matmul %convert_element_type3A_10, %slice3A_470, %dot_general3A_471 {dimension_numbers = #tpu.dot_dimension_numbers<[1], [0], [0], [1], [0, 0, 1, 1], [], []>, transpose_lhs_hint = false} : vector<128x128xf32>, vector<128x32xf32>, vector<128x32xf32> -> vector<128x32xf32>
    %slice3A_473 = vector.extract_strided_slice %dot_general3A_284 {offsets = [15, 0], sizes = [1, 32], strides = [1, 1]} : vector<16x32xf32> to vector<1x32xf32>
    %add3A_474 = vector.broadcast %slice3A_473 : vector<1x32xf32> to vector<128x32xf32>
    %add3A_475 = arith.addf %dot_general3A_472, %add3A_474 : vector<128x32xf32>
    %add3A_476 = vector.broadcast %dot_general3A_289 : vector<1x32xf32> to vector<128x32xf32>
    %add3A_477 = arith.addf %add3A_475, %add3A_476 : vector<128x32xf32>
    %mul3A_478 = arith.mulf %add3A_477, %slice3A_470 : vector<128x32xf32>
    %reduce_sum3A_479 = arith.constant dense<0.000000e+00> : vector<128xf32>
    %reduce_sum3A_480 = vector.multi_reduction <add>, %mul3A_478, %reduce_sum3A_479 [1] : vector<128x32xf32> to vector<128xf32>
    %broadcast_in_dim3A_481 = vector.shape_cast %reduce_sum3A_480 : vector<128xf32> to vector<128x1xf32>
    %concatenate3A_482 = tpu.concatenate %broadcast_in_dim3A_301, %broadcast_in_dim3A_313, %broadcast_in_dim3A_325, %broadcast_in_dim3A_337, %broadcast_in_dim3A_349, %broadcast_in_dim3A_361, %broadcast_in_dim3A_373, %broadcast_in_dim3A_385, %broadcast_in_dim3A_397, %broadcast_in_dim3A_409, %broadcast_in_dim3A_421, %broadcast_in_dim3A_433, %broadcast_in_dim3A_445, %broadcast_in_dim3A_457, %broadcast_in_dim3A_469, %broadcast_in_dim3A_481 in 0 : vector<128x1xf32>, vector<128x1xf32>, vector<128x1xf32>, vector<128x1xf32>, vector<128x1xf32>, vector<128x1xf32>, vector<128x1xf32>, vector<128x1xf32>, vector<128x1xf32>, vector<128x1xf32>, vector<128x1xf32>, vector<128x1xf32>, vector<128x1xf32>, vector<128x1xf32>, vector<128x1xf32>, vector<128x1xf32> -> vector<2048x1xf32>
    %slice3A_483 = vector.extract_strided_slice %dot_general3A_7 {offsets = [0, 32], sizes = [2048, 16], strides = [1, 1]} : vector<2048x64xf32> to vector<2048x16xf32>
    %neg3A_484 = arith.constant 0.000000e+00 : f32
    %neg3A_485 = vector.broadcast %neg3A_484 : f32 to vector<2048x16xf32>
    %neg3A_486 = arith.subf %neg3A_485, %slice3A_483 : vector<2048x16xf32>
    %concatenate3A_487 = tpu.concatenate %slice3A_483, %neg3A_486 in 1 : vector<2048x16xf32>, vector<2048x16xf32> -> vector<2048x32xf32>
    %reduce_max3A_488 = arith.constant dense<0xFF800000> : vector<2048xf32>
    %reduce_max3A_489 = vector.multi_reduction <maximumf>, %concatenate3A_487, %reduce_max3A_488 [1] : vector<2048x32xf32> to vector<2048xf32>
    %broadcast_in_dim3A_490 = vector.shape_cast %reduce_max3A_489 : vector<2048xf32> to vector<2048x1xf32>
    %ge3A_491 = vector.broadcast %broadcast_in_dim3A_490 : vector<2048x1xf32> to vector<2048x32xf32>
    %ge3A_492 = arith.cmpf oge, %concatenate3A_487, %ge3A_491 : vector<2048x32xf32>
    %jit3A_493 = arith.constant 64 : i32
    %broadcast_in_dim3A_494 = vector.broadcast %jit3A_493 : i32 to vector<2048x32xi32>
    %select_n3A_495 = arith.select %ge3A_492, %iota3A, %broadcast_in_dim3A_494 : vector<2048x32xi1>, vector<2048x32xi32>
    %reduce_min3A_496 = arith.constant dense<2147483647> : vector<2048xi32>
    %reduce_min3A_497 = vector.multi_reduction <minsi>, %select_n3A_495, %reduce_min3A_496 [1] : vector<2048x32xi32> to vector<2048xi32>
    %broadcast_in_dim3A_498 = vector.shape_cast %reduce_min3A_497 : vector<2048xi32> to vector<2048x1xi32>
    %eq3A_499 = vector.broadcast %broadcast_in_dim3A_498 : vector<2048x1xi32> to vector<2048x32xi32>
    %eq3A_500 = arith.cmpi eq, %iota3A, %eq3A_499 : vector<2048x32xi32>
    %convert_element_type3A_501 = arith.extui %eq3A_500 : vector<2048x32xi1> to vector<2048x32xi32>
    %convert_element_type3A_502 = arith.sitofp %convert_element_type3A_501 : vector<2048x32xi32> to vector<2048x32xf32>
    %dot_general3A_503 = arith.constant dense<0.000000e+00> : vector<16x32xf32>
    %dot_general3A_504 = tpu.matmul %convert_element_type3A_37, %convert_element_type3A_502, %dot_general3A_503 {dimension_numbers = #tpu.dot_dimension_numbers<[1], [0], [0], [1], [0, 0, 1, 1], [], []>, transpose_lhs_hint = false} : vector<16x2048xf32>, vector<2048x32xf32>, vector<16x32xf32> -> vector<16x32xf32>
    %dot_general3A_505 = arith.constant dense<0.000000e+00> : vector<16x32xf32>
    %dot_general3A_506 = tpu.matmul %convert_element_type3A_42, %dot_general3A_504, %dot_general3A_505 {dimension_numbers = #tpu.dot_dimension_numbers<[1], [0], [0], [1], [0, 0, 1, 1], [], []>, transpose_lhs_hint = false} : vector<16x16xf32>, vector<16x32xf32>, vector<16x32xf32> -> vector<16x32xf32>
    %reduce_sum3A_507 = arith.constant dense<0.000000e+00> : vector<32xf32>
    %reduce_sum3A_508 = vector.multi_reduction <add>, %dot_general3A_504, %reduce_sum3A_507 [0] : vector<16x32xf32> to vector<32xf32>
    %broadcast_in_dim3A_509 = vector.shape_cast %reduce_sum3A_508 : vector<32xf32> to vector<1x32xf32>
    %dot_general3A_510 = arith.constant dense<0.000000e+00> : vector<1x32xf32>
    %dot_general3A_511 = tpu.matmul %broadcast_in_dim3A_509, %convert_element_type3A_47, %dot_general3A_510 {dimension_numbers = #tpu.dot_dimension_numbers<[1], [0], [0], [1], [0, 0, 1, 1], [], []>, transpose_lhs_hint = false} : vector<1x32xf32>, vector<32x32xf32>, vector<1x32xf32> -> vector<1x32xf32>
    %slice3A_512 = vector.extract_strided_slice %convert_element_type3A_502 {offsets = [0, 0], sizes = [128, 32], strides = [1, 1]} : vector<2048x32xf32> to vector<128x32xf32>
    %dot_general3A_513 = arith.constant dense<0.000000e+00> : vector<128x32xf32>
    %dot_general3A_514 = tpu.matmul %convert_element_type3A_10, %slice3A_512, %dot_general3A_513 {dimension_numbers = #tpu.dot_dimension_numbers<[1], [0], [0], [1], [0, 0, 1, 1], [], []>, transpose_lhs_hint = false} : vector<128x128xf32>, vector<128x32xf32>, vector<128x32xf32> -> vector<128x32xf32>
    %slice3A_515 = vector.extract_strided_slice %dot_general3A_506 {offsets = [0, 0], sizes = [1, 32], strides = [1, 1]} : vector<16x32xf32> to vector<1x32xf32>
    %add3A_516 = vector.broadcast %slice3A_515 : vector<1x32xf32> to vector<128x32xf32>
    %add3A_517 = arith.addf %dot_general3A_514, %add3A_516 : vector<128x32xf32>
    %add3A_518 = vector.broadcast %dot_general3A_511 : vector<1x32xf32> to vector<128x32xf32>
    %add3A_519 = arith.addf %add3A_517, %add3A_518 : vector<128x32xf32>
    %mul3A_520 = arith.mulf %add3A_519, %slice3A_512 : vector<128x32xf32>
    %reduce_sum3A_521 = arith.constant dense<0.000000e+00> : vector<128xf32>
    %reduce_sum3A_522 = vector.multi_reduction <add>, %mul3A_520, %reduce_sum3A_521 [1] : vector<128x32xf32> to vector<128xf32>
    %broadcast_in_dim3A_523 = vector.shape_cast %reduce_sum3A_522 : vector<128xf32> to vector<128x1xf32>
    %slice3A_524 = vector.extract_strided_slice %convert_element_type3A_502 {offsets = [128, 0], sizes = [128, 32], strides = [1, 1]} : vector<2048x32xf32> to vector<128x32xf32>
    %dot_general3A_525 = arith.constant dense<0.000000e+00> : vector<128x32xf32>
    %dot_general3A_526 = tpu.matmul %convert_element_type3A_10, %slice3A_524, %dot_general3A_525 {dimension_numbers = #tpu.dot_dimension_numbers<[1], [0], [0], [1], [0, 0, 1, 1], [], []>, transpose_lhs_hint = false} : vector<128x128xf32>, vector<128x32xf32>, vector<128x32xf32> -> vector<128x32xf32>
    %slice3A_527 = vector.extract_strided_slice %dot_general3A_506 {offsets = [1, 0], sizes = [1, 32], strides = [1, 1]} : vector<16x32xf32> to vector<1x32xf32>
    %add3A_528 = vector.broadcast %slice3A_527 : vector<1x32xf32> to vector<128x32xf32>
    %add3A_529 = arith.addf %dot_general3A_526, %add3A_528 : vector<128x32xf32>
    %add3A_530 = vector.broadcast %dot_general3A_511 : vector<1x32xf32> to vector<128x32xf32>
    %add3A_531 = arith.addf %add3A_529, %add3A_530 : vector<128x32xf32>
    %mul3A_532 = arith.mulf %add3A_531, %slice3A_524 : vector<128x32xf32>
    %reduce_sum3A_533 = arith.constant dense<0.000000e+00> : vector<128xf32>
    %reduce_sum3A_534 = vector.multi_reduction <add>, %mul3A_532, %reduce_sum3A_533 [1] : vector<128x32xf32> to vector<128xf32>
    %broadcast_in_dim3A_535 = vector.shape_cast %reduce_sum3A_534 : vector<128xf32> to vector<128x1xf32>
    %slice3A_536 = vector.extract_strided_slice %convert_element_type3A_502 {offsets = [256, 0], sizes = [128, 32], strides = [1, 1]} : vector<2048x32xf32> to vector<128x32xf32>
    %dot_general3A_537 = arith.constant dense<0.000000e+00> : vector<128x32xf32>
    %dot_general3A_538 = tpu.matmul %convert_element_type3A_10, %slice3A_536, %dot_general3A_537 {dimension_numbers = #tpu.dot_dimension_numbers<[1], [0], [0], [1], [0, 0, 1, 1], [], []>, transpose_lhs_hint = false} : vector<128x128xf32>, vector<128x32xf32>, vector<128x32xf32> -> vector<128x32xf32>
    %slice3A_539 = vector.extract_strided_slice %dot_general3A_506 {offsets = [2, 0], sizes = [1, 32], strides = [1, 1]} : vector<16x32xf32> to vector<1x32xf32>
    %add3A_540 = vector.broadcast %slice3A_539 : vector<1x32xf32> to vector<128x32xf32>
    %add3A_541 = arith.addf %dot_general3A_538, %add3A_540 : vector<128x32xf32>
    %add3A_542 = vector.broadcast %dot_general3A_511 : vector<1x32xf32> to vector<128x32xf32>
    %add3A_543 = arith.addf %add3A_541, %add3A_542 : vector<128x32xf32>
    %mul3A_544 = arith.mulf %add3A_543, %slice3A_536 : vector<128x32xf32>
    %reduce_sum3A_545 = arith.constant dense<0.000000e+00> : vector<128xf32>
    %reduce_sum3A_546 = vector.multi_reduction <add>, %mul3A_544, %reduce_sum3A_545 [1] : vector<128x32xf32> to vector<128xf32>
    %broadcast_in_dim3A_547 = vector.shape_cast %reduce_sum3A_546 : vector<128xf32> to vector<128x1xf32>
    %slice3A_548 = vector.extract_strided_slice %convert_element_type3A_502 {offsets = [384, 0], sizes = [128, 32], strides = [1, 1]} : vector<2048x32xf32> to vector<128x32xf32>
    %dot_general3A_549 = arith.constant dense<0.000000e+00> : vector<128x32xf32>
    %dot_general3A_550 = tpu.matmul %convert_element_type3A_10, %slice3A_548, %dot_general3A_549 {dimension_numbers = #tpu.dot_dimension_numbers<[1], [0], [0], [1], [0, 0, 1, 1], [], []>, transpose_lhs_hint = false} : vector<128x128xf32>, vector<128x32xf32>, vector<128x32xf32> -> vector<128x32xf32>
    %slice3A_551 = vector.extract_strided_slice %dot_general3A_506 {offsets = [3, 0], sizes = [1, 32], strides = [1, 1]} : vector<16x32xf32> to vector<1x32xf32>
    %add3A_552 = vector.broadcast %slice3A_551 : vector<1x32xf32> to vector<128x32xf32>
    %add3A_553 = arith.addf %dot_general3A_550, %add3A_552 : vector<128x32xf32>
    %add3A_554 = vector.broadcast %dot_general3A_511 : vector<1x32xf32> to vector<128x32xf32>
    %add3A_555 = arith.addf %add3A_553, %add3A_554 : vector<128x32xf32>
    %mul3A_556 = arith.mulf %add3A_555, %slice3A_548 : vector<128x32xf32>
    %reduce_sum3A_557 = arith.constant dense<0.000000e+00> : vector<128xf32>
    %reduce_sum3A_558 = vector.multi_reduction <add>, %mul3A_556, %reduce_sum3A_557 [1] : vector<128x32xf32> to vector<128xf32>
    %broadcast_in_dim3A_559 = vector.shape_cast %reduce_sum3A_558 : vector<128xf32> to vector<128x1xf32>
    %slice3A_560 = vector.extract_strided_slice %convert_element_type3A_502 {offsets = [512, 0], sizes = [128, 32], strides = [1, 1]} : vector<2048x32xf32> to vector<128x32xf32>
    %dot_general3A_561 = arith.constant dense<0.000000e+00> : vector<128x32xf32>
    %dot_general3A_562 = tpu.matmul %convert_element_type3A_10, %slice3A_560, %dot_general3A_561 {dimension_numbers = #tpu.dot_dimension_numbers<[1], [0], [0], [1], [0, 0, 1, 1], [], []>, transpose_lhs_hint = false} : vector<128x128xf32>, vector<128x32xf32>, vector<128x32xf32> -> vector<128x32xf32>
    %slice3A_563 = vector.extract_strided_slice %dot_general3A_506 {offsets = [4, 0], sizes = [1, 32], strides = [1, 1]} : vector<16x32xf32> to vector<1x32xf32>
    %add3A_564 = vector.broadcast %slice3A_563 : vector<1x32xf32> to vector<128x32xf32>
    %add3A_565 = arith.addf %dot_general3A_562, %add3A_564 : vector<128x32xf32>
    %add3A_566 = vector.broadcast %dot_general3A_511 : vector<1x32xf32> to vector<128x32xf32>
    %add3A_567 = arith.addf %add3A_565, %add3A_566 : vector<128x32xf32>
    %mul3A_568 = arith.mulf %add3A_567, %slice3A_560 : vector<128x32xf32>
    %reduce_sum3A_569 = arith.constant dense<0.000000e+00> : vector<128xf32>
    %reduce_sum3A_570 = vector.multi_reduction <add>, %mul3A_568, %reduce_sum3A_569 [1] : vector<128x32xf32> to vector<128xf32>
    %broadcast_in_dim3A_571 = vector.shape_cast %reduce_sum3A_570 : vector<128xf32> to vector<128x1xf32>
    %slice3A_572 = vector.extract_strided_slice %convert_element_type3A_502 {offsets = [640, 0], sizes = [128, 32], strides = [1, 1]} : vector<2048x32xf32> to vector<128x32xf32>
    %dot_general3A_573 = arith.constant dense<0.000000e+00> : vector<128x32xf32>
    %dot_general3A_574 = tpu.matmul %convert_element_type3A_10, %slice3A_572, %dot_general3A_573 {dimension_numbers = #tpu.dot_dimension_numbers<[1], [0], [0], [1], [0, 0, 1, 1], [], []>, transpose_lhs_hint = false} : vector<128x128xf32>, vector<128x32xf32>, vector<128x32xf32> -> vector<128x32xf32>
    %slice3A_575 = vector.extract_strided_slice %dot_general3A_506 {offsets = [5, 0], sizes = [1, 32], strides = [1, 1]} : vector<16x32xf32> to vector<1x32xf32>
    %add3A_576 = vector.broadcast %slice3A_575 : vector<1x32xf32> to vector<128x32xf32>
    %add3A_577 = arith.addf %dot_general3A_574, %add3A_576 : vector<128x32xf32>
    %add3A_578 = vector.broadcast %dot_general3A_511 : vector<1x32xf32> to vector<128x32xf32>
    %add3A_579 = arith.addf %add3A_577, %add3A_578 : vector<128x32xf32>
    %mul3A_580 = arith.mulf %add3A_579, %slice3A_572 : vector<128x32xf32>
    %reduce_sum3A_581 = arith.constant dense<0.000000e+00> : vector<128xf32>
    %reduce_sum3A_582 = vector.multi_reduction <add>, %mul3A_580, %reduce_sum3A_581 [1] : vector<128x32xf32> to vector<128xf32>
    %broadcast_in_dim3A_583 = vector.shape_cast %reduce_sum3A_582 : vector<128xf32> to vector<128x1xf32>
    %slice3A_584 = vector.extract_strided_slice %convert_element_type3A_502 {offsets = [768, 0], sizes = [128, 32], strides = [1, 1]} : vector<2048x32xf32> to vector<128x32xf32>
    %dot_general3A_585 = arith.constant dense<0.000000e+00> : vector<128x32xf32>
    %dot_general3A_586 = tpu.matmul %convert_element_type3A_10, %slice3A_584, %dot_general3A_585 {dimension_numbers = #tpu.dot_dimension_numbers<[1], [0], [0], [1], [0, 0, 1, 1], [], []>, transpose_lhs_hint = false} : vector<128x128xf32>, vector<128x32xf32>, vector<128x32xf32> -> vector<128x32xf32>
    %slice3A_587 = vector.extract_strided_slice %dot_general3A_506 {offsets = [6, 0], sizes = [1, 32], strides = [1, 1]} : vector<16x32xf32> to vector<1x32xf32>
    %add3A_588 = vector.broadcast %slice3A_587 : vector<1x32xf32> to vector<128x32xf32>
    %add3A_589 = arith.addf %dot_general3A_586, %add3A_588 : vector<128x32xf32>
    %add3A_590 = vector.broadcast %dot_general3A_511 : vector<1x32xf32> to vector<128x32xf32>
    %add3A_591 = arith.addf %add3A_589, %add3A_590 : vector<128x32xf32>
    %mul3A_592 = arith.mulf %add3A_591, %slice3A_584 : vector<128x32xf32>
    %reduce_sum3A_593 = arith.constant dense<0.000000e+00> : vector<128xf32>
    %reduce_sum3A_594 = vector.multi_reduction <add>, %mul3A_592, %reduce_sum3A_593 [1] : vector<128x32xf32> to vector<128xf32>
    %broadcast_in_dim3A_595 = vector.shape_cast %reduce_sum3A_594 : vector<128xf32> to vector<128x1xf32>
    %slice3A_596 = vector.extract_strided_slice %convert_element_type3A_502 {offsets = [896, 0], sizes = [128, 32], strides = [1, 1]} : vector<2048x32xf32> to vector<128x32xf32>
    %dot_general3A_597 = arith.constant dense<0.000000e+00> : vector<128x32xf32>
    %dot_general3A_598 = tpu.matmul %convert_element_type3A_10, %slice3A_596, %dot_general3A_597 {dimension_numbers = #tpu.dot_dimension_numbers<[1], [0], [0], [1], [0, 0, 1, 1], [], []>, transpose_lhs_hint = false} : vector<128x128xf32>, vector<128x32xf32>, vector<128x32xf32> -> vector<128x32xf32>
    %slice3A_599 = vector.extract_strided_slice %dot_general3A_506 {offsets = [7, 0], sizes = [1, 32], strides = [1, 1]} : vector<16x32xf32> to vector<1x32xf32>
    %add3A_600 = vector.broadcast %slice3A_599 : vector<1x32xf32> to vector<128x32xf32>
    %add3A_601 = arith.addf %dot_general3A_598, %add3A_600 : vector<128x32xf32>
    %add3A_602 = vector.broadcast %dot_general3A_511 : vector<1x32xf32> to vector<128x32xf32>
    %add3A_603 = arith.addf %add3A_601, %add3A_602 : vector<128x32xf32>
    %mul3A_604 = arith.mulf %add3A_603, %slice3A_596 : vector<128x32xf32>
    %reduce_sum3A_605 = arith.constant dense<0.000000e+00> : vector<128xf32>
    %reduce_sum3A_606 = vector.multi_reduction <add>, %mul3A_604, %reduce_sum3A_605 [1] : vector<128x32xf32> to vector<128xf32>
    %broadcast_in_dim3A_607 = vector.shape_cast %reduce_sum3A_606 : vector<128xf32> to vector<128x1xf32>
    %slice3A_608 = vector.extract_strided_slice %convert_element_type3A_502 {offsets = [1024, 0], sizes = [128, 32], strides = [1, 1]} : vector<2048x32xf32> to vector<128x32xf32>
    %dot_general3A_609 = arith.constant dense<0.000000e+00> : vector<128x32xf32>
    %dot_general3A_610 = tpu.matmul %convert_element_type3A_10, %slice3A_608, %dot_general3A_609 {dimension_numbers = #tpu.dot_dimension_numbers<[1], [0], [0], [1], [0, 0, 1, 1], [], []>, transpose_lhs_hint = false} : vector<128x128xf32>, vector<128x32xf32>, vector<128x32xf32> -> vector<128x32xf32>
    %slice3A_611 = vector.extract_strided_slice %dot_general3A_506 {offsets = [8, 0], sizes = [1, 32], strides = [1, 1]} : vector<16x32xf32> to vector<1x32xf32>
    %add3A_612 = vector.broadcast %slice3A_611 : vector<1x32xf32> to vector<128x32xf32>
    %add3A_613 = arith.addf %dot_general3A_610, %add3A_612 : vector<128x32xf32>
    %add3A_614 = vector.broadcast %dot_general3A_511 : vector<1x32xf32> to vector<128x32xf32>
    %add3A_615 = arith.addf %add3A_613, %add3A_614 : vector<128x32xf32>
    %mul3A_616 = arith.mulf %add3A_615, %slice3A_608 : vector<128x32xf32>
    %reduce_sum3A_617 = arith.constant dense<0.000000e+00> : vector<128xf32>
    %reduce_sum3A_618 = vector.multi_reduction <add>, %mul3A_616, %reduce_sum3A_617 [1] : vector<128x32xf32> to vector<128xf32>
    %broadcast_in_dim3A_619 = vector.shape_cast %reduce_sum3A_618 : vector<128xf32> to vector<128x1xf32>
    %slice3A_620 = vector.extract_strided_slice %convert_element_type3A_502 {offsets = [1152, 0], sizes = [128, 32], strides = [1, 1]} : vector<2048x32xf32> to vector<128x32xf32>
    %dot_general3A_621 = arith.constant dense<0.000000e+00> : vector<128x32xf32>
    %dot_general3A_622 = tpu.matmul %convert_element_type3A_10, %slice3A_620, %dot_general3A_621 {dimension_numbers = #tpu.dot_dimension_numbers<[1], [0], [0], [1], [0, 0, 1, 1], [], []>, transpose_lhs_hint = false} : vector<128x128xf32>, vector<128x32xf32>, vector<128x32xf32> -> vector<128x32xf32>
    %slice3A_623 = vector.extract_strided_slice %dot_general3A_506 {offsets = [9, 0], sizes = [1, 32], strides = [1, 1]} : vector<16x32xf32> to vector<1x32xf32>
    %add3A_624 = vector.broadcast %slice3A_623 : vector<1x32xf32> to vector<128x32xf32>
    %add3A_625 = arith.addf %dot_general3A_622, %add3A_624 : vector<128x32xf32>
    %add3A_626 = vector.broadcast %dot_general3A_511 : vector<1x32xf32> to vector<128x32xf32>
    %add3A_627 = arith.addf %add3A_625, %add3A_626 : vector<128x32xf32>
    %mul3A_628 = arith.mulf %add3A_627, %slice3A_620 : vector<128x32xf32>
    %reduce_sum3A_629 = arith.constant dense<0.000000e+00> : vector<128xf32>
    %reduce_sum3A_630 = vector.multi_reduction <add>, %mul3A_628, %reduce_sum3A_629 [1] : vector<128x32xf32> to vector<128xf32>
    %broadcast_in_dim3A_631 = vector.shape_cast %reduce_sum3A_630 : vector<128xf32> to vector<128x1xf32>
    %slice3A_632 = vector.extract_strided_slice %convert_element_type3A_502 {offsets = [1280, 0], sizes = [128, 32], strides = [1, 1]} : vector<2048x32xf32> to vector<128x32xf32>
    %dot_general3A_633 = arith.constant dense<0.000000e+00> : vector<128x32xf32>
    %dot_general3A_634 = tpu.matmul %convert_element_type3A_10, %slice3A_632, %dot_general3A_633 {dimension_numbers = #tpu.dot_dimension_numbers<[1], [0], [0], [1], [0, 0, 1, 1], [], []>, transpose_lhs_hint = false} : vector<128x128xf32>, vector<128x32xf32>, vector<128x32xf32> -> vector<128x32xf32>
    %slice3A_635 = vector.extract_strided_slice %dot_general3A_506 {offsets = [10, 0], sizes = [1, 32], strides = [1, 1]} : vector<16x32xf32> to vector<1x32xf32>
    %add3A_636 = vector.broadcast %slice3A_635 : vector<1x32xf32> to vector<128x32xf32>
    %add3A_637 = arith.addf %dot_general3A_634, %add3A_636 : vector<128x32xf32>
    %add3A_638 = vector.broadcast %dot_general3A_511 : vector<1x32xf32> to vector<128x32xf32>
    %add3A_639 = arith.addf %add3A_637, %add3A_638 : vector<128x32xf32>
    %mul3A_640 = arith.mulf %add3A_639, %slice3A_632 : vector<128x32xf32>
    %reduce_sum3A_641 = arith.constant dense<0.000000e+00> : vector<128xf32>
    %reduce_sum3A_642 = vector.multi_reduction <add>, %mul3A_640, %reduce_sum3A_641 [1] : vector<128x32xf32> to vector<128xf32>
    %broadcast_in_dim3A_643 = vector.shape_cast %reduce_sum3A_642 : vector<128xf32> to vector<128x1xf32>
    %slice3A_644 = vector.extract_strided_slice %convert_element_type3A_502 {offsets = [1408, 0], sizes = [128, 32], strides = [1, 1]} : vector<2048x32xf32> to vector<128x32xf32>
    %dot_general3A_645 = arith.constant dense<0.000000e+00> : vector<128x32xf32>
    %dot_general3A_646 = tpu.matmul %convert_element_type3A_10, %slice3A_644, %dot_general3A_645 {dimension_numbers = #tpu.dot_dimension_numbers<[1], [0], [0], [1], [0, 0, 1, 1], [], []>, transpose_lhs_hint = false} : vector<128x128xf32>, vector<128x32xf32>, vector<128x32xf32> -> vector<128x32xf32>
    %slice3A_647 = vector.extract_strided_slice %dot_general3A_506 {offsets = [11, 0], sizes = [1, 32], strides = [1, 1]} : vector<16x32xf32> to vector<1x32xf32>
    %add3A_648 = vector.broadcast %slice3A_647 : vector<1x32xf32> to vector<128x32xf32>
    %add3A_649 = arith.addf %dot_general3A_646, %add3A_648 : vector<128x32xf32>
    %add3A_650 = vector.broadcast %dot_general3A_511 : vector<1x32xf32> to vector<128x32xf32>
    %add3A_651 = arith.addf %add3A_649, %add3A_650 : vector<128x32xf32>
    %mul3A_652 = arith.mulf %add3A_651, %slice3A_644 : vector<128x32xf32>
    %reduce_sum3A_653 = arith.constant dense<0.000000e+00> : vector<128xf32>
    %reduce_sum3A_654 = vector.multi_reduction <add>, %mul3A_652, %reduce_sum3A_653 [1] : vector<128x32xf32> to vector<128xf32>
    %broadcast_in_dim3A_655 = vector.shape_cast %reduce_sum3A_654 : vector<128xf32> to vector<128x1xf32>
    %slice3A_656 = vector.extract_strided_slice %convert_element_type3A_502 {offsets = [1536, 0], sizes = [128, 32], strides = [1, 1]} : vector<2048x32xf32> to vector<128x32xf32>
    %dot_general3A_657 = arith.constant dense<0.000000e+00> : vector<128x32xf32>
    %dot_general3A_658 = tpu.matmul %convert_element_type3A_10, %slice3A_656, %dot_general3A_657 {dimension_numbers = #tpu.dot_dimension_numbers<[1], [0], [0], [1], [0, 0, 1, 1], [], []>, transpose_lhs_hint = false} : vector<128x128xf32>, vector<128x32xf32>, vector<128x32xf32> -> vector<128x32xf32>
    %slice3A_659 = vector.extract_strided_slice %dot_general3A_506 {offsets = [12, 0], sizes = [1, 32], strides = [1, 1]} : vector<16x32xf32> to vector<1x32xf32>
    %add3A_660 = vector.broadcast %slice3A_659 : vector<1x32xf32> to vector<128x32xf32>
    %add3A_661 = arith.addf %dot_general3A_658, %add3A_660 : vector<128x32xf32>
    %add3A_662 = vector.broadcast %dot_general3A_511 : vector<1x32xf32> to vector<128x32xf32>
    %add3A_663 = arith.addf %add3A_661, %add3A_662 : vector<128x32xf32>
    %mul3A_664 = arith.mulf %add3A_663, %slice3A_656 : vector<128x32xf32>
    %reduce_sum3A_665 = arith.constant dense<0.000000e+00> : vector<128xf32>
    %reduce_sum3A_666 = vector.multi_reduction <add>, %mul3A_664, %reduce_sum3A_665 [1] : vector<128x32xf32> to vector<128xf32>
    %broadcast_in_dim3A_667 = vector.shape_cast %reduce_sum3A_666 : vector<128xf32> to vector<128x1xf32>
    %slice3A_668 = vector.extract_strided_slice %convert_element_type3A_502 {offsets = [1664, 0], sizes = [128, 32], strides = [1, 1]} : vector<2048x32xf32> to vector<128x32xf32>
    %dot_general3A_669 = arith.constant dense<0.000000e+00> : vector<128x32xf32>
    %dot_general3A_670 = tpu.matmul %convert_element_type3A_10, %slice3A_668, %dot_general3A_669 {dimension_numbers = #tpu.dot_dimension_numbers<[1], [0], [0], [1], [0, 0, 1, 1], [], []>, transpose_lhs_hint = false} : vector<128x128xf32>, vector<128x32xf32>, vector<128x32xf32> -> vector<128x32xf32>
    %slice3A_671 = vector.extract_strided_slice %dot_general3A_506 {offsets = [13, 0], sizes = [1, 32], strides = [1, 1]} : vector<16x32xf32> to vector<1x32xf32>
    %add3A_672 = vector.broadcast %slice3A_671 : vector<1x32xf32> to vector<128x32xf32>
    %add3A_673 = arith.addf %dot_general3A_670, %add3A_672 : vector<128x32xf32>
    %add3A_674 = vector.broadcast %dot_general3A_511 : vector<1x32xf32> to vector<128x32xf32>
    %add3A_675 = arith.addf %add3A_673, %add3A_674 : vector<128x32xf32>
    %mul3A_676 = arith.mulf %add3A_675, %slice3A_668 : vector<128x32xf32>
    %reduce_sum3A_677 = arith.constant dense<0.000000e+00> : vector<128xf32>
    %reduce_sum3A_678 = vector.multi_reduction <add>, %mul3A_676, %reduce_sum3A_677 [1] : vector<128x32xf32> to vector<128xf32>
    %broadcast_in_dim3A_679 = vector.shape_cast %reduce_sum3A_678 : vector<128xf32> to vector<128x1xf32>
    %slice3A_680 = vector.extract_strided_slice %convert_element_type3A_502 {offsets = [1792, 0], sizes = [128, 32], strides = [1, 1]} : vector<2048x32xf32> to vector<128x32xf32>
    %dot_general3A_681 = arith.constant dense<0.000000e+00> : vector<128x32xf32>
    %dot_general3A_682 = tpu.matmul %convert_element_type3A_10, %slice3A_680, %dot_general3A_681 {dimension_numbers = #tpu.dot_dimension_numbers<[1], [0], [0], [1], [0, 0, 1, 1], [], []>, transpose_lhs_hint = false} : vector<128x128xf32>, vector<128x32xf32>, vector<128x32xf32> -> vector<128x32xf32>
    %slice3A_683 = vector.extract_strided_slice %dot_general3A_506 {offsets = [14, 0], sizes = [1, 32], strides = [1, 1]} : vector<16x32xf32> to vector<1x32xf32>
    %add3A_684 = vector.broadcast %slice3A_683 : vector<1x32xf32> to vector<128x32xf32>
    %add3A_685 = arith.addf %dot_general3A_682, %add3A_684 : vector<128x32xf32>
    %add3A_686 = vector.broadcast %dot_general3A_511 : vector<1x32xf32> to vector<128x32xf32>
    %add3A_687 = arith.addf %add3A_685, %add3A_686 : vector<128x32xf32>
    %mul3A_688 = arith.mulf %add3A_687, %slice3A_680 : vector<128x32xf32>
    %reduce_sum3A_689 = arith.constant dense<0.000000e+00> : vector<128xf32>
    %reduce_sum3A_690 = vector.multi_reduction <add>, %mul3A_688, %reduce_sum3A_689 [1] : vector<128x32xf32> to vector<128xf32>
    %broadcast_in_dim3A_691 = vector.shape_cast %reduce_sum3A_690 : vector<128xf32> to vector<128x1xf32>
    %slice3A_692 = vector.extract_strided_slice %convert_element_type3A_502 {offsets = [1920, 0], sizes = [128, 32], strides = [1, 1]} : vector<2048x32xf32> to vector<128x32xf32>
    %dot_general3A_693 = arith.constant dense<0.000000e+00> : vector<128x32xf32>
    %dot_general3A_694 = tpu.matmul %convert_element_type3A_10, %slice3A_692, %dot_general3A_693 {dimension_numbers = #tpu.dot_dimension_numbers<[1], [0], [0], [1], [0, 0, 1, 1], [], []>, transpose_lhs_hint = false} : vector<128x128xf32>, vector<128x32xf32>, vector<128x32xf32> -> vector<128x32xf32>
    %slice3A_695 = vector.extract_strided_slice %dot_general3A_506 {offsets = [15, 0], sizes = [1, 32], strides = [1, 1]} : vector<16x32xf32> to vector<1x32xf32>
    %add3A_696 = vector.broadcast %slice3A_695 : vector<1x32xf32> to vector<128x32xf32>
    %add3A_697 = arith.addf %dot_general3A_694, %add3A_696 : vector<128x32xf32>
    %add3A_698 = vector.broadcast %dot_general3A_511 : vector<1x32xf32> to vector<128x32xf32>
    %add3A_699 = arith.addf %add3A_697, %add3A_698 : vector<128x32xf32>
    %mul3A_700 = arith.mulf %add3A_699, %slice3A_692 : vector<128x32xf32>
    %reduce_sum3A_701 = arith.constant dense<0.000000e+00> : vector<128xf32>
    %reduce_sum3A_702 = vector.multi_reduction <add>, %mul3A_700, %reduce_sum3A_701 [1] : vector<128x32xf32> to vector<128xf32>
    %broadcast_in_dim3A_703 = vector.shape_cast %reduce_sum3A_702 : vector<128xf32> to vector<128x1xf32>
    %concatenate3A_704 = tpu.concatenate %broadcast_in_dim3A_523, %broadcast_in_dim3A_535, %broadcast_in_dim3A_547, %broadcast_in_dim3A_559, %broadcast_in_dim3A_571, %broadcast_in_dim3A_583, %broadcast_in_dim3A_595, %broadcast_in_dim3A_607, %broadcast_in_dim3A_619, %broadcast_in_dim3A_631, %broadcast_in_dim3A_643, %broadcast_in_dim3A_655, %broadcast_in_dim3A_667, %broadcast_in_dim3A_679, %broadcast_in_dim3A_691, %broadcast_in_dim3A_703 in 0 : vector<128x1xf32>, vector<128x1xf32>, vector<128x1xf32>, vector<128x1xf32>, vector<128x1xf32>, vector<128x1xf32>, vector<128x1xf32>, vector<128x1xf32>, vector<128x1xf32>, vector<128x1xf32>, vector<128x1xf32>, vector<128x1xf32>, vector<128x1xf32>, vector<128x1xf32>, vector<128x1xf32>, vector<128x1xf32> -> vector<2048x1xf32>
    %slice3A_705 = vector.extract_strided_slice %dot_general3A_7 {offsets = [0, 48], sizes = [2048, 16], strides = [1, 1]} : vector<2048x64xf32> to vector<2048x16xf32>
    %neg3A_706 = arith.constant 0.000000e+00 : f32
    %neg3A_707 = vector.broadcast %neg3A_706 : f32 to vector<2048x16xf32>
    %neg3A_708 = arith.subf %neg3A_707, %slice3A_705 : vector<2048x16xf32>
    %concatenate3A_709 = tpu.concatenate %slice3A_705, %neg3A_708 in 1 : vector<2048x16xf32>, vector<2048x16xf32> -> vector<2048x32xf32>
    %reduce_max3A_710 = arith.constant dense<0xFF800000> : vector<2048xf32>
    %reduce_max3A_711 = vector.multi_reduction <maximumf>, %concatenate3A_709, %reduce_max3A_710 [1] : vector<2048x32xf32> to vector<2048xf32>
    %broadcast_in_dim3A_712 = vector.shape_cast %reduce_max3A_711 : vector<2048xf32> to vector<2048x1xf32>
    %ge3A_713 = vector.broadcast %broadcast_in_dim3A_712 : vector<2048x1xf32> to vector<2048x32xf32>
    %ge3A_714 = arith.cmpf oge, %concatenate3A_709, %ge3A_713 : vector<2048x32xf32>
    %jit3A_715 = arith.constant 64 : i32
    %broadcast_in_dim3A_716 = vector.broadcast %jit3A_715 : i32 to vector<2048x32xi32>
    %select_n3A_717 = arith.select %ge3A_714, %iota3A, %broadcast_in_dim3A_716 : vector<2048x32xi1>, vector<2048x32xi32>
    %reduce_min3A_718 = arith.constant dense<2147483647> : vector<2048xi32>
    %reduce_min3A_719 = vector.multi_reduction <minsi>, %select_n3A_717, %reduce_min3A_718 [1] : vector<2048x32xi32> to vector<2048xi32>
    %broadcast_in_dim3A_720 = vector.shape_cast %reduce_min3A_719 : vector<2048xi32> to vector<2048x1xi32>
    %eq3A_721 = vector.broadcast %broadcast_in_dim3A_720 : vector<2048x1xi32> to vector<2048x32xi32>
    %eq3A_722 = arith.cmpi eq, %iota3A, %eq3A_721 : vector<2048x32xi32>
    %convert_element_type3A_723 = arith.extui %eq3A_722 : vector<2048x32xi1> to vector<2048x32xi32>
    %convert_element_type3A_724 = arith.sitofp %convert_element_type3A_723 : vector<2048x32xi32> to vector<2048x32xf32>
    %dot_general3A_725 = arith.constant dense<0.000000e+00> : vector<16x32xf32>
    %dot_general3A_726 = tpu.matmul %convert_element_type3A_37, %convert_element_type3A_724, %dot_general3A_725 {dimension_numbers = #tpu.dot_dimension_numbers<[1], [0], [0], [1], [0, 0, 1, 1], [], []>, transpose_lhs_hint = false} : vector<16x2048xf32>, vector<2048x32xf32>, vector<16x32xf32> -> vector<16x32xf32>
    %dot_general3A_727 = arith.constant dense<0.000000e+00> : vector<16x32xf32>
    %dot_general3A_728 = tpu.matmul %convert_element_type3A_42, %dot_general3A_726, %dot_general3A_727 {dimension_numbers = #tpu.dot_dimension_numbers<[1], [0], [0], [1], [0, 0, 1, 1], [], []>, transpose_lhs_hint = false} : vector<16x16xf32>, vector<16x32xf32>, vector<16x32xf32> -> vector<16x32xf32>
    %reduce_sum3A_729 = arith.constant dense<0.000000e+00> : vector<32xf32>
    %reduce_sum3A_730 = vector.multi_reduction <add>, %dot_general3A_726, %reduce_sum3A_729 [0] : vector<16x32xf32> to vector<32xf32>
    %broadcast_in_dim3A_731 = vector.shape_cast %reduce_sum3A_730 : vector<32xf32> to vector<1x32xf32>
    %dot_general3A_732 = arith.constant dense<0.000000e+00> : vector<1x32xf32>
    %dot_general3A_733 = tpu.matmul %broadcast_in_dim3A_731, %convert_element_type3A_47, %dot_general3A_732 {dimension_numbers = #tpu.dot_dimension_numbers<[1], [0], [0], [1], [0, 0, 1, 1], [], []>, transpose_lhs_hint = false} : vector<1x32xf32>, vector<32x32xf32>, vector<1x32xf32> -> vector<1x32xf32>
    %slice3A_734 = vector.extract_strided_slice %convert_element_type3A_724 {offsets = [0, 0], sizes = [128, 32], strides = [1, 1]} : vector<2048x32xf32> to vector<128x32xf32>
    %dot_general3A_735 = arith.constant dense<0.000000e+00> : vector<128x32xf32>
    %dot_general3A_736 = tpu.matmul %convert_element_type3A_10, %slice3A_734, %dot_general3A_735 {dimension_numbers = #tpu.dot_dimension_numbers<[1], [0], [0], [1], [0, 0, 1, 1], [], []>, transpose_lhs_hint = false} : vector<128x128xf32>, vector<128x32xf32>, vector<128x32xf32> -> vector<128x32xf32>
    %slice3A_737 = vector.extract_strided_slice %dot_general3A_728 {offsets = [0, 0], sizes = [1, 32], strides = [1, 1]} : vector<16x32xf32> to vector<1x32xf32>
    %add3A_738 = vector.broadcast %slice3A_737 : vector<1x32xf32> to vector<128x32xf32>
    %add3A_739 = arith.addf %dot_general3A_736, %add3A_738 : vector<128x32xf32>
    %add3A_740 = vector.broadcast %dot_general3A_733 : vector<1x32xf32> to vector<128x32xf32>
    %add3A_741 = arith.addf %add3A_739, %add3A_740 : vector<128x32xf32>
    %mul3A_742 = arith.mulf %add3A_741, %slice3A_734 : vector<128x32xf32>
    %reduce_sum3A_743 = arith.constant dense<0.000000e+00> : vector<128xf32>
    %reduce_sum3A_744 = vector.multi_reduction <add>, %mul3A_742, %reduce_sum3A_743 [1] : vector<128x32xf32> to vector<128xf32>
    %broadcast_in_dim3A_745 = vector.shape_cast %reduce_sum3A_744 : vector<128xf32> to vector<128x1xf32>
    %slice3A_746 = vector.extract_strided_slice %convert_element_type3A_724 {offsets = [128, 0], sizes = [128, 32], strides = [1, 1]} : vector<2048x32xf32> to vector<128x32xf32>
    %dot_general3A_747 = arith.constant dense<0.000000e+00> : vector<128x32xf32>
    %dot_general3A_748 = tpu.matmul %convert_element_type3A_10, %slice3A_746, %dot_general3A_747 {dimension_numbers = #tpu.dot_dimension_numbers<[1], [0], [0], [1], [0, 0, 1, 1], [], []>, transpose_lhs_hint = false} : vector<128x128xf32>, vector<128x32xf32>, vector<128x32xf32> -> vector<128x32xf32>
    %slice3A_749 = vector.extract_strided_slice %dot_general3A_728 {offsets = [1, 0], sizes = [1, 32], strides = [1, 1]} : vector<16x32xf32> to vector<1x32xf32>
    %add3A_750 = vector.broadcast %slice3A_749 : vector<1x32xf32> to vector<128x32xf32>
    %add3A_751 = arith.addf %dot_general3A_748, %add3A_750 : vector<128x32xf32>
    %add3A_752 = vector.broadcast %dot_general3A_733 : vector<1x32xf32> to vector<128x32xf32>
    %add3A_753 = arith.addf %add3A_751, %add3A_752 : vector<128x32xf32>
    %mul3A_754 = arith.mulf %add3A_753, %slice3A_746 : vector<128x32xf32>
    %reduce_sum3A_755 = arith.constant dense<0.000000e+00> : vector<128xf32>
    %reduce_sum3A_756 = vector.multi_reduction <add>, %mul3A_754, %reduce_sum3A_755 [1] : vector<128x32xf32> to vector<128xf32>
    %broadcast_in_dim3A_757 = vector.shape_cast %reduce_sum3A_756 : vector<128xf32> to vector<128x1xf32>
    %slice3A_758 = vector.extract_strided_slice %convert_element_type3A_724 {offsets = [256, 0], sizes = [128, 32], strides = [1, 1]} : vector<2048x32xf32> to vector<128x32xf32>
    %dot_general3A_759 = arith.constant dense<0.000000e+00> : vector<128x32xf32>
    %dot_general3A_760 = tpu.matmul %convert_element_type3A_10, %slice3A_758, %dot_general3A_759 {dimension_numbers = #tpu.dot_dimension_numbers<[1], [0], [0], [1], [0, 0, 1, 1], [], []>, transpose_lhs_hint = false} : vector<128x128xf32>, vector<128x32xf32>, vector<128x32xf32> -> vector<128x32xf32>
    %slice3A_761 = vector.extract_strided_slice %dot_general3A_728 {offsets = [2, 0], sizes = [1, 32], strides = [1, 1]} : vector<16x32xf32> to vector<1x32xf32>
    %add3A_762 = vector.broadcast %slice3A_761 : vector<1x32xf32> to vector<128x32xf32>
    %add3A_763 = arith.addf %dot_general3A_760, %add3A_762 : vector<128x32xf32>
    %add3A_764 = vector.broadcast %dot_general3A_733 : vector<1x32xf32> to vector<128x32xf32>
    %add3A_765 = arith.addf %add3A_763, %add3A_764 : vector<128x32xf32>
    %mul3A_766 = arith.mulf %add3A_765, %slice3A_758 : vector<128x32xf32>
    %reduce_sum3A_767 = arith.constant dense<0.000000e+00> : vector<128xf32>
    %reduce_sum3A_768 = vector.multi_reduction <add>, %mul3A_766, %reduce_sum3A_767 [1] : vector<128x32xf32> to vector<128xf32>
    %broadcast_in_dim3A_769 = vector.shape_cast %reduce_sum3A_768 : vector<128xf32> to vector<128x1xf32>
    %slice3A_770 = vector.extract_strided_slice %convert_element_type3A_724 {offsets = [384, 0], sizes = [128, 32], strides = [1, 1]} : vector<2048x32xf32> to vector<128x32xf32>
    %dot_general3A_771 = arith.constant dense<0.000000e+00> : vector<128x32xf32>
    %dot_general3A_772 = tpu.matmul %convert_element_type3A_10, %slice3A_770, %dot_general3A_771 {dimension_numbers = #tpu.dot_dimension_numbers<[1], [0], [0], [1], [0, 0, 1, 1], [], []>, transpose_lhs_hint = false} : vector<128x128xf32>, vector<128x32xf32>, vector<128x32xf32> -> vector<128x32xf32>
    %slice3A_773 = vector.extract_strided_slice %dot_general3A_728 {offsets = [3, 0], sizes = [1, 32], strides = [1, 1]} : vector<16x32xf32> to vector<1x32xf32>
    %add3A_774 = vector.broadcast %slice3A_773 : vector<1x32xf32> to vector<128x32xf32>
    %add3A_775 = arith.addf %dot_general3A_772, %add3A_774 : vector<128x32xf32>
    %add3A_776 = vector.broadcast %dot_general3A_733 : vector<1x32xf32> to vector<128x32xf32>
    %add3A_777 = arith.addf %add3A_775, %add3A_776 : vector<128x32xf32>
    %mul3A_778 = arith.mulf %add3A_777, %slice3A_770 : vector<128x32xf32>
    %reduce_sum3A_779 = arith.constant dense<0.000000e+00> : vector<128xf32>
    %reduce_sum3A_780 = vector.multi_reduction <add>, %mul3A_778, %reduce_sum3A_779 [1] : vector<128x32xf32> to vector<128xf32>
    %broadcast_in_dim3A_781 = vector.shape_cast %reduce_sum3A_780 : vector<128xf32> to vector<128x1xf32>
    %slice3A_782 = vector.extract_strided_slice %convert_element_type3A_724 {offsets = [512, 0], sizes = [128, 32], strides = [1, 1]} : vector<2048x32xf32> to vector<128x32xf32>
    %dot_general3A_783 = arith.constant dense<0.000000e+00> : vector<128x32xf32>
    %dot_general3A_784 = tpu.matmul %convert_element_type3A_10, %slice3A_782, %dot_general3A_783 {dimension_numbers = #tpu.dot_dimension_numbers<[1], [0], [0], [1], [0, 0, 1, 1], [], []>, transpose_lhs_hint = false} : vector<128x128xf32>, vector<128x32xf32>, vector<128x32xf32> -> vector<128x32xf32>
    %slice3A_785 = vector.extract_strided_slice %dot_general3A_728 {offsets = [4, 0], sizes = [1, 32], strides = [1, 1]} : vector<16x32xf32> to vector<1x32xf32>
    %add3A_786 = vector.broadcast %slice3A_785 : vector<1x32xf32> to vector<128x32xf32>
    %add3A_787 = arith.addf %dot_general3A_784, %add3A_786 : vector<128x32xf32>
    %add3A_788 = vector.broadcast %dot_general3A_733 : vector<1x32xf32> to vector<128x32xf32>
    %add3A_789 = arith.addf %add3A_787, %add3A_788 : vector<128x32xf32>
    %mul3A_790 = arith.mulf %add3A_789, %slice3A_782 : vector<128x32xf32>
    %reduce_sum3A_791 = arith.constant dense<0.000000e+00> : vector<128xf32>
    %reduce_sum3A_792 = vector.multi_reduction <add>, %mul3A_790, %reduce_sum3A_791 [1] : vector<128x32xf32> to vector<128xf32>
    %broadcast_in_dim3A_793 = vector.shape_cast %reduce_sum3A_792 : vector<128xf32> to vector<128x1xf32>
    %slice3A_794 = vector.extract_strided_slice %convert_element_type3A_724 {offsets = [640, 0], sizes = [128, 32], strides = [1, 1]} : vector<2048x32xf32> to vector<128x32xf32>
    %dot_general3A_795 = arith.constant dense<0.000000e+00> : vector<128x32xf32>
    %dot_general3A_796 = tpu.matmul %convert_element_type3A_10, %slice3A_794, %dot_general3A_795 {dimension_numbers = #tpu.dot_dimension_numbers<[1], [0], [0], [1], [0, 0, 1, 1], [], []>, transpose_lhs_hint = false} : vector<128x128xf32>, vector<128x32xf32>, vector<128x32xf32> -> vector<128x32xf32>
    %slice3A_797 = vector.extract_strided_slice %dot_general3A_728 {offsets = [5, 0], sizes = [1, 32], strides = [1, 1]} : vector<16x32xf32> to vector<1x32xf32>
    %add3A_798 = vector.broadcast %slice3A_797 : vector<1x32xf32> to vector<128x32xf32>
    %add3A_799 = arith.addf %dot_general3A_796, %add3A_798 : vector<128x32xf32>
    %add3A_800 = vector.broadcast %dot_general3A_733 : vector<1x32xf32> to vector<128x32xf32>
    %add3A_801 = arith.addf %add3A_799, %add3A_800 : vector<128x32xf32>
    %mul3A_802 = arith.mulf %add3A_801, %slice3A_794 : vector<128x32xf32>
    %reduce_sum3A_803 = arith.constant dense<0.000000e+00> : vector<128xf32>
    %reduce_sum3A_804 = vector.multi_reduction <add>, %mul3A_802, %reduce_sum3A_803 [1] : vector<128x32xf32> to vector<128xf32>
    %broadcast_in_dim3A_805 = vector.shape_cast %reduce_sum3A_804 : vector<128xf32> to vector<128x1xf32>
    %slice3A_806 = vector.extract_strided_slice %convert_element_type3A_724 {offsets = [768, 0], sizes = [128, 32], strides = [1, 1]} : vector<2048x32xf32> to vector<128x32xf32>
    %dot_general3A_807 = arith.constant dense<0.000000e+00> : vector<128x32xf32>
    %dot_general3A_808 = tpu.matmul %convert_element_type3A_10, %slice3A_806, %dot_general3A_807 {dimension_numbers = #tpu.dot_dimension_numbers<[1], [0], [0], [1], [0, 0, 1, 1], [], []>, transpose_lhs_hint = false} : vector<128x128xf32>, vector<128x32xf32>, vector<128x32xf32> -> vector<128x32xf32>
    %slice3A_809 = vector.extract_strided_slice %dot_general3A_728 {offsets = [6, 0], sizes = [1, 32], strides = [1, 1]} : vector<16x32xf32> to vector<1x32xf32>
    %add3A_810 = vector.broadcast %slice3A_809 : vector<1x32xf32> to vector<128x32xf32>
    %add3A_811 = arith.addf %dot_general3A_808, %add3A_810 : vector<128x32xf32>
    %add3A_812 = vector.broadcast %dot_general3A_733 : vector<1x32xf32> to vector<128x32xf32>
    %add3A_813 = arith.addf %add3A_811, %add3A_812 : vector<128x32xf32>
    %mul3A_814 = arith.mulf %add3A_813, %slice3A_806 : vector<128x32xf32>
    %reduce_sum3A_815 = arith.constant dense<0.000000e+00> : vector<128xf32>
    %reduce_sum3A_816 = vector.multi_reduction <add>, %mul3A_814, %reduce_sum3A_815 [1] : vector<128x32xf32> to vector<128xf32>
    %broadcast_in_dim3A_817 = vector.shape_cast %reduce_sum3A_816 : vector<128xf32> to vector<128x1xf32>
    %slice3A_818 = vector.extract_strided_slice %convert_element_type3A_724 {offsets = [896, 0], sizes = [128, 32], strides = [1, 1]} : vector<2048x32xf32> to vector<128x32xf32>
    %dot_general3A_819 = arith.constant dense<0.000000e+00> : vector<128x32xf32>
    %dot_general3A_820 = tpu.matmul %convert_element_type3A_10, %slice3A_818, %dot_general3A_819 {dimension_numbers = #tpu.dot_dimension_numbers<[1], [0], [0], [1], [0, 0, 1, 1], [], []>, transpose_lhs_hint = false} : vector<128x128xf32>, vector<128x32xf32>, vector<128x32xf32> -> vector<128x32xf32>
    %slice3A_821 = vector.extract_strided_slice %dot_general3A_728 {offsets = [7, 0], sizes = [1, 32], strides = [1, 1]} : vector<16x32xf32> to vector<1x32xf32>
    %add3A_822 = vector.broadcast %slice3A_821 : vector<1x32xf32> to vector<128x32xf32>
    %add3A_823 = arith.addf %dot_general3A_820, %add3A_822 : vector<128x32xf32>
    %add3A_824 = vector.broadcast %dot_general3A_733 : vector<1x32xf32> to vector<128x32xf32>
    %add3A_825 = arith.addf %add3A_823, %add3A_824 : vector<128x32xf32>
    %mul3A_826 = arith.mulf %add3A_825, %slice3A_818 : vector<128x32xf32>
    %reduce_sum3A_827 = arith.constant dense<0.000000e+00> : vector<128xf32>
    %reduce_sum3A_828 = vector.multi_reduction <add>, %mul3A_826, %reduce_sum3A_827 [1] : vector<128x32xf32> to vector<128xf32>
    %broadcast_in_dim3A_829 = vector.shape_cast %reduce_sum3A_828 : vector<128xf32> to vector<128x1xf32>
    %slice3A_830 = vector.extract_strided_slice %convert_element_type3A_724 {offsets = [1024, 0], sizes = [128, 32], strides = [1, 1]} : vector<2048x32xf32> to vector<128x32xf32>
    %dot_general3A_831 = arith.constant dense<0.000000e+00> : vector<128x32xf32>
    %dot_general3A_832 = tpu.matmul %convert_element_type3A_10, %slice3A_830, %dot_general3A_831 {dimension_numbers = #tpu.dot_dimension_numbers<[1], [0], [0], [1], [0, 0, 1, 1], [], []>, transpose_lhs_hint = false} : vector<128x128xf32>, vector<128x32xf32>, vector<128x32xf32> -> vector<128x32xf32>
    %slice3A_833 = vector.extract_strided_slice %dot_general3A_728 {offsets = [8, 0], sizes = [1, 32], strides = [1, 1]} : vector<16x32xf32> to vector<1x32xf32>
    %add3A_834 = vector.broadcast %slice3A_833 : vector<1x32xf32> to vector<128x32xf32>
    %add3A_835 = arith.addf %dot_general3A_832, %add3A_834 : vector<128x32xf32>
    %add3A_836 = vector.broadcast %dot_general3A_733 : vector<1x32xf32> to vector<128x32xf32>
    %add3A_837 = arith.addf %add3A_835, %add3A_836 : vector<128x32xf32>
    %mul3A_838 = arith.mulf %add3A_837, %slice3A_830 : vector<128x32xf32>
    %reduce_sum3A_839 = arith.constant dense<0.000000e+00> : vector<128xf32>
    %reduce_sum3A_840 = vector.multi_reduction <add>, %mul3A_838, %reduce_sum3A_839 [1] : vector<128x32xf32> to vector<128xf32>
    %broadcast_in_dim3A_841 = vector.shape_cast %reduce_sum3A_840 : vector<128xf32> to vector<128x1xf32>
    %slice3A_842 = vector.extract_strided_slice %convert_element_type3A_724 {offsets = [1152, 0], sizes = [128, 32], strides = [1, 1]} : vector<2048x32xf32> to vector<128x32xf32>
    %dot_general3A_843 = arith.constant dense<0.000000e+00> : vector<128x32xf32>
    %dot_general3A_844 = tpu.matmul %convert_element_type3A_10, %slice3A_842, %dot_general3A_843 {dimension_numbers = #tpu.dot_dimension_numbers<[1], [0], [0], [1], [0, 0, 1, 1], [], []>, transpose_lhs_hint = false} : vector<128x128xf32>, vector<128x32xf32>, vector<128x32xf32> -> vector<128x32xf32>
    %slice3A_845 = vector.extract_strided_slice %dot_general3A_728 {offsets = [9, 0], sizes = [1, 32], strides = [1, 1]} : vector<16x32xf32> to vector<1x32xf32>
    %add3A_846 = vector.broadcast %slice3A_845 : vector<1x32xf32> to vector<128x32xf32>
    %add3A_847 = arith.addf %dot_general3A_844, %add3A_846 : vector<128x32xf32>
    %add3A_848 = vector.broadcast %dot_general3A_733 : vector<1x32xf32> to vector<128x32xf32>
    %add3A_849 = arith.addf %add3A_847, %add3A_848 : vector<128x32xf32>
    %mul3A_850 = arith.mulf %add3A_849, %slice3A_842 : vector<128x32xf32>
    %reduce_sum3A_851 = arith.constant dense<0.000000e+00> : vector<128xf32>
    %reduce_sum3A_852 = vector.multi_reduction <add>, %mul3A_850, %reduce_sum3A_851 [1] : vector<128x32xf32> to vector<128xf32>
    %broadcast_in_dim3A_853 = vector.shape_cast %reduce_sum3A_852 : vector<128xf32> to vector<128x1xf32>
    %slice3A_854 = vector.extract_strided_slice %convert_element_type3A_724 {offsets = [1280, 0], sizes = [128, 32], strides = [1, 1]} : vector<2048x32xf32> to vector<128x32xf32>
    %dot_general3A_855 = arith.constant dense<0.000000e+00> : vector<128x32xf32>
    %dot_general3A_856 = tpu.matmul %convert_element_type3A_10, %slice3A_854, %dot_general3A_855 {dimension_numbers = #tpu.dot_dimension_numbers<[1], [0], [0], [1], [0, 0, 1, 1], [], []>, transpose_lhs_hint = false} : vector<128x128xf32>, vector<128x32xf32>, vector<128x32xf32> -> vector<128x32xf32>
    %slice3A_857 = vector.extract_strided_slice %dot_general3A_728 {offsets = [10, 0], sizes = [1, 32], strides = [1, 1]} : vector<16x32xf32> to vector<1x32xf32>
    %add3A_858 = vector.broadcast %slice3A_857 : vector<1x32xf32> to vector<128x32xf32>
    %add3A_859 = arith.addf %dot_general3A_856, %add3A_858 : vector<128x32xf32>
    %add3A_860 = vector.broadcast %dot_general3A_733 : vector<1x32xf32> to vector<128x32xf32>
    %add3A_861 = arith.addf %add3A_859, %add3A_860 : vector<128x32xf32>
    %mul3A_862 = arith.mulf %add3A_861, %slice3A_854 : vector<128x32xf32>
    %reduce_sum3A_863 = arith.constant dense<0.000000e+00> : vector<128xf32>
    %reduce_sum3A_864 = vector.multi_reduction <add>, %mul3A_862, %reduce_sum3A_863 [1] : vector<128x32xf32> to vector<128xf32>
    %broadcast_in_dim3A_865 = vector.shape_cast %reduce_sum3A_864 : vector<128xf32> to vector<128x1xf32>
    %slice3A_866 = vector.extract_strided_slice %convert_element_type3A_724 {offsets = [1408, 0], sizes = [128, 32], strides = [1, 1]} : vector<2048x32xf32> to vector<128x32xf32>
    %dot_general3A_867 = arith.constant dense<0.000000e+00> : vector<128x32xf32>
    %dot_general3A_868 = tpu.matmul %convert_element_type3A_10, %slice3A_866, %dot_general3A_867 {dimension_numbers = #tpu.dot_dimension_numbers<[1], [0], [0], [1], [0, 0, 1, 1], [], []>, transpose_lhs_hint = false} : vector<128x128xf32>, vector<128x32xf32>, vector<128x32xf32> -> vector<128x32xf32>
    %slice3A_869 = vector.extract_strided_slice %dot_general3A_728 {offsets = [11, 0], sizes = [1, 32], strides = [1, 1]} : vector<16x32xf32> to vector<1x32xf32>
    %add3A_870 = vector.broadcast %slice3A_869 : vector<1x32xf32> to vector<128x32xf32>
    %add3A_871 = arith.addf %dot_general3A_868, %add3A_870 : vector<128x32xf32>
    %add3A_872 = vector.broadcast %dot_general3A_733 : vector<1x32xf32> to vector<128x32xf32>
    %add3A_873 = arith.addf %add3A_871, %add3A_872 : vector<128x32xf32>
    %mul3A_874 = arith.mulf %add3A_873, %slice3A_866 : vector<128x32xf32>
    %reduce_sum3A_875 = arith.constant dense<0.000000e+00> : vector<128xf32>
    %reduce_sum3A_876 = vector.multi_reduction <add>, %mul3A_874, %reduce_sum3A_875 [1] : vector<128x32xf32> to vector<128xf32>
    %broadcast_in_dim3A_877 = vector.shape_cast %reduce_sum3A_876 : vector<128xf32> to vector<128x1xf32>
    %slice3A_878 = vector.extract_strided_slice %convert_element_type3A_724 {offsets = [1536, 0], sizes = [128, 32], strides = [1, 1]} : vector<2048x32xf32> to vector<128x32xf32>
    %dot_general3A_879 = arith.constant dense<0.000000e+00> : vector<128x32xf32>
    %dot_general3A_880 = tpu.matmul %convert_element_type3A_10, %slice3A_878, %dot_general3A_879 {dimension_numbers = #tpu.dot_dimension_numbers<[1], [0], [0], [1], [0, 0, 1, 1], [], []>, transpose_lhs_hint = false} : vector<128x128xf32>, vector<128x32xf32>, vector<128x32xf32> -> vector<128x32xf32>
    %slice3A_881 = vector.extract_strided_slice %dot_general3A_728 {offsets = [12, 0], sizes = [1, 32], strides = [1, 1]} : vector<16x32xf32> to vector<1x32xf32>
    %add3A_882 = vector.broadcast %slice3A_881 : vector<1x32xf32> to vector<128x32xf32>
    %add3A_883 = arith.addf %dot_general3A_880, %add3A_882 : vector<128x32xf32>
    %add3A_884 = vector.broadcast %dot_general3A_733 : vector<1x32xf32> to vector<128x32xf32>
    %add3A_885 = arith.addf %add3A_883, %add3A_884 : vector<128x32xf32>
    %mul3A_886 = arith.mulf %add3A_885, %slice3A_878 : vector<128x32xf32>
    %reduce_sum3A_887 = arith.constant dense<0.000000e+00> : vector<128xf32>
    %reduce_sum3A_888 = vector.multi_reduction <add>, %mul3A_886, %reduce_sum3A_887 [1] : vector<128x32xf32> to vector<128xf32>
    %broadcast_in_dim3A_889 = vector.shape_cast %reduce_sum3A_888 : vector<128xf32> to vector<128x1xf32>
    %slice3A_890 = vector.extract_strided_slice %convert_element_type3A_724 {offsets = [1664, 0], sizes = [128, 32], strides = [1, 1]} : vector<2048x32xf32> to vector<128x32xf32>
    %dot_general3A_891 = arith.constant dense<0.000000e+00> : vector<128x32xf32>
    %dot_general3A_892 = tpu.matmul %convert_element_type3A_10, %slice3A_890, %dot_general3A_891 {dimension_numbers = #tpu.dot_dimension_numbers<[1], [0], [0], [1], [0, 0, 1, 1], [], []>, transpose_lhs_hint = false} : vector<128x128xf32>, vector<128x32xf32>, vector<128x32xf32> -> vector<128x32xf32>
    %slice3A_893 = vector.extract_strided_slice %dot_general3A_728 {offsets = [13, 0], sizes = [1, 32], strides = [1, 1]} : vector<16x32xf32> to vector<1x32xf32>
    %add3A_894 = vector.broadcast %slice3A_893 : vector<1x32xf32> to vector<128x32xf32>
    %add3A_895 = arith.addf %dot_general3A_892, %add3A_894 : vector<128x32xf32>
    %add3A_896 = vector.broadcast %dot_general3A_733 : vector<1x32xf32> to vector<128x32xf32>
    %add3A_897 = arith.addf %add3A_895, %add3A_896 : vector<128x32xf32>
    %mul3A_898 = arith.mulf %add3A_897, %slice3A_890 : vector<128x32xf32>
    %reduce_sum3A_899 = arith.constant dense<0.000000e+00> : vector<128xf32>
    %reduce_sum3A_900 = vector.multi_reduction <add>, %mul3A_898, %reduce_sum3A_899 [1] : vector<128x32xf32> to vector<128xf32>
    %broadcast_in_dim3A_901 = vector.shape_cast %reduce_sum3A_900 : vector<128xf32> to vector<128x1xf32>
    %slice3A_902 = vector.extract_strided_slice %convert_element_type3A_724 {offsets = [1792, 0], sizes = [128, 32], strides = [1, 1]} : vector<2048x32xf32> to vector<128x32xf32>
    %dot_general3A_903 = arith.constant dense<0.000000e+00> : vector<128x32xf32>
    %dot_general3A_904 = tpu.matmul %convert_element_type3A_10, %slice3A_902, %dot_general3A_903 {dimension_numbers = #tpu.dot_dimension_numbers<[1], [0], [0], [1], [0, 0, 1, 1], [], []>, transpose_lhs_hint = false} : vector<128x128xf32>, vector<128x32xf32>, vector<128x32xf32> -> vector<128x32xf32>
    %slice3A_905 = vector.extract_strided_slice %dot_general3A_728 {offsets = [14, 0], sizes = [1, 32], strides = [1, 1]} : vector<16x32xf32> to vector<1x32xf32>
    %add3A_906 = vector.broadcast %slice3A_905 : vector<1x32xf32> to vector<128x32xf32>
    %add3A_907 = arith.addf %dot_general3A_904, %add3A_906 : vector<128x32xf32>
    %add3A_908 = vector.broadcast %dot_general3A_733 : vector<1x32xf32> to vector<128x32xf32>
    %add3A_909 = arith.addf %add3A_907, %add3A_908 : vector<128x32xf32>
    %mul3A_910 = arith.mulf %add3A_909, %slice3A_902 : vector<128x32xf32>
    %reduce_sum3A_911 = arith.constant dense<0.000000e+00> : vector<128xf32>
    %reduce_sum3A_912 = vector.multi_reduction <add>, %mul3A_910, %reduce_sum3A_911 [1] : vector<128x32xf32> to vector<128xf32>
    %broadcast_in_dim3A_913 = vector.shape_cast %reduce_sum3A_912 : vector<128xf32> to vector<128x1xf32>
    %slice3A_914 = vector.extract_strided_slice %convert_element_type3A_724 {offsets = [1920, 0], sizes = [128, 32], strides = [1, 1]} : vector<2048x32xf32> to vector<128x32xf32>
    %dot_general3A_915 = arith.constant dense<0.000000e+00> : vector<128x32xf32>
    %dot_general3A_916 = tpu.matmul %convert_element_type3A_10, %slice3A_914, %dot_general3A_915 {dimension_numbers = #tpu.dot_dimension_numbers<[1], [0], [0], [1], [0, 0, 1, 1], [], []>, transpose_lhs_hint = false} : vector<128x128xf32>, vector<128x32xf32>, vector<128x32xf32> -> vector<128x32xf32>
    %slice3A_917 = vector.extract_strided_slice %dot_general3A_728 {offsets = [15, 0], sizes = [1, 32], strides = [1, 1]} : vector<16x32xf32> to vector<1x32xf32>
    %add3A_918 = vector.broadcast %slice3A_917 : vector<1x32xf32> to vector<128x32xf32>
    %add3A_919 = arith.addf %dot_general3A_916, %add3A_918 : vector<128x32xf32>
    %add3A_920 = vector.broadcast %dot_general3A_733 : vector<1x32xf32> to vector<128x32xf32>
    %add3A_921 = arith.addf %add3A_919, %add3A_920 : vector<128x32xf32>
    %mul3A_922 = arith.mulf %add3A_921, %slice3A_914 : vector<128x32xf32>
    %reduce_sum3A_923 = arith.constant dense<0.000000e+00> : vector<128xf32>
    %reduce_sum3A_924 = vector.multi_reduction <add>, %mul3A_922, %reduce_sum3A_923 [1] : vector<128x32xf32> to vector<128xf32>
    %broadcast_in_dim3A_925 = vector.shape_cast %reduce_sum3A_924 : vector<128xf32> to vector<128x1xf32>
    %concatenate3A_926 = tpu.concatenate %broadcast_in_dim3A_745, %broadcast_in_dim3A_757, %broadcast_in_dim3A_769, %broadcast_in_dim3A_781, %broadcast_in_dim3A_793, %broadcast_in_dim3A_805, %broadcast_in_dim3A_817, %broadcast_in_dim3A_829, %broadcast_in_dim3A_841, %broadcast_in_dim3A_853, %broadcast_in_dim3A_865, %broadcast_in_dim3A_877, %broadcast_in_dim3A_889, %broadcast_in_dim3A_901, %broadcast_in_dim3A_913, %broadcast_in_dim3A_925 in 0 : vector<128x1xf32>, vector<128x1xf32>, vector<128x1xf32>, vector<128x1xf32>, vector<128x1xf32>, vector<128x1xf32>, vector<128x1xf32>, vector<128x1xf32>, vector<128x1xf32>, vector<128x1xf32>, vector<128x1xf32>, vector<128x1xf32>, vector<128x1xf32>, vector<128x1xf32>, vector<128x1xf32>, vector<128x1xf32> -> vector<2048x1xf32>
    %concatenate3A_927 = tpu.concatenate %concatenate3A_260, %concatenate3A_482, %concatenate3A_704, %concatenate3A_926 in 1 : vector<2048x1xf32>, vector<2048x1xf32>, vector<2048x1xf32>, vector<2048x1xf32> -> vector<2048x4xf32>
    %convert_element_type3A_928 = arith.fptosi %concatenate3A_927 : vector<2048x4xf32> to vector<2048x4xi32>
    %swap3A = arith.constant 0 : index
    %swap3A_929 = arith.constant 0 : index
    %swap3A_930 = arith.constant 0 : index
    %swap3A_931 = vector.load %arg3[%swap3A, %swap3A_929, %swap3A_930] : memref<1x2048x4xi32, #tpu.memory_space<vmem>>, vector<1x2048x4xi32>
    %swap3A_932 = vector.shape_cast %swap3A_931 : vector<1x2048x4xi32> to vector<2048x4xi32>
    %swap3A_933 = vector.shape_cast %convert_element_type3A_928 : vector<2048x4xi32> to vector<1x2048x4xi32>
    tpu.vector_store %arg3[%swap3A, %swap3A_929, %swap3A_930], %swap3A_933 {strides = array<i32>} : memref<1x2048x4xi32, #tpu.memory_space<vmem>>, vector<1x2048x4xi32>,
    return
  }
  func.func @transform_0(%arg0: i32) -> (i32, i32, i32) {
    %c0_i32 = arith.constant 0 : i32
    %c0_i32_0 = arith.constant 0 : i32
    %c0_i32_1 = arith.constant 0 : i32
    return %arg0, %c0_i32, %c0_i32_0 : i32, i32, i32
  }
  func.func @transform_1(%arg0: i32) -> (i32, i32) {
    %c0_i32 = arith.constant 0 : i32
    %c0_i32_0 = arith.constant 0 : i32
    %c0_i32_1 = arith.constant 0 : i32
    return %c0_i32, %c0_i32_0 : i32, i32
  }
  func.func @transform_2(%arg0: i32) -> (i32, i32, i32) {
    %c0_i32 = arith.constant 0 : i32
    %c0_i32_0 = arith.constant 0 : i32
    %c0_i32_1 = arith.constant 0 : i32
    return %arg0, %c0_i32, %c0_i32_0 : i32, i32, i32
  }
}

module attributes {stable_mosaic.version = 14 : i64} {
  func.func @_proj_body(%arg0: i32, %arg1: i32, %arg2: memref<1x2048x1024xf32, #tpu.memory_space<vmem>>, %arg3: memref<64x1024xf32, #tpu.memory_space<vmem>>, %arg4: memref<64x1024xf32, #tpu.memory_space<vmem>>, %arg5: memref<1x2048x128xf32, #tpu.memory_space<vmem>>) attributes {dimension_semantics = [#tpu.dimension_semantics<arbitrary>, #tpu.dimension_semantics<arbitrary>], iteration_bounds = array<i64: 4, 16>, scalar_prefetch = 0 : i64, scratch_operands = 0 : i64, tpu.core_type = #tpu.core_type<tc>, window_params = [{transform_indices = @transform_0, window_bounds = array<i64: 1, 2048, 1024>}, {transform_indices = @transform_1, window_bounds = array<i64: 64, 1024>}, {transform_indices = @transform_2, window_bounds = array<i64: 64, 1024>}, {transform_indices = @transform_3, window_bounds = array<i64: 1, 2048, 128>}]} {
    %get3A = arith.constant 0 : index
    %get3A_0 = arith.constant 0 : index
    %get3A_1 = arith.constant 0 : index
    %get3A_2 = vector.load %arg2[%get3A, %get3A_0, %get3A_1] : memref<1x2048x1024xf32, #tpu.memory_space<vmem>>, vector<1x2048x1024xf32>
    %get3A_3 = vector.shape_cast %get3A_2 : vector<1x2048x1024xf32> to vector<2048x1024xf32>
    %get3A_4 = arith.constant 0 : index
    %get3A_5 = arith.constant 0 : index
    %get3A_6 = vector.load %arg3[%get3A_4, %get3A_5] : memref<64x1024xf32, #tpu.memory_space<vmem>>, vector<64x1024xf32>
    %get3A_7 = arith.constant 0 : index
    %get3A_8 = arith.constant 0 : index
    %get3A_9 = vector.load %arg4[%get3A_7, %get3A_8] : memref<64x1024xf32, #tpu.memory_space<vmem>>, vector<64x1024xf32>
    %concatenate3A = tpu.concatenate %get3A_6, %get3A_9 in 0 : vector<64x1024xf32>, vector<64x1024xf32> -> vector<128x1024xf32>
    %dot_general3A = arith.constant dense<0.000000e+00> : vector<2048x128xf32>
    %dot_general3A_10 = tpu.matmul %get3A_3, %concatenate3A, %dot_general3A {dimension_numbers = #tpu.dot_dimension_numbers<[1], [1], [0], [0], [0, 0, 1, 0], [], []>, transpose_lhs_hint = false} : vector<2048x1024xf32>, vector<128x1024xf32>, vector<2048x128xf32> -> vector<2048x128xf32>
    %swap3A = arith.constant 0 : index
    %swap3A_11 = arith.constant 0 : index
    %swap3A_12 = arith.constant 0 : index
    %swap3A_13 = vector.load %arg5[%swap3A, %swap3A_11, %swap3A_12] : memref<1x2048x128xf32, #tpu.memory_space<vmem>>, vector<1x2048x128xf32>
    %swap3A_14 = vector.shape_cast %swap3A_13 : vector<1x2048x128xf32> to vector<2048x128xf32>
    %swap3A_15 = vector.shape_cast %dot_general3A_10 : vector<2048x128xf32> to vector<1x2048x128xf32>
    tpu.vector_store %arg5[%swap3A, %swap3A_11, %swap3A_12], %swap3A_15 {strides = array<i32>} : memref<1x2048x128xf32, #tpu.memory_space<vmem>>, vector<1x2048x128xf32>,
    return
  }
  func.func @transform_0(%arg0: i32, %arg1: i32) -> (i32, i32, i32) {
    %c0_i32 = arith.constant 0 : i32
    %c0_i32_0 = arith.constant 0 : i32
    %c0_i32_1 = arith.constant 0 : i32
    return %arg0, %c0_i32, %c0_i32_0 : i32, i32, i32
  }
  func.func @transform_1(%arg0: i32, %arg1: i32) -> (i32, i32) {
    %c0_i32 = arith.constant 0 : i32
    %c0_i32_0 = arith.constant 0 : i32
    return %arg1, %c0_i32 : i32, i32
  }
  func.func @transform_2(%arg0: i32, %arg1: i32) -> (i32, i32) {
    %c0_i32 = arith.constant 0 : i32
    %c0_i32_0 = arith.constant 0 : i32
    return %arg1, %c0_i32 : i32, i32
  }
  func.func @transform_3(%arg0: i32, %arg1: i32) -> (i32, i32, i32) {
    %mul3A = arith.constant 16 : i32
    %mul3A_0 = arith.muli %arg0, %mul3A : i32
    %add3A = arith.addi %mul3A_0, %arg1 : i32
    %c0_i32 = arith.constant 0 : i32
    %c0_i32_1 = arith.constant 0 : i32
    %c0_i32_2 = arith.constant 0 : i32
    return %add3A, %c0_i32, %c0_i32_1 : i32, i32, i32
  }
}

module attributes {stable_mosaic.version = 14 : i64} {
  func.func @_attn_body(%arg0: i32, %arg1: i32, %arg2: memref<512x128xf32, #tpu.memory_space<vmem>>, %arg3: memref<512x128xf32, #tpu.memory_space<vmem>>, %arg4: memref<1x1x512xi32, #tpu.memory_space<vmem>>, %arg5: memref<1x1x512xi32, #tpu.memory_space<vmem>>, %arg6: memref<512x1xi32, #tpu.memory_space<vmem>>, %arg7: memref<512x576xf32, #tpu.memory_space<vmem>>, %arg8: memref<512x128xf32, #tpu.memory_space<vmem>>) attributes {dimension_semantics = [#tpu.dimension_semantics<parallel>, #tpu.dimension_semantics<parallel>], iteration_bounds = array<i64: 64, 16>, scalar_prefetch = 0 : i64, scratch_operands = 0 : i64, tpu.core_type = #tpu.core_type<tc>, window_params = [{transform_indices = @transform_0, window_bounds = array<i64: 512, 128>}, {transform_indices = @transform_1, window_bounds = array<i64: 512, 128>}, {transform_indices = @transform_2, window_bounds = array<i64: 1, 1, 512>}, {transform_indices = @transform_3, window_bounds = array<i64: 1, 1, 512>}, {transform_indices = @transform_4, window_bounds = array<i64: 512, 1>}, {pipeline_mode = #tpu.pipeline_mode<synchronous>, transform_indices = @transform_5, window_bounds = array<i64: 512, 576>}, {transform_indices = @transform_6, window_bounds = array<i64: 512, 128>}]} {
    %get3A = arith.constant 0 : index
    %get3A_0 = arith.constant 0 : index
    %get3A_1 = vector.load %arg2[%get3A, %get3A_0] : memref<512x128xf32, #tpu.memory_space<vmem>>, vector<512x64xf32>
    %get3A_2 = arith.constant 0 : index
    %get3A_3 = arith.constant 64 : index
    %get3A_4 = vector.load %arg2[%get3A_2, %get3A_3] : memref<512x128xf32, #tpu.memory_space<vmem>>, vector<512x64xf32>
    %get3A_5 = arith.constant 0 : index
    %get3A_6 = arith.constant 0 : index
    %get3A_7 = arith.constant 0 : index
    %get3A_8 = vector.load %arg4[%get3A_5, %get3A_6, %get3A_7] : memref<1x1x512xi32, #tpu.memory_space<vmem>>, vector<1x1x512xi32>
    %get3A_9 = vector.shape_cast %get3A_8 : vector<1x1x512xi32> to vector<1x512xi32>
    %get3A_10 = arith.constant 0 : index
    %get3A_11 = arith.constant 0 : index
    %get3A_12 = vector.load %arg6[%get3A_10, %get3A_11] : memref<512x1xi32, #tpu.memory_space<vmem>>, vector<512x1xi32>
    %get3A_13 = arith.constant 448 : index
    %get3A_14 = arith.constant 0 : index
    %get3A_15 = vector.load %arg3[%get3A_13, %get3A_14] : memref<512x128xf32, #tpu.memory_space<vmem>>, vector<64x64xf32>
    %concatenate3A = tpu.concatenate %get3A_15, %get3A_1 in 0 : vector<64x64xf32>, vector<512x64xf32> -> vector<576x64xf32>
    %get3A_16 = arith.constant 448 : index
    %get3A_17 = arith.constant 64 : index
    %get3A_18 = vector.load %arg3[%get3A_16, %get3A_17] : memref<512x128xf32, #tpu.memory_space<vmem>>, vector<64x64xf32>
    %concatenate3A_19 = tpu.concatenate %get3A_18, %get3A_4 in 0 : vector<64x64xf32>, vector<512x64xf32> -> vector<576x64xf32>
    %get3A_20 = arith.constant 0 : index
    %get3A_21 = arith.constant 0 : index
    %get3A_22 = arith.constant 0 : index
    %get3A_23 = vector.load %arg5[%get3A_20, %get3A_21, %get3A_22] : memref<1x1x512xi32, #tpu.memory_space<vmem>>, vector<1x1x512xi32>
    %get3A_24 = vector.shape_cast %get3A_23 : vector<1x1x512xi32> to vector<1x512xi32>
    %slice3A = vector.extract_strided_slice %get3A_24 {offsets = [0, 448], sizes = [1, 64], strides = [1, 1]} : vector<1x512xi32> to vector<1x64xi32>
    %concatenate3A_25 = tpu.concatenate %slice3A, %get3A_9 in 1 : vector<1x64xi32>, vector<1x512xi32> -> vector<1x576xi32>
    %mul3A = arith.mulf %concatenate3A, %concatenate3A : vector<576x64xf32>
    %reduce_sum3A = arith.constant dense<0.000000e+00> : vector<576xf32>
    %reduce_sum3A_26 = vector.multi_reduction <add>, %mul3A, %reduce_sum3A [1] : vector<576x64xf32> to vector<576xf32>
    %broadcast_in_dim3A = vector.shape_cast %reduce_sum3A_26 : vector<576xf32> to vector<576x1xf32>
    %sqrt3A = math.sqrt %broadcast_in_dim3A : vector<576x1xf32>
    %max3A = arith.constant 9.99999996E-13 : f32
    %max3A_27 = vector.broadcast %max3A : f32 to vector<576x1xf32>
    %max3A_28 = arith.maximumf %sqrt3A, %max3A_27 : vector<576x1xf32>
    %div3A = vector.broadcast %max3A_28 : vector<576x1xf32> to vector<576x64xf32>
    %div3A_29 = arith.divf %concatenate3A, %div3A : vector<576x64xf32>
    %dot_general3A = arith.constant dense<0.000000e+00> : vector<512x576xf32>
    %dot_general3A_30 = tpu.matmul %get3A_1, %div3A_29, %dot_general3A {dimension_numbers = #tpu.dot_dimension_numbers<[1], [1], [0], [0], [0, 0, 1, 0], [], []>, transpose_lhs_hint = false} : vector<512x64xf32>, vector<576x64xf32>, vector<512x576xf32> -> vector<512x576xf32>
    %mul3A_31 = arith.constant 1.250000e-01 : f32
    %mul3A_32 = vector.broadcast %mul3A_31 : f32 to vector<512x576xf32>
    %mul3A_33 = arith.mulf %dot_general3A_30, %mul3A_32 : vector<512x576xf32>
    %eq3A = vector.broadcast %get3A_12 : vector<512x1xi32> to vector<512x576xi32>
    %eq3A_34 = vector.broadcast %concatenate3A_25 : vector<1x576xi32> to vector<512x576xi32>
    %eq3A_35 = arith.cmpi eq, %eq3A, %eq3A_34 : vector<512x576xi32>
    %jit3A = arith.constant -5.000000e+04 : f32
    %broadcast_in_dim3A_36 = vector.broadcast %jit3A : f32 to vector<512x576xf32>
    %select_n3A = arith.select %eq3A_35, %broadcast_in_dim3A_36, %mul3A_33 : vector<512x576xi1>, vector<512x576xf32>
    %get3A_37 = arith.constant 0 : index
    %get3A_38 = arith.constant 0 : index
    %get3A_39 = vector.load %arg7[%get3A_37, %get3A_38] : memref<512x576xf32, #tpu.memory_space<vmem>>, vector<512x576xf32>
    %add3A = arith.addf %select_n3A, %get3A_39 : vector<512x576xf32>
    %reduce_max3A = arith.constant dense<0xFF800000> : vector<512xf32>
    %reduce_max3A_40 = vector.multi_reduction <maximumf>, %add3A, %reduce_max3A [1] : vector<512x576xf32> to vector<512xf32>
    %broadcast_in_dim3A_41 = vector.shape_cast %reduce_max3A_40 : vector<512xf32> to vector<512x1xf32>
    %sub3A = vector.broadcast %broadcast_in_dim3A_41 : vector<512x1xf32> to vector<512x576xf32>
    %sub3A_42 = arith.subf %add3A, %sub3A : vector<512x576xf32>
    %exp3A = math.exp %sub3A_42 : vector<512x576xf32>
    %reduce_sum3A_43 = arith.constant dense<0.000000e+00> : vector<512xf32>
    %reduce_sum3A_44 = vector.multi_reduction <add>, %exp3A, %reduce_sum3A_43 [1] : vector<512x576xf32> to vector<512xf32>
    %broadcast_in_dim3A_45 = vector.shape_cast %reduce_sum3A_44 : vector<512xf32> to vector<512x1xf32>
    %dot_general3A_46 = arith.constant dense<0.000000e+00> : vector<512x64xf32>
    %dot_general3A_47 = tpu.matmul %exp3A, %concatenate3A_19, %dot_general3A_46 {dimension_numbers = #tpu.dot_dimension_numbers<[1], [0], [0], [1], [0, 0, 1, 1], [], []>, transpose_lhs_hint = false} : vector<512x576xf32>, vector<576x64xf32>, vector<512x64xf32> -> vector<512x64xf32>
    %div3A_48 = vector.broadcast %broadcast_in_dim3A_45 : vector<512x1xf32> to vector<512x64xf32>
    %div3A_49 = arith.divf %dot_general3A_47, %div3A_48 : vector<512x64xf32>
    %log3A = math.log %broadcast_in_dim3A_45 : vector<512x1xf32>
    %add3A_50 = arith.addf %log3A, %broadcast_in_dim3A_41 : vector<512x1xf32>
    %broadcast_in_dim3A_51 = vector.shape_cast %add3A_50 : vector<512x1xf32> to vector<512x1xf32>
    %broadcast_in_dim3A_52 = vector.broadcast %broadcast_in_dim3A_51 : vector<512x1xf32> to vector<512x64xf32>
    %concatenate3A_53 = tpu.concatenate %div3A_49, %broadcast_in_dim3A_52 in 1 : vector<512x64xf32>, vector<512x64xf32> -> vector<512x128xf32>
    %swap3A = arith.constant 0 : index
    %swap3A_54 = arith.constant 0 : index
    %swap3A_55 = vector.load %arg8[%swap3A, %swap3A_54] : memref<512x128xf32, #tpu.memory_space<vmem>>, vector<512x128xf32>
    tpu.vector_store %arg8[%swap3A, %swap3A_54], %concatenate3A_53 {strides = array<i32>} : memref<512x128xf32, #tpu.memory_space<vmem>>, vector<512x128xf32>,
    return
  }
  func.func @transform_0(%arg0: i32, %arg1: i32) -> (i32, i32) {
    %mul3A = arith.constant 16 : i32
    %mul3A_0 = arith.muli %arg0, %mul3A : i32
    %add3A = arith.addi %mul3A_0, %arg1 : i32
    %c0_i32 = arith.constant 0 : i32
    %c0_i32_1 = arith.constant 0 : i32
    return %add3A, %c0_i32 : i32, i32
  }
  func.func @transform_1(%arg0: i32, %arg1: i32) -> (i32, i32) {
    %mul3A = arith.constant 16 : i32
    %mul3A_0 = arith.muli %arg0, %mul3A : i32
    %add3A = arith.constant 16 : i32
    %add3A_1 = arith.addi %arg1, %add3A : i32
    %sub3A = arith.constant 1 : i32
    %sub3A_2 = arith.subi %add3A_1, %sub3A : i32
    %jit3A = arith.constant 16 : i32
    %eq3A = arith.constant 0 : i32
    %eq3A_3 = arith.cmpi eq, %jit3A, %eq3A : i32
    %jit3A_4 = arith.constant 1 : i32
    %select_n3A = arith.select %eq3A_3, %jit3A_4, %jit3A : i32
    %rem3A = arith.remsi %sub3A_2, %select_n3A : i32
    %ne3A = arith.constant 0 : i32
    %ne3A_5 = arith.cmpi ne, %rem3A, %ne3A : i32
    %lt3A = arith.constant 0 : i32
    %lt3A_6 = arith.cmpi slt, %rem3A, %lt3A : i32
    %lt3A_7 = arith.constant 0 : i32
    %lt3A_8 = arith.cmpi slt, %select_n3A, %lt3A_7 : i32
    %ne3A_9 = arith.xori %lt3A_6, %lt3A_8 : i1
    %and3A = arith.andi %ne3A_9, %ne3A_5 : i1
    %add3A_10 = arith.addi %rem3A, %select_n3A : i32
    %select_n3A_11 = arith.select %and3A, %add3A_10, %rem3A : i32
    %add3A_12 = arith.addi %mul3A_0, %select_n3A_11 : i32
    %c0_i32 = arith.constant 0 : i32
    %c0_i32_13 = arith.constant 0 : i32
    return %add3A_12, %c0_i32 : i32, i32
  }
  func.func @transform_2(%arg0: i32, %arg1: i32) -> (i32, i32, i32) {
    %mul3A = arith.constant 16 : i32
    %mul3A_0 = arith.muli %arg0, %mul3A : i32
    %add3A = arith.addi %mul3A_0, %arg1 : i32
    %c0_i32 = arith.constant 0 : i32
    %c0_i32_1 = arith.constant 0 : i32
    %c0_i32_2 = arith.constant 0 : i32
    return %add3A, %c0_i32, %c0_i32_1 : i32, i32, i32
  }
  func.func @transform_3(%arg0: i32, %arg1: i32) -> (i32, i32, i32) {
    %mul3A = arith.constant 16 : i32
    %mul3A_0 = arith.muli %arg0, %mul3A : i32
    %add3A = arith.constant 16 : i32
    %add3A_1 = arith.addi %arg1, %add3A : i32
    %sub3A = arith.constant 1 : i32
    %sub3A_2 = arith.subi %add3A_1, %sub3A : i32
    %jit3A = arith.constant 16 : i32
    %eq3A = arith.constant 0 : i32
    %eq3A_3 = arith.cmpi eq, %jit3A, %eq3A : i32
    %jit3A_4 = arith.constant 1 : i32
    %select_n3A = arith.select %eq3A_3, %jit3A_4, %jit3A : i32
    %rem3A = arith.remsi %sub3A_2, %select_n3A : i32
    %ne3A = arith.constant 0 : i32
    %ne3A_5 = arith.cmpi ne, %rem3A, %ne3A : i32
    %lt3A = arith.constant 0 : i32
    %lt3A_6 = arith.cmpi slt, %rem3A, %lt3A : i32
    %lt3A_7 = arith.constant 0 : i32
    %lt3A_8 = arith.cmpi slt, %select_n3A, %lt3A_7 : i32
    %ne3A_9 = arith.xori %lt3A_6, %lt3A_8 : i1
    %and3A = arith.andi %ne3A_9, %ne3A_5 : i1
    %add3A_10 = arith.addi %rem3A, %select_n3A : i32
    %select_n3A_11 = arith.select %and3A, %add3A_10, %rem3A : i32
    %add3A_12 = arith.addi %mul3A_0, %select_n3A_11 : i32
    %c0_i32 = arith.constant 0 : i32
    %c0_i32_13 = arith.constant 0 : i32
    %c0_i32_14 = arith.constant 0 : i32
    return %add3A_12, %c0_i32, %c0_i32_13 : i32, i32, i32
  }
  func.func @transform_4(%arg0: i32, %arg1: i32) -> (i32, i32) {
    %mul3A = arith.constant 16 : i32
    %mul3A_0 = arith.muli %arg0, %mul3A : i32
    %add3A = arith.addi %mul3A_0, %arg1 : i32
    %c0_i32 = arith.constant 0 : i32
    %c0_i32_1 = arith.constant 0 : i32
    return %add3A, %c0_i32 : i32, i32
  }
  func.func @transform_5(%arg0: i32, %arg1: i32) -> (i32, i32) {
    %c0_i32 = arith.constant 0 : i32
    %c0_i32_0 = arith.constant 0 : i32
    %c0_i32_1 = arith.constant 0 : i32
    return %c0_i32, %c0_i32_0 : i32, i32
  }
  func.func @transform_6(%arg0: i32, %arg1: i32) -> (i32, i32) {
    %mul3A = arith.constant 16 : i32
    %mul3A_0 = arith.muli %arg0, %mul3A : i32
    %add3A = arith.addi %mul3A_0, %arg1 : i32
    %c0_i32 = arith.constant 0 : i32
    %c0_i32_1 = arith.constant 0 : i32
    return %add3A, %c0_i32 : i32, i32
  }
}

module attributes {stable_mosaic.version = 14 : i64} {
  func.func @_combine_body(%arg0: i32, %arg1: memref<1x4x2048x128xf32, #tpu.memory_space<vmem>>, %arg2: memref<1x2048x64xf32, #tpu.memory_space<vmem>>) attributes {dimension_semantics = [#tpu.dimension_semantics<arbitrary>], iteration_bounds = array<i64: 64>, scalar_prefetch = 0 : i64, scratch_operands = 0 : i64, tpu.core_type = #tpu.core_type<tc>, window_params = [{transform_indices = @transform_0, window_bounds = array<i64: 1, 4, 2048, 128>}, {transform_indices = @transform_1, window_bounds = array<i64: 1, 2048, 64>}]} {
    %get3A = arith.constant 0 : index
    %get3A_0 = arith.constant 0 : index
    %get3A_1 = arith.constant 0 : index
    %get3A_2 = arith.constant 0 : index
    %get3A_3 = vector.load %arg1[%get3A, %get3A_0, %get3A_1, %get3A_2] : memref<1x4x2048x128xf32, #tpu.memory_space<vmem>>, vector<1x1x2048x128xf32>
    %get3A_4 = vector.shape_cast %get3A_3 : vector<1x1x2048x128xf32> to vector<2048x128xf32>
    %slice3A = vector.extract_strided_slice %get3A_4 {offsets = [0, 64], sizes = [2048, 1], strides = [1, 1]} : vector<2048x128xf32> to vector<2048x1xf32>
    %get3A_5 = arith.constant 0 : index
    %get3A_6 = arith.constant 1 : index
    %get3A_7 = arith.constant 0 : index
    %get3A_8 = arith.constant 0 : index
    %get3A_9 = vector.load %arg1[%get3A_5, %get3A_6, %get3A_7, %get3A_8] : memref<1x4x2048x128xf32, #tpu.memory_space<vmem>>, vector<1x1x2048x128xf32>
    %get3A_10 = vector.shape_cast %get3A_9 : vector<1x1x2048x128xf32> to vector<2048x128xf32>
    %slice3A_11 = vector.extract_strided_slice %get3A_10 {offsets = [0, 64], sizes = [2048, 1], strides = [1, 1]} : vector<2048x128xf32> to vector<2048x1xf32>
    %get3A_12 = arith.constant 0 : index
    %get3A_13 = arith.constant 2 : index
    %get3A_14 = arith.constant 0 : index
    %get3A_15 = arith.constant 0 : index
    %get3A_16 = vector.load %arg1[%get3A_12, %get3A_13, %get3A_14, %get3A_15] : memref<1x4x2048x128xf32, #tpu.memory_space<vmem>>, vector<1x1x2048x128xf32>
    %get3A_17 = vector.shape_cast %get3A_16 : vector<1x1x2048x128xf32> to vector<2048x128xf32>
    %slice3A_18 = vector.extract_strided_slice %get3A_17 {offsets = [0, 64], sizes = [2048, 1], strides = [1, 1]} : vector<2048x128xf32> to vector<2048x1xf32>
    %get3A_19 = arith.constant 0 : index
    %get3A_20 = arith.constant 3 : index
    %get3A_21 = arith.constant 0 : index
    %get3A_22 = arith.constant 0 : index
    %get3A_23 = vector.load %arg1[%get3A_19, %get3A_20, %get3A_21, %get3A_22] : memref<1x4x2048x128xf32, #tpu.memory_space<vmem>>, vector<1x1x2048x128xf32>
    %get3A_24 = vector.shape_cast %get3A_23 : vector<1x1x2048x128xf32> to vector<2048x128xf32>
    %slice3A_25 = vector.extract_strided_slice %get3A_24 {offsets = [0, 64], sizes = [2048, 1], strides = [1, 1]} : vector<2048x128xf32> to vector<2048x1xf32>
    %concatenate3A = tpu.concatenate %slice3A, %slice3A_11, %slice3A_18, %slice3A_25 in 1 : vector<2048x1xf32>, vector<2048x1xf32>, vector<2048x1xf32>, vector<2048x1xf32> -> vector<2048x4xf32>
    %reduce_max3A = arith.constant dense<0xFF800000> : vector<2048xf32>
    %reduce_max3A_26 = vector.multi_reduction <maximumf>, %concatenate3A, %reduce_max3A [1] : vector<2048x4xf32> to vector<2048xf32>
    %broadcast_in_dim3A = vector.shape_cast %reduce_max3A_26 : vector<2048xf32> to vector<2048x1xf32>
    %sub3A = vector.broadcast %broadcast_in_dim3A : vector<2048x1xf32> to vector<2048x4xf32>
    %sub3A_27 = arith.subf %concatenate3A, %sub3A : vector<2048x4xf32>
    %exp3A = math.exp %sub3A_27 : vector<2048x4xf32>
    %reduce_sum3A = arith.constant dense<0.000000e+00> : vector<2048xf32>
    %reduce_sum3A_28 = vector.multi_reduction <add>, %exp3A, %reduce_sum3A [1] : vector<2048x4xf32> to vector<2048xf32>
    %broadcast_in_dim3A_29 = vector.shape_cast %reduce_sum3A_28 : vector<2048xf32> to vector<2048x1xf32>
    %div3A = vector.broadcast %broadcast_in_dim3A_29 : vector<2048x1xf32> to vector<2048x4xf32>
    %div3A_30 = arith.divf %exp3A, %div3A : vector<2048x4xf32>
    %broadcast_in_dim3A_31 = arith.constant 0.000000e+00 : f32
    %broadcast_in_dim3A_32 = vector.broadcast %broadcast_in_dim3A_31 : f32 to vector<2048x64xf32>
    %get3A_33 = arith.constant 0 : index
    %get3A_34 = arith.constant 0 : index
    %get3A_35 = arith.constant 0 : index
    %get3A_36 = arith.constant 0 : index
    %get3A_37 = vector.load %arg1[%get3A_33, %get3A_34, %get3A_35, %get3A_36] : memref<1x4x2048x128xf32, #tpu.memory_space<vmem>>, vector<1x1x2048x128xf32>
    %get3A_38 = vector.shape_cast %get3A_37 : vector<1x1x2048x128xf32> to vector<2048x128xf32>
    %slice3A_39 = vector.extract_strided_slice %get3A_38 {offsets = [0, 0], sizes = [2048, 64], strides = [1, 1]} : vector<2048x128xf32> to vector<2048x64xf32>
    %slice3A_40 = vector.extract_strided_slice %div3A_30 {offsets = [0, 0], sizes = [2048, 1], strides = [1, 1]} : vector<2048x4xf32> to vector<2048x1xf32>
    %mul3A = vector.broadcast %slice3A_40 : vector<2048x1xf32> to vector<2048x64xf32>
    %mul3A_41 = arith.mulf %slice3A_39, %mul3A : vector<2048x64xf32>
    %add3A = arith.addf %broadcast_in_dim3A_32, %mul3A_41 : vector<2048x64xf32>
    %get3A_42 = arith.constant 0 : index
    %get3A_43 = arith.constant 1 : index
    %get3A_44 = arith.constant 0 : index
    %get3A_45 = arith.constant 0 : index
    %get3A_46 = vector.load %arg1[%get3A_42, %get3A_43, %get3A_44, %get3A_45] : memref<1x4x2048x128xf32, #tpu.memory_space<vmem>>, vector<1x1x2048x128xf32>
    %get3A_47 = vector.shape_cast %get3A_46 : vector<1x1x2048x128xf32> to vector<2048x128xf32>
    %slice3A_48 = vector.extract_strided_slice %get3A_47 {offsets = [0, 0], sizes = [2048, 64], strides = [1, 1]} : vector<2048x128xf32> to vector<2048x64xf32>
    %slice3A_49 = vector.extract_strided_slice %div3A_30 {offsets = [0, 1], sizes = [2048, 1], strides = [1, 1]} : vector<2048x4xf32> to vector<2048x1xf32>
    %mul3A_50 = vector.broadcast %slice3A_49 : vector<2048x1xf32> to vector<2048x64xf32>
    %mul3A_51 = arith.mulf %slice3A_48, %mul3A_50 : vector<2048x64xf32>
    %add3A_52 = arith.addf %add3A, %mul3A_51 : vector<2048x64xf32>
    %get3A_53 = arith.constant 0 : index
    %get3A_54 = arith.constant 2 : index
    %get3A_55 = arith.constant 0 : index
    %get3A_56 = arith.constant 0 : index
    %get3A_57 = vector.load %arg1[%get3A_53, %get3A_54, %get3A_55, %get3A_56] : memref<1x4x2048x128xf32, #tpu.memory_space<vmem>>, vector<1x1x2048x128xf32>
    %get3A_58 = vector.shape_cast %get3A_57 : vector<1x1x2048x128xf32> to vector<2048x128xf32>
    %slice3A_59 = vector.extract_strided_slice %get3A_58 {offsets = [0, 0], sizes = [2048, 64], strides = [1, 1]} : vector<2048x128xf32> to vector<2048x64xf32>
    %slice3A_60 = vector.extract_strided_slice %div3A_30 {offsets = [0, 2], sizes = [2048, 1], strides = [1, 1]} : vector<2048x4xf32> to vector<2048x1xf32>
    %mul3A_61 = vector.broadcast %slice3A_60 : vector<2048x1xf32> to vector<2048x64xf32>
    %mul3A_62 = arith.mulf %slice3A_59, %mul3A_61 : vector<2048x64xf32>
    %add3A_63 = arith.addf %add3A_52, %mul3A_62 : vector<2048x64xf32>
    %get3A_64 = arith.constant 0 : index
    %get3A_65 = arith.constant 3 : index
    %get3A_66 = arith.constant 0 : index
    %get3A_67 = arith.constant 0 : index
    %get3A_68 = vector.load %arg1[%get3A_64, %get3A_65, %get3A_66, %get3A_67] : memref<1x4x2048x128xf32, #tpu.memory_space<vmem>>, vector<1x1x2048x128xf32>
    %get3A_69 = vector.shape_cast %get3A_68 : vector<1x1x2048x128xf32> to vector<2048x128xf32>
    %slice3A_70 = vector.extract_strided_slice %get3A_69 {offsets = [0, 0], sizes = [2048, 64], strides = [1, 1]} : vector<2048x128xf32> to vector<2048x64xf32>
    %slice3A_71 = vector.extract_strided_slice %div3A_30 {offsets = [0, 3], sizes = [2048, 1], strides = [1, 1]} : vector<2048x4xf32> to vector<2048x1xf32>
    %mul3A_72 = vector.broadcast %slice3A_71 : vector<2048x1xf32> to vector<2048x64xf32>
    %mul3A_73 = arith.mulf %slice3A_70, %mul3A_72 : vector<2048x64xf32>
    %add3A_74 = arith.addf %add3A_63, %mul3A_73 : vector<2048x64xf32>
    %swap3A = arith.constant 0 : index
    %swap3A_75 = arith.constant 0 : index
    %swap3A_76 = arith.constant 0 : index
    %swap3A_77 = vector.load %arg2[%swap3A, %swap3A_75, %swap3A_76] : memref<1x2048x64xf32, #tpu.memory_space<vmem>>, vector<1x2048x64xf32>
    %swap3A_78 = vector.shape_cast %swap3A_77 : vector<1x2048x64xf32> to vector<2048x64xf32>
    %swap3A_79 = vector.shape_cast %add3A_74 : vector<2048x64xf32> to vector<1x2048x64xf32>
    tpu.vector_store %arg2[%swap3A, %swap3A_75, %swap3A_76], %swap3A_79 {strides = array<i32>} : memref<1x2048x64xf32, #tpu.memory_space<vmem>>, vector<1x2048x64xf32>,
    return
  }
  func.func @transform_0(%arg0: i32) -> (i32, i32, i32, i32) {
    %c0_i32 = arith.constant 0 : i32
    %c0_i32_0 = arith.constant 0 : i32
    %c0_i32_1 = arith.constant 0 : i32
    %c0_i32_2 = arith.constant 0 : i32
    return %arg0, %c0_i32, %c0_i32_0, %c0_i32_1 : i32, i32, i32, i32
  }
  func.func @transform_1(%arg0: i32) -> (i32, i32, i32) {
    %c0_i32 = arith.constant 0 : i32
    %c0_i32_0 = arith.constant 0 : i32
    %c0_i32_1 = arith.constant 0 : i32
    return %arg0, %c0_i32, %c0_i32_0 : i32, i32, i32
  }
}

module attributes {stable_mosaic.version = 14 : i64} {
  func.func @_outproj_body(%arg0: i32, %arg1: memref<256x1024xf32, #tpu.memory_space<vmem>>, %arg2: memref<1024x1024xf32, #tpu.memory_space<vmem>>, %arg3: memref<1x1024xf32, #tpu.memory_space<vmem>>, %arg4: memref<256x1024xf32, #tpu.memory_space<vmem>>) attributes {dimension_semantics = [#tpu.dimension_semantics<arbitrary>], iteration_bounds = array<i64: 32>, scalar_prefetch = 0 : i64, scratch_operands = 0 : i64, tpu.core_type = #tpu.core_type<tc>, window_params = [{transform_indices = @transform_0, window_bounds = array<i64: 256, 1024>}, {pipeline_mode = #tpu.pipeline_mode<synchronous>, transform_indices = @transform_1, window_bounds = array<i64: 1024, 1024>}, {pipeline_mode = #tpu.pipeline_mode<synchronous>, transform_indices = @transform_2, window_bounds = array<i64: 1, 1024>}, {transform_indices = @transform_3, window_bounds = array<i64: 256, 1024>}]} {
    %get3A = arith.constant 0 : index
    %get3A_0 = arith.constant 0 : index
    %get3A_1 = vector.load %arg1[%get3A, %get3A_0] : memref<256x1024xf32, #tpu.memory_space<vmem>>, vector<256x1024xf32>
    %get3A_2 = arith.constant 0 : index
    %get3A_3 = arith.constant 0 : index
    %get3A_4 = vector.load %arg2[%get3A_2, %get3A_3] : memref<1024x1024xf32, #tpu.memory_space<vmem>>, vector<1024x1024xf32>
    %dot_general3A = arith.constant dense<0.000000e+00> : vector<256x1024xf32>
    %dot_general3A_5 = tpu.matmul %get3A_1, %get3A_4, %dot_general3A {dimension_numbers = #tpu.dot_dimension_numbers<[1], [1], [0], [0], [0, 0, 1, 0], [], []>, transpose_lhs_hint = false} : vector<256x1024xf32>, vector<1024x1024xf32>, vector<256x1024xf32> -> vector<256x1024xf32>
    %get3A_6 = arith.constant 0 : index
    %get3A_7 = arith.constant 0 : index
    %get3A_8 = vector.load %arg3[%get3A_6, %get3A_7] : memref<1x1024xf32, #tpu.memory_space<vmem>>, vector<1x1024xf32>
    %add3A = vector.broadcast %get3A_8 : vector<1x1024xf32> to vector<256x1024xf32>
    %add3A_9 = arith.addf %dot_general3A_5, %add3A : vector<256x1024xf32>
    %swap3A = arith.constant 0 : index
    %swap3A_10 = arith.constant 0 : index
    %swap3A_11 = vector.load %arg4[%swap3A, %swap3A_10] : memref<256x1024xf32, #tpu.memory_space<vmem>>, vector<256x1024xf32>
    tpu.vector_store %arg4[%swap3A, %swap3A_10], %add3A_9 {strides = array<i32>} : memref<256x1024xf32, #tpu.memory_space<vmem>>, vector<256x1024xf32>,
    return
  }
  func.func @transform_0(%arg0: i32) -> (i32, i32) {
    %c0_i32 = arith.constant 0 : i32
    %c0_i32_0 = arith.constant 0 : i32
    return %arg0, %c0_i32 : i32, i32
  }
  func.func @transform_1(%arg0: i32) -> (i32, i32) {
    %c0_i32 = arith.constant 0 : i32
    %c0_i32_0 = arith.constant 0 : i32
    %c0_i32_1 = arith.constant 0 : i32
    return %c0_i32, %c0_i32_0 : i32, i32
  }
  func.func @transform_2(%arg0: i32) -> (i32, i32) {
    %c0_i32 = arith.constant 0 : i32
    %c0_i32_0 = arith.constant 0 : i32
    %c0_i32_1 = arith.constant 0 : i32
    return %c0_i32, %c0_i32_0 : i32, i32
  }
  func.func @transform_3(%arg0: i32) -> (i32, i32) {
    %c0_i32 = arith.constant 0 : i32
    %c0_i32_0 = arith.constant 0 : i32
    return %arg0, %c0_i32 : i32, i32
  }
}

</mosaic_0001>

<sc_bundles>
// kernel: kernel.12.cloned.1.call-start
scs
__scs_entry_jumppad:
0x0: {  	(pc) =	sbr.rel $0x88, $3  }
0x1: {  	(tag) =	ssettag $0x0;
	lr =	simm.s32 $0x1  }
0x2: {  	[smem:$0x3F9C] =	sst lr;
	_ =	strace $0xD0000000  }
0x3: {  	_ = 	snop  }
0x4: {  	_ = 	snop  }
0x5: {  	_ = 	snop  }
0x6: {  	_ = 	snop  }
0x7: {  	_ = 	snop  }
__scs_overlays_trampoline_lowered:
0x8: {  	[smem:$0x3FAB] =	sst s0  }
0x9: {  	[smem:$0x3FAC] =	sst s1  }
0xa: {  	[smem:$0x3FAD] =	sst s2  }
0xb: {  	[smem:$0x3FAE] =	sst s3  }
0xc: {  	[smem:$0x3FAF] =	sst s4  }
0xd: {  	[smem:$0x3FB0] =	sst s5  }
0xe: {  	[smem:$0x3FB1] =	sst s6  }
0xf: {  	[smem:$0x3FB2] =	sst s7  }
0x10: {  	[smem:$0x3FB3] =	sst s8  }
0x11: {  	[smem:$0x3FB4] =	sst s9;
	s0 =	simm.s32 @!p0 $0x0  }
0x12: {  	s1 =	sld [smem:$0x3F9A];
	s0 =	simm.s32 @p0 $0x1  }
0x13: {  	[smem:$0x3FB5] =	sst s0;
	s0 =	simm.s32 @!p1 $0x0  }
0x14: {  	s2 =	sld [smem:$0x3F99];
	s0 =	simm.s32 @p1 $0x1  }
0x15: {  	[smem:$0x3FB6] =	sst s0;
	s0 =	simm.s32 @!p2 $0x0  }
0x16: {  	s3 =	sld [smem:$0x3FDB];
	s0 =	simm.s32 @p2 $0x1  }
0x17: {  	s4 =	simm.s32 $0x1BF5;
	[smem:$0x3FB8] =	sst s0  }
0x18: {  	s0 =	sld [smem:$0x3F9B];
	_ =	swait.ge [sflag:s4], $0x0  }
0x19: {  	s7 =	sld [smem:$0x3F9C]  }
0x1a: {  	s8 =	sadd.s32 $0xFFFFE003, lr  }
0x1b: {  	s9 =	sadd.s32 $0xFFFFFEF7, lr;
	s5 =	simm.s32 $0xFFFFFFFF;
	p2 =	slt.u32 s8, $0xFFFFF086  }
0x1c: {  	p1 =	slt.u32 s9, $0xF7A;
	s5 =	simm.s32 @!p2 $0x0  }
0x1d: {  	s5 =	simm.s32 @p1 $0x1;
	p0 =	seq.s32 s7, s2  }
0x1e: {  	s7 =	smul.u32 @!p0 $0xF7A, s2;
	p2 =	seq.s32 @!p0 s5, $0x0  }
0x1f: {  	s9 =	smul.u32 $0xF7A, s1;
	s8 =	simm.s32 @!p0 $0x1BF5;
	p2 =	por !p2, p0  }
0x20: {  	[sflag:s8] =	ssyncset.s32 @!p0 $0xFFFFF086;
	s6 =	sadd.s32 @!p0 s3, s7;
	s7 =	simm.s32 @!p0 $0x108  }
0x21: {  	s3 =	sadd.s32 s3, s9;
	s6 =	sadd.s32 @!p0 $0x88, s6;
	s7 =	simm.s32 @p2 $0x1082  }
0x22: {  	[simem:s7], [sflag:s8] =	dma.local @!p0 [hbm:s6], $0xF7A  }
0x23: {  	s9 =	sor.u32 $0xD0000000, s2;
	s6 =	simm.s32 $0x108;
	_ =	swait.ge @!p0 [sflag:s8], $0x0  }
0x24: {  	s3 =	sadd.s32 $0x88, s3;
	s6 =	simm.s32 @!p1 $0x1082;
	[sflag:s4] =	ssyncset.s32 $0xFFFFF086  }
0x25: {  	[simem:s6], [sflag:s4] =	dma.local [hbm:s3], $0xF7A  }
0x26: {  	[smem:$0x3F9C] =	sst s1;
	(tag) =	ssettag s2;
	_ =	strace s9  }
0x27: {  	s1 =	sld [smem:$0x3FAC]  }
0x28: {  	s2 =	sld [smem:$0x3FAD]  }
0x29: {  	s4 =	sld [smem:$0x3FAF]  }
0x2a: {  	p0 =	seq.s32 s5, $0x0;
	s5 =	sld [smem:$0x3FB0]  }
0x2b: {  	s6 =	sld [smem:$0x3FB1]  }
0x2c: {  	s7 =	sld [smem:$0x3FB2]  }
0x2d: {  	s3 =	simm.s32 $0x108;
	s8 =	sld [smem:$0x3FB3]  }
0x2e: {  	s3 =	simm.s32 @!p0 $0x1082;
	s9 =	sld [smem:$0x3FB4]  }
0x2f: {  	lr =	sadd.s32 s0, s3;
	s0 =	sld [smem:$0x3FAB]  }
0x30: {  	s3 =	sld [smem:$0x3FAE]  }
0x31: {  	[smem:$0x3FB7] =	sst s10  }
0x32: {  	s10 =	sld [smem:$0x3FB5];
	_ =	sdelay $0x3  }
0x33: {  	p0 =	seq.s32 s10, $0x1;
	s10 =	sld [smem:$0x3FB7];
	_ =	sdelay $0x3  }
0x34: {  	[smem:$0x3FB7] =	sst s10  }
0x35: {  	s10 =	sld [smem:$0x3FB6];
	_ =	sdelay $0x3  }
0x36: {  	p1 =	seq.s32 s10, $0x1;
	s10 =	sld [smem:$0x3FB7];
	_ =	sdelay $0x3  }
0x37: {  	[smem:$0x3FB7] =	sst s10  }
0x38: {  	s10 =	sld [smem:$0x3FB8]  }
0x39: {  	_ = 	snop;
	(pc) =	sbr.ind lr, $3  }
0x3a: {  	_ = 	snop  }
0x3b: {  	_ = 	snop  }
0x3c: {  	p2 =	seq.s32 s10, $0x1;
	s10 =	sld [smem:$0x3FB7]  }
0x3d: {  	_ =	shalt  }
0x3e: {  	_ =	shalt  }
0x3f: {  	_ =	shalt  }
0x40: {  	_ =	shalt  }
0x41: {  	_ =	shalt  }
0x42: {  	_ =	shalt  }
0x43: {  	_ =	shalt  }
0x44: {  	_ =	shalt  }
0x45: {  	_ =	shalt  }
0x46: {  	_ =	shalt  }
0x47: {  	_ =	shalt  }
0x48: {  	_ =	shalt  }
0x49: {  	_ =	shalt  }
0x4a: {  	_ =	shalt  }
0x4b: {  	_ =	shalt  }
0x4c: {  	_ =	shalt  }
0x4d: {  	_ =	shalt  }
0x4e: {  	_ =	shalt  }
0x4f: {  	_ =	shalt  }
0x50: {  	_ =	shalt  }
0x51: {  	_ =	shalt  }
0x52: {  	_ =	shalt  }
0x53: {  	_ =	shalt  }
0x54: {  	_ =	shalt  }
0x55: {  	_ =	shalt  }
0x56: {  	_ =	shalt  }
0x57: {  	_ =	shalt  }
0x58: {  	_ =	shalt  }
0x59: {  	_ =	shalt  }
0x5a: {  	_ =	shalt  }
0x5b: {  	_ =	shalt  }
0x5c: {  	_ =	shalt  }
0x5d: {  	_ =	shalt  }
0x5e: {  	_ =	shalt  }
0x5f: {  	_ =	shalt  }
0x60: {  	_ =	shalt  }
0x61: {  	_ =	shalt  }
0x62: {  	_ =	shalt  }
0x63: {  	_ =	shalt  }
0x64: {  	_ =	shalt  }
0x65: {  	_ =	shalt  }
0x66: {  	_ =	shalt  }
0x67: {  	_ =	shalt  }
0x68: {  	_ =	shalt  }
0x69: {  	_ =	shalt  }
0x6a: {  	_ =	shalt  }
0x6b: {  	_ =	shalt  }
0x6c: {  	_ =	shalt  }
0x6d: {  	_ =	shalt  }
0x6e: {  	_ =	shalt  }
0x6f: {  	_ =	shalt  }
0x70: {  	_ =	shalt  }
0x71: {  	_ =	shalt  }
0x72: {  	_ =	shalt  }
0x73: {  	_ =	shalt  }
0x74: {  	_ =	shalt  }
0x75: {  	_ =	shalt  }
0x76: {  	_ =	shalt  }
0x77: {  	_ =	shalt  }
0x78: {  	_ =	shalt  }
0x79: {  	_ =	shalt  }
0x7a: {  	_ =	shalt  }
0x7b: {  	_ =	shalt  }
0x7c: {  	_ =	shalt  }
0x7d: {  	_ =	shalt  }
0x7e: {  	_ =	shalt  }
0x7f: {  	_ =	shalt  }
0x80: {  	_ =	shalt  }
0x81: {  	_ =	shalt  }
0x82: {  	_ =	shalt  }
0x83: {  	_ =	shalt  }
0x84: {  	_ =	shalt  }
0x85: {  	_ =	shalt  }
0x86: {  	_ =	shalt  }
0x87: {  	_ =	shalt  }
.Lfunc_end0:
.L_simem_size_0:
called_computation.3_lowered:
.L_overlay_start_0:
0x88: {  	s2 =	sld [smem:$0x3FD9]  }
0x89: {  	s3 =	sld [smem:$0x3FFE];
	_ =	sdelay $0x1  }
0x8a: {  	s1 =	srdreg.scid  }
0x8b: {  	s0 =	sand.u32 $0x1, s1  }
0x8c: {  	s17 =	sshll.u32 s0, $0xA;
	s2 =	sadd.s32 s3, s2  }
0x8d: {  	s2 =	sadd.s32 s2, s17  }
0x8e: {  	[smem:$0x3FC3] =	sst s2  }
0x8f: {  	_ = 	snop  }
0x90: {  	s2 =	sld [smem:$0x3FD0];
	(tm) =	ssettm $0x1  }
0x91: {  	s18 =	sld [smem:$0x3FFB];
	_ =	sdelay $0x3  }
0x92: {  	_ =	strace s18  }
0x93: {  	s3 =	sld [smem:$0x3FFC];
	_ =	sdelay $0x3  }
0x94: {  	_ =	strace s3  }
0x95: {  	s3 =	sld [smem:$0x3FFD];
	_ =	sdelay $0x3  }
0x96: {  	_ =	strace s3  }
0x97: {  	_ =	strace $0x8FFFFFFF  }
0x98: {  	s19 =	sld [smem:$0x3FDB];
	_ =	sdelay $0x1  }
0x99: {  	s4 =	simm.s32 $_scs_section_size  }
0x9a: {  	s5 =	simm.s32 $_size__tile_overlayer_lowered;
	s6 =	simm.s32 $_tile_overlayer_lowered  }
0x9b: {  	s22 =	simm.s32 $0x1BFF;
	s21 =	sshll.u32 s6, $0x1;
	s3 =	sadd.s32 s4, s19  }
0x9c: {  	s7 =	simm.s32 $0x0;
	s20 =	sshll.u32 s5, $0x1;
	s5 =	sadd.s32 s21, s3  }
0x9d: {  	[timem:s7], [sflag:s22] =	dma.local [hbm:s5], s20  }
0x9e: {  	_ =	swait.ge [sflag:s22], s20  }
0x9f: {  	s4 =	ssub.s32 $0x0, s20;
	[sflag:s22] =	ssyncset.done $0x0  }
0xa0: {  	[sflag:s22] =	ssyncadd.s32 s4;
	_ =	sdelay $0x1  }
0xa1: {  	s23 =	simm.s32 $0x1B8B  }
0xa2: {  	_ =	swait.ge [sflag:s23], $0x1  }
0xa3: {  	[sflag:s23] =	ssyncset.done $0x0  }
0xa4: {  	s25 =	simm.s32 $0x1B8E;
	s24 =	sld [smem:$0x3FFE];
	[sflag:s23] =	ssyncadd.s32 $0xFFFFFFFF  }
0xa5: {  	s26 =	simm.s32 $execute0_lowered;
	[smem:$0x3FD2] =	sst s25  }
0xa6: {  	s5 =	sshll.u32 s26, $0x1;
	_ =	strace $0x80000049;
	[dreg:$0x1] =	wrdreg $0xFFFFFFFF  }
0xa7: {  	s28 =	simm.s32 $_size_execute0_lowered;
	s3 =	sadd.s32 s3, s5;
	[dreg:$0x0] =	wrdreg $0x0  }
0xa8: {  	s5 =	sshll.u32 s28, $0x1;
	[dreg:$0x2] =	wrdreg s3  }
0xa9: {  	[dreg:$0x3] =	wrdreg s5  }
0xaa: {  	[dreg:$0x4] =	wrdreg $0xC0  }
0xab: {  	_ =	task [dreg:s7], $0x5FFFF  }
0xac: {  	[dreg:$0x1] =	wrdreg $0xFFFFFFFF  }
0xad: {  	[dreg:$0x0] =	wrdreg $0x60  }
0xae: {  	[dreg:$0x2] =	wrdreg s24  }
0xaf: {  	[dreg:$0x3] =	wrdreg s2  }
0xb0: {  	[dreg:$0x4] =	wrdreg $0x9  }
0xb1: {  	_ =	task.clear_ibuf [dreg:s7], $0x5FFFF;
	_ =	strace $0x90000049  }
0xb2: {  	s29 =	simm.s32 $0x9;
	_ =	strace $0x8000004B  }
0xb3: {  	_ =	swait.ge [sflag:s29], $0x1  }
0xb4: {  	[sflag:s29] =	ssyncadd.s32 $0xFFFFFFFF  }
0xb5: {  	_ =	strace $0x9000004B  }
0xb6: {  	_ =	sfence  }
0xb7: {  	s30 =	sld [smem:$0x0];
	_ =	sdelay $0x2  }
0xb8: {  	s31 =	sshll.u32 s1, $0xD;
	s1 =	sshrl.u32 s1, $0x2  }
0xb9: {  	s3 =	sand.u32 $0x4000, s31;
	s1 =	sadd.s32 s1, s30  }
0xba: {  	s0 =	sor.u32 s3, s0;
	s1 =	sshll.u32 s1, $0x11  }
0xbb: {  	s0 =	sor.u32 s1, s0  }
0xbc: {  	s0 =	sadd.s32 $0x8F2B, s0  }
0xbd: {  	[sflag:s0] =	ssyncadd.remote.s32 $0x1  }
0xbe: {  	_ =	sfence.sel $0xFFFF  }
0xbf: {  	[dreg:$0x0] =	wrdreg $0xFFFFFFFF;
	(pc) =	sbr.abs _section_cstart, $3  }
0xc0: {  	[dreg:$0x1] =	wrdreg $0xFFFFFFFF  }
0xc1: {  	_ =	task.clear_ibuf [dreg:s7], $0x2FFFF;
	_ =	strace $0x9FFFFFFF  }
0xc2: {  	(tm) =	ssettm $0x7FFFFFFF  }
0xc3: {  	_ =	shalt  }
tec
execute0_lowered:
.L_overlay_start_1:
0x0: {  	(tag) =	ssettag $0x1  }
0x1: {  	s0 =	rddreg [dreg:$0x0]  }
0x2: {  	s1 =	rddreg [dreg:$0x1];
	s3 =	srdreg.scid  }
0x3: {  	s2 =	simm.s32 $0x0;
	s4 =	stileid.u32;
	s10 =	simm.s32 $0x5  }
0x4: {  	s12 =	simm.s32 $0x1000;
	s13 =	simm.s32 $0x1;
	s15 =	simm.s32 $0x5000  }
0x5: {  	s16 =	simm.s32 $0x2;
	s17 =	simm.s32 $0x3;
	s19 =	simm.s32 $0x4  }
0x6: {  	s20 =	simm.s32 $0x980;
	s21 =	simm.s32 $0xA00;
	s22 =	simm.s32 $0xA80  }
0x7: {  	s23 =	simm.s32 $0xB00;
	s24 =	simm.s32 $0xB80;
	s25 =	simm.s32 $0xC00  }
0x8: {  	s28 =	simm.s32 $0xD00;
	s29 =	simm.s32 $0xD80;
	s30 =	simm.s32 $0xE00  }
0x9: {  	s31 =	simm.s32 $0xE80;
	s9 =	simm.s32 $0x0;
	s3 =	sand.u32 $0x1, s3  }
0xa: {  	[smem:$0x7FF] =	sst s2;
	s4 =	sshll.u32 s4, $0x4;
	s5 =	sshll.u32 s3, $0x3  }
0xb: {  	_ =	strace $0x8000004A;
	s6 =	ssub.s32 $0x2, s3;
	s3 =	sor.u32 s5, s4  }
0xc: {  	s4 =	sadd.s32 $0x1212200, s0;
	s7 =	sshrl.u32 s6, $0x1;
	s8 =	sshll.u32 s3, $0x8  }
0xd: {  	s5 =	sadd.s32 $0x2200, s0;
	s26 =	ssub.s32 s6, s7;
	s6 =	sadd.s32 s1, s8  }
0xe: {  	s0 =	smax.u32 s26, $0x1;
	s8 =	simm.s32 $0x80;
	s26 =	simm.s32 $0xC80  }
0xf: {  	s1 =	simm.s32 $0xF80;
	[dreg:$0x3] =	wrdreg s0;
	s0 =	simm.s32 $0xF00  }
.LBB2_1:
0x10: {  	[dreg:$0x4] =	wrdreg s9;
	s7 =	simm.s32 $0x0  }
.LBB2_2:
0x11: {  	s9 =	sshll.u32 s7, $0x4  }
0x12: {  	s11 =	simm.s32 $0x0;
	s14 =	simm.s32 $0x400;
	s9 =	sadd.s32 s9, s6  }
0x13: {  	[tilespmem:s11], [sflag:$0x5] =	stream.strided.gather [hbm4b:s9+s8], $0x800, s14, s8, $0x38;
	[tilespmem:$0x9000] =	vst v63  }
0x14: {  	_ =	swait.ge [sflag:s10], $0x800  }
0x15: {  	s9 =	sor.u32 s3, s7;
	[sflag:s10] =	ssyncset.done $0x0  }
0x16: {  	s11 =	simm.s32 $0x0;
	s18 =	sshll.u32 s9, $0xB;
	[sflag:s10] =	ssyncadd.s32 $0xFFFFF800  }
0x17: {  	s14 =	simm.s32 $0x40;
	v0 =	vmov s18;
	v1 =	vld [tilespmem:s11+$0x0]  }
.LBB2_3:
0x18: {  	p0 =	sne.s32 s14, $0x1FC0  }
.Ltmp0:
0x19: {  	_ = 	snop;
	(pc) =	sbr.rel @p0 .LBB2_3-.Ltmp0, $3  }
0x1a: {  	_ =	sdelay $0x1  }
0x1b: {  	s18 =	sshra.s32 s14, $0x2;
	s14 =	sadd.s32 $0x40, s14;
	v2 =	vadd.s32 v0, v1  }
0x1c: {  	v1 =	vld [tilespmem:s18+$0x0];
	[tilespmem:s11+$0x800] =	vst v2;
	s11 =	smov.u32 s18  }
0x1d: {  	_ =	sdelay $0x3  }
0x1e: {  	v0 =	vadd.s32 v0, v1  }
0x1f: {  	s18 =	simm.s32 $0x800;
	[tilespmem:s11+$0x800] =	vst v0  }
0x20: {  	[tilespmem:s12], [sflag:$0x1] =	stream.indirect.gather [hbm4b:s4+s8], $0x80, s18, s8, $0xb8;
	[tilespmem:$0x9000] =	vst v63  }
0x21: {  	_ =	swait.ge [sflag:s13], $0x4000  }
0x22: {  	[sflag:s13] =	ssyncset.done $0x0  }
0x23: {  	s9 =	sshll.u32 s9, $0xF;
	s14 =	simm.s32 $0x880;
	[sflag:s13] =	ssyncadd.s32 $0xFFFFC000  }
0x24: {  	[tilespmem:s15], [sflag:$0x2] =	stream.indirect.gather [hbm4b:s4+s8], $0x80, s14, s8, $0xb8;
	[tilespmem:$0x9000] =	vst v63  }
0x25: {  	s9 =	sadd.s32 s5, s9  }
0x26: {  	[hbm4b:s9+s2] =	stream.linear.scatter [tilespmem:s12], [sflag:$0x3], $0x4000, $0x38;
	[tilespmem:$0x9000] =	vst v63  }
0x27: {  	_ =	swait.ge [sflag:s16], $0x4000  }
0x28: {  	[sflag:s16] =	ssyncset.done $0x0  }
0x29: {  	[sflag:s16] =	ssyncadd.s32 $0xFFFFC000  }
0x2a: {  	_ =	swait.ge [sflag:s17], $0x4000  }
0x2b: {  	[sflag:s17] =	ssyncset.done $0x0  }
0x2c: {  	s18 =	simm.s32 $0x900;
	[sflag:s17] =	ssyncadd.s32 $0xFFFFC000  }
0x2d: {  	[tilespmem:s12], [sflag:$0x1] =	stream.indirect.gather [hbm4b:s4+s8], $0x80, s18, s8, $0xb8;
	[tilespmem:$0x9000] =	vst v63  }
0x2e: {  	s14 =	sadd.s32 $0x800, s9  }
0x2f: {  	[hbm4b:s14+s2] =	stream.linear.scatter [tilespmem:s15], [sflag:$0x4], $0x4000, $0x38;
	[tilespmem:$0x9000] =	vst v63  }
0x30: {  	_ =	swait.ge [sflag:s13], $0x4000  }
0x31: {  	[sflag:s13] =	ssyncset.done $0x0  }
0x32: {  	[sflag:s13] =	ssyncadd.s32 $0xFFFFC000  }
0x33: {  	_ =	swait.ge [sflag:s19], $0x4000  }
0x34: {  	[sflag:s19] =	ssyncset.done $0x0  }
0x35: {  	[sflag:s19] =	ssyncadd.s32 $0xFFFFC000  }
0x36: {  	[tilespmem:s15], [sflag:$0x2] =	stream.indirect.gather [hbm4b:s4+s8], $0x80, s20, s8, $0xb8;
	[tilespmem:$0x9000] =	vst v63  }
0x37: {  	s18 =	sadd.s32 $0x1000, s9  }
0x38: {  	[hbm4b:s18+s2] =	stream.linear.scatter [tilespmem:s12], [sflag:$0x3], $0x4000, $0x38;
	[tilespmem:$0x9000] =	vst v63  }
0x39: {  	_ =	swait.ge [sflag:s16], $0x4000  }
0x3a: {  	[sflag:s16] =	ssyncset.done $0x0  }
0x3b: {  	[sflag:s16] =	ssyncadd.s32 $0xFFFFC000  }
0x3c: {  	_ =	swait.ge [sflag:s17], $0x4000  }
0x3d: {  	[sflag:s17] =	ssyncset.done $0x0  }
0x3e: {  	[sflag:s17] =	ssyncadd.s32 $0xFFFFC000  }
0x3f: {  	[tilespmem:s12], [sflag:$0x1] =	stream.indirect.gather [hbm4b:s4+s8], $0x80, s21, s8, $0xb8;
	[tilespmem:$0x9000] =	vst v63  }
0x40: {  	s14 =	sadd.s32 $0x1800, s9  }
0x41: {  	[hbm4b:s14+s2] =	stream.linear.scatter [tilespmem:s15], [sflag:$0x4], $0x4000, $0x38;
	[tilespmem:$0x9000] =	vst v63  }
0x42: {  	_ =	swait.ge [sflag:s13], $0x4000  }
0x43: {  	[sflag:s13] =	ssyncset.done $0x0  }
0x44: {  	[sflag:s13] =	ssyncadd.s32 $0xFFFFC000  }
0x45: {  	_ =	swait.ge [sflag:s19], $0x4000  }
0x46: {  	[sflag:s19] =	ssyncset.done $0x0  }
0x47: {  	[sflag:s19] =	ssyncadd.s32 $0xFFFFC000  }
0x48: {  	[tilespmem:s15], [sflag:$0x2] =	stream.indirect.gather [hbm4b:s4+s8], $0x80, s22, s8, $0xb8;
	[tilespmem:$0x9000] =	vst v63  }
0x49: {  	s18 =	sadd.s32 $0x2000, s9  }
0x4a: {  	[hbm4b:s18+s2] =	stream.linear.scatter [tilespmem:s12], [sflag:$0x3], $0x4000, $0x38;
	[tilespmem:$0x9000] =	vst v63  }
0x4b: {  	_ =	swait.ge [sflag:s16], $0x4000  }
0x4c: {  	[sflag:s16] =	ssyncset.done $0x0  }
0x4d: {  	[sflag:s16] =	ssyncadd.s32 $0xFFFFC000  }
0x4e: {  	_ =	swait.ge [sflag:s17], $0x4000  }
0x4f: {  	[sflag:s17] =	ssyncset.done $0x0  }
0x50: {  	[sflag:s17] =	ssyncadd.s32 $0xFFFFC000  }
0x51: {  	[tilespmem:s12], [sflag:$0x1] =	stream.indirect.gather [hbm4b:s4+s8], $0x80, s23, s8, $0xb8;
	[tilespmem:$0x9000] =	vst v63  }
0x52: {  	s14 =	sadd.s32 $0x2800, s9  }
0x53: {  	[hbm4b:s14+s2] =	stream.linear.scatter [tilespmem:s15], [sflag:$0x4], $0x4000, $0x38;
	[tilespmem:$0x9000] =	vst v63  }
0x54: {  	_ =	swait.ge [sflag:s13], $0x4000  }
0x55: {  	[sflag:s13] =	ssyncset.done $0x0  }
0x56: {  	[sflag:s13] =	ssyncadd.s32 $0xFFFFC000  }
0x57: {  	_ =	swait.ge [sflag:s19], $0x4000  }
0x58: {  	[sflag:s19] =	ssyncset.done $0x0  }
0x59: {  	[sflag:s19] =	ssyncadd.s32 $0xFFFFC000  }
0x5a: {  	[tilespmem:s15], [sflag:$0x2] =	stream.indirect.gather [hbm4b:s4+s8], $0x80, s24, s8, $0xb8;
	[tilespmem:$0x9000] =	vst v63  }
0x5b: {  	s18 =	sadd.s32 $0x3000, s9  }
0x5c: {  	[hbm4b:s18+s2] =	stream.linear.scatter [tilespmem:s12], [sflag:$0x3], $0x4000, $0x38;
	[tilespmem:$0x9000] =	vst v63  }
0x5d: {  	_ =	swait.ge [sflag:s16], $0x4000  }
0x5e: {  	[sflag:s16] =	ssyncset.done $0x0  }
0x5f: {  	[sflag:s16] =	ssyncadd.s32 $0xFFFFC000  }
0x60: {  	_ =	swait.ge [sflag:s17], $0x4000  }
0x61: {  	[sflag:s17] =	ssyncset.done $0x0  }
0x62: {  	[sflag:s17] =	ssyncadd.s32 $0xFFFFC000  }
0x63: {  	[tilespmem:s12], [sflag:$0x1] =	stream.indirect.gather [hbm4b:s4+s8], $0x80, s25, s8, $0xb8;
	[tilespmem:$0x9000] =	vst v63  }
0x64: {  	s14 =	sadd.s32 $0x3800, s9  }
0x65: {  	[hbm4b:s14+s2] =	stream.linear.scatter [tilespmem:s15], [sflag:$0x4], $0x4000, $0x38;
	[tilespmem:$0x9000] =	vst v63  }
0x66: {  	_ =	swait.ge [sflag:s13], $0x4000  }
0x67: {  	[sflag:s13] =	ssyncset.done $0x0  }
0x68: {  	[sflag:s13] =	ssyncadd.s32 $0xFFFFC000  }
0x69: {  	_ =	swait.ge [sflag:s19], $0x4000  }
0x6a: {  	[sflag:s19] =	ssyncset.done $0x0  }
0x6b: {  	[sflag:s19] =	ssyncadd.s32 $0xFFFFC000  }
0x6c: {  	[tilespmem:s15], [sflag:$0x2] =	stream.indirect.gather [hbm4b:s4+s8], $0x80, s26, s8, $0xb8;
	[tilespmem:$0x9000] =	vst v63  }
0x6d: {  	s18 =	sadd.s32 $0x4000, s9  }
0x6e: {  	[hbm4b:s18+s2] =	stream.linear.scatter [tilespmem:s12], [sflag:$0x3], $0x4000, $0x38;
	[tilespmem:$0x9000] =	vst v63  }
0x6f: {  	_ =	swait.ge [sflag:s16], $0x4000  }
0x70: {  	[sflag:s16] =	ssyncset.done $0x0  }
0x71: {  	[sflag:s16] =	ssyncadd.s32 $0xFFFFC000  }
0x72: {  	_ =	swait.ge [sflag:s17], $0x4000  }
0x73: {  	[sflag:s17] =	ssyncset.done $0x0  }
0x74: {  	[sflag:s17] =	ssyncadd.s32 $0xFFFFC000  }
0x75: {  	[tilespmem:s12], [sflag:$0x1] =	stream.indirect.gather [hbm4b:s4+s8], $0x80, s28, s8, $0xb8;
	[tilespmem:$0x9000] =	vst v63  }
0x76: {  	s14 =	sadd.s32 $0x4800, s9  }
0x77: {  	[hbm4b:s14+s2] =	stream.linear.scatter [tilespmem:s15], [sflag:$0x4], $0x4000, $0x38;
	[tilespmem:$0x9000] =	vst v63  }
0x78: {  	_ =	swait.ge [sflag:s13], $0x4000  }
0x79: {  	[sflag:s13] =	ssyncset.done $0x0  }
0x7a: {  	[sflag:s13] =	ssyncadd.s32 $0xFFFFC000  }
0x7b: {  	_ =	swait.ge [sflag:s19], $0x4000  }
0x7c: {  	[sflag:s19] =	ssyncset.done $0x0  }
0x7d: {  	[sflag:s19] =	ssyncadd.s32 $0xFFFFC000  }
0x7e: {  	[tilespmem:s15], [sflag:$0x2] =	stream.indirect.gather [hbm4b:s4+s8], $0x80, s29, s8, $0xb8;
	[tilespmem:$0x9000] =	vst v63  }
0x7f: {  	s18 =	sadd.s32 $0x5000, s9  }
0x80: {  	[hbm4b:s18+s2] =	stream.linear.scatter [tilespmem:s12], [sflag:$0x3], $0x4000, $0x38;
	[tilespmem:$0x9000] =	vst v63  }
0x81: {  	_ =	swait.ge [sflag:s16], $0x4000  }
0x82: {  	[sflag:s16] =	ssyncset.done $0x0  }
0x83: {  	[sflag:s16] =	ssyncadd.s32 $0xFFFFC000  }
0x84: {  	_ =	swait.ge [sflag:s17], $0x4000  }
0x85: {  	[sflag:s17] =	ssyncset.done $0x0  }
0x86: {  	[sflag:s17] =	ssyncadd.s32 $0xFFFFC000  }
0x87: {  	[tilespmem:s12], [sflag:$0x1] =	stream.indirect.gather [hbm4b:s4+s8], $0x80, s30, s8, $0xb8;
	[tilespmem:$0x9000] =	vst v63  }
0x88: {  	s14 =	sadd.s32 $0x5800, s9  }
0x89: {  	[hbm4b:s14+s2] =	stream.linear.scatter [tilespmem:s15], [sflag:$0x4], $0x4000, $0x38;
	[tilespmem:$0x9000] =	vst v63  }
0x8a: {  	_ =	swait.ge [sflag:s13], $0x4000  }
0x8b: {  	[sflag:s13] =	ssyncset.done $0x0  }
0x8c: {  	[sflag:s13] =	ssyncadd.s32 $0xFFFFC000  }
0x8d: {  	_ =	swait.ge [sflag:s19], $0x4000  }
0x8e: {  	[sflag:s19] =	ssyncset.done $0x0  }
0x8f: {  	[sflag:s19] =	ssyncadd.s32 $0xFFFFC000  }
0x90: {  	[tilespmem:s15], [sflag:$0x2] =	stream.indirect.gather [hbm4b:s4+s8], $0x80, s31, s8, $0xb8;
	[tilespmem:$0x9000] =	vst v63  }
0x91: {  	s18 =	sadd.s32 $0x6000, s9  }
0x92: {  	[hbm4b:s18+s2] =	stream.linear.scatter [tilespmem:s12], [sflag:$0x3], $0x4000, $0x38;
	[tilespmem:$0x9000] =	vst v63  }
0x93: {  	_ =	swait.ge [sflag:s16], $0x4000  }
0x94: {  	[sflag:s16] =	ssyncset.done $0x0  }
0x95: {  	[sflag:s16] =	ssyncadd.s32 $0xFFFFC000  }
0x96: {  	_ =	swait.ge [sflag:s17], $0x4000  }
0x97: {  	[sflag:s17] =	ssyncset.done $0x0  }
0x98: {  	[sflag:s17] =	ssyncadd.s32 $0xFFFFC000  }
0x99: {  	[tilespmem:s12], [sflag:$0x1] =	stream.indirect.gather [hbm4b:s4+s8], $0x80, s0, s8, $0xb8;
	[tilespmem:$0x9000] =	vst v63  }
0x9a: {  	s14 =	sadd.s32 $0x6800, s9  }
0x9b: {  	[hbm4b:s14+s2] =	stream.linear.scatter [tilespmem:s15], [sflag:$0x4], $0x4000, $0x38;
	[tilespmem:$0x9000] =	vst v63  }
0x9c: {  	_ =	swait.ge [sflag:s13], $0x4000  }
0x9d: {  	[sflag:s13] =	ssyncset.done $0x0  }
0x9e: {  	[sflag:s13] =	ssyncadd.s32 $0xFFFFC000  }
0x9f: {  	_ =	swait.ge [sflag:s19], $0x4000  }
0xa0: {  	[sflag:s19] =	ssyncset.done $0x0  }
0xa1: {  	[sflag:s19] =	ssyncadd.s32 $0xFFFFC000  }
0xa2: {  	[tilespmem:s15], [sflag:$0x2] =	stream.indirect.gather [hbm4b:s4+s8], $0x80, s1, s8, $0xb8;
	[tilespmem:$0x9000] =	vst v63  }
0xa3: {  	s18 =	sadd.s32 $0x7000, s9  }
0xa4: {  	[hbm4b:s18+s2] =	stream.linear.scatter [tilespmem:s12], [sflag:$0x3], $0x4000, $0x38;
	[tilespmem:$0x9000] =	vst v63  }
0xa5: {  	_ =	swait.ge [sflag:s16], $0x4000  }
0xa6: {  	[sflag:s16] =	ssyncset.done $0x0  }
0xa7: {  	[sflag:s16] =	ssyncadd.s32 $0xFFFFC000  }
0xa8: {  	s7 =	sadd.s32 $0x1, s7;
	_ =	swait.ge [sflag:s17], $0x4000  }
0xa9: {  	p0 =	sne.s32 s7, $0x8;
	[sflag:s17] =	ssyncset.done $0x0  }
.Ltmp1:
0xaa: {  	s9 =	sadd.s32 $0x7800, s9;
	[sflag:s17] =	ssyncadd.s32 $0xFFFFC000;
	(pc) =	sbr.rel @p0 .LBB2_2-.Ltmp1, $4  }
0xab: {  	[hbm4b:s9+s2] =	stream.linear.scatter [tilespmem:s15], [sflag:$0x4], $0x4000, $0x38;
	[tilespmem:$0x9000] =	vst v63  }
0xac: {  	_ =	swait.ge [sflag:s19], $0x4000  }
0xad: {  	[sflag:s19] =	ssyncset.done $0x0  }
0xae: {  	[sflag:s19] =	ssyncadd.s32 $0xFFFFC000  }
0xaf: {  	s9 =	rddreg [dreg:$0x4]  }
0xb0: {  	s7 =	rddreg [dreg:$0x3];
	s9 =	sadd.s32 $0x1, s9  }
0xb1: {  	p0 =	sne.s32 s9, s7  }
.Ltmp2:
0xb2: {  	_ = 	snop;
	(pc) =	sbr.rel @p0 .LBB2_1-.Ltmp2, $1  }
0xb3: {  	_ =	sdelay $0x3  }
0xb4: {  	_ =	sfence.sel $0x180000  }
0xb5: {  	[bflag:$0x0] =	sbarrier.arrive $0xFFFF  }
0xb6: {  	_ =	strace $0x9000004A  }
0xb7: {  	s0 =	stileid.u32;
	[bflag:$0x2] =	sbarrier.arrive $0xFFFF  }
0xb8: {  	p0 =	sne.s32 s0, $0x0;
	s0 =	rddreg [dreg:$0x2]  }
0xb9: {  	s0 =	sadd.s32 @!p0 $0x100000, s0  }
0xba: {  	[sflag:s0] =	ssyncadd.tile.s32 @!p0 $0x1;
	_ =	shalt  }
.Lfunc_end2:
_tile_overlayer_lowered:
.L_overlay_start_2:
0xbb: {  	(tag) =	ssettag $0x2  }
0xbc: {  	s0 =	rddreg [dreg:$0x0];
	s2 =	stileid.u32  }
0xbd: {  	s1 =	rddreg [dreg:$0x1];
	p0 =	sne.s32 s2, $0x0  }
0xbe: {  	s3 =	rddreg [dreg:$0x2];
	[bflag:$0x3] =	sbarrier.arrive $0xFFFF;
	s2 =	simm.s32 @!p0 $0x1C05  }
0xbf: {  	[timem:s3], [sflag:s2] =	dma.local @!p0 [hbm:s0], s1  }
0xc0: {  	s0 =	simm.s32 @!p0 $0x5  }
0xc1: {  	_ =	swait.ge @!p0 [sflag:s0], s1  }
0xc2: {  	s1 =	ssub.s32 @!p0 $0x0, s1;
	[sflag:s0] =	ssyncset.done @!p0 $0x0  }
0xc3: {  	[sflag:s0] =	ssyncadd.s32 @!p0 s1  }
0xc4: {  	[bflag:$0x3] =	sbarrier.arrive $0xFFFF  }
0xc5: {  	_ =	shalt  }

// kernel: kernel.9.cloned.1.call-start
scs
__scs_entry_jumppad:
0x0: {  	(pc) =	sbr.rel $0x88, $3  }
0x1: {  	(tag) =	ssettag $0x0;
	lr =	simm.s32 $0x1  }
0x2: {  	[smem:$0x3F9C] =	sst lr;
	_ =	strace $0xD0000000  }
0x3: {  	_ = 	snop  }
0x4: {  	_ = 	snop  }
0x5: {  	_ = 	snop  }
0x6: {  	_ = 	snop  }
0x7: {  	_ = 	snop  }
__scs_overlays_trampoline_lowered:
0x8: {  	[smem:$0x3FAB] =	sst s0  }
0x9: {  	[smem:$0x3FAC] =	sst s1  }
0xa: {  	[smem:$0x3FAD] =	sst s2  }
0xb: {  	[smem:$0x3FAE] =	sst s3  }
0xc: {  	[smem:$0x3FAF] =	sst s4  }
0xd: {  	[smem:$0x3FB0] =	sst s5  }
0xe: {  	[smem:$0x3FB1] =	sst s6  }
0xf: {  	[smem:$0x3FB2] =	sst s7  }
0x10: {  	[smem:$0x3FB3] =	sst s8  }
0x11: {  	[smem:$0x3FB4] =	sst s9;
	s0 =	simm.s32 @!p0 $0x0  }
0x12: {  	s1 =	sld [smem:$0x3F9A];
	s0 =	simm.s32 @p0 $0x1  }
0x13: {  	[smem:$0x3FB5] =	sst s0;
	s0 =	simm.s32 @!p1 $0x0  }
0x14: {  	s2 =	sld [smem:$0x3F99];
	s0 =	simm.s32 @p1 $0x1  }
0x15: {  	[smem:$0x3FB6] =	sst s0;
	s0 =	simm.s32 @!p2 $0x0  }
0x16: {  	s3 =	sld [smem:$0x3FDB];
	s0 =	simm.s32 @p2 $0x1  }
0x17: {  	s4 =	simm.s32 $0x1BF5;
	[smem:$0x3FB8] =	sst s0  }
0x18: {  	s0 =	sld [smem:$0x3F9B];
	_ =	swait.ge [sflag:s4], $0x0  }
0x19: {  	s7 =	sld [smem:$0x3F9C]  }
0x1a: {  	s8 =	sadd.s32 $0xFFFFE003, lr  }
0x1b: {  	s9 =	sadd.s32 $0xFFFFFEF7, lr;
	s5 =	simm.s32 $0xFFFFFFFF;
	p2 =	slt.u32 s8, $0xFFFFF086  }
0x1c: {  	p1 =	slt.u32 s9, $0xF7A;
	s5 =	simm.s32 @!p2 $0x0  }
0x1d: {  	s5 =	simm.s32 @p1 $0x1;
	p0 =	seq.s32 s7, s2  }
0x1e: {  	s7 =	smul.u32 @!p0 $0xF7A, s2;
	p2 =	seq.s32 @!p0 s5, $0x0  }
0x1f: {  	s9 =	smul.u32 $0xF7A, s1;
	s8 =	simm.s32 @!p0 $0x1BF5;
	p2 =	por !p2, p0  }
0x20: {  	[sflag:s8] =	ssyncset.s32 @!p0 $0xFFFFF086;
	s6 =	sadd.s32 @!p0 s3, s7;
	s7 =	simm.s32 @!p0 $0x108  }
0x21: {  	s3 =	sadd.s32 s3, s9;
	s6 =	sadd.s32 @!p0 $0x88, s6;
	s7 =	simm.s32 @p2 $0x1082  }
0x22: {  	[simem:s7], [sflag:s8] =	dma.local @!p0 [hbm:s6], $0xF7A  }
0x23: {  	s9 =	sor.u32 $0xD0000000, s2;
	s6 =	simm.s32 $0x108;
	_ =	swait.ge @!p0 [sflag:s8], $0x0  }
0x24: {  	s3 =	sadd.s32 $0x88, s3;
	s6 =	simm.s32 @!p1 $0x1082;
	[sflag:s4] =	ssyncset.s32 $0xFFFFF086  }
0x25: {  	[simem:s6], [sflag:s4] =	dma.local [hbm:s3], $0xF7A  }
0x26: {  	[smem:$0x3F9C] =	sst s1;
	(tag) =	ssettag s2;
	_ =	strace s9  }
0x27: {  	s1 =	sld [smem:$0x3FAC]  }
0x28: {  	s2 =	sld [smem:$0x3FAD]  }
0x29: {  	s4 =	sld [smem:$0x3FAF]  }
0x2a: {  	p0 =	seq.s32 s5, $0x0;
	s5 =	sld [smem:$0x3FB0]  }
0x2b: {  	s6 =	sld [smem:$0x3FB1]  }
0x2c: {  	s7 =	sld [smem:$0x3FB2]  }
0x2d: {  	s3 =	simm.s32 $0x108;
	s8 =	sld [smem:$0x3FB3]  }
0x2e: {  	s3 =	simm.s32 @!p0 $0x1082;
	s9 =	sld [smem:$0x3FB4]  }
0x2f: {  	lr =	sadd.s32 s0, s3;
	s0 =	sld [smem:$0x3FAB]  }
0x30: {  	s3 =	sld [smem:$0x3FAE]  }
0x31: {  	[smem:$0x3FB7] =	sst s10  }
0x32: {  	s10 =	sld [smem:$0x3FB5];
	_ =	sdelay $0x3  }
0x33: {  	p0 =	seq.s32 s10, $0x1;
	s10 =	sld [smem:$0x3FB7];
	_ =	sdelay $0x3  }
0x34: {  	[smem:$0x3FB7] =	sst s10  }
0x35: {  	s10 =	sld [smem:$0x3FB6];
	_ =	sdelay $0x3  }
0x36: {  	p1 =	seq.s32 s10, $0x1;
	s10 =	sld [smem:$0x3FB7];
	_ =	sdelay $0x3  }
0x37: {  	[smem:$0x3FB7] =	sst s10  }
0x38: {  	s10 =	sld [smem:$0x3FB8]  }
0x39: {  	_ = 	snop;
	(pc) =	sbr.ind lr, $3  }
0x3a: {  	_ = 	snop  }
0x3b: {  	_ = 	snop  }
0x3c: {  	p2 =	seq.s32 s10, $0x1;
	s10 =	sld [smem:$0x3FB7]  }
0x3d: {  	_ =	shalt  }
0x3e: {  	_ =	shalt  }
0x3f: {  	_ =	shalt  }
0x40: {  	_ =	shalt  }
0x41: {  	_ =	shalt  }
0x42: {  	_ =	shalt  }
0x43: {  	_ =	shalt  }
0x44: {  	_ =	shalt  }
0x45: {  	_ =	shalt  }
0x46: {  	_ =	shalt  }
0x47: {  	_ =	shalt  }
0x48: {  	_ =	shalt  }
0x49: {  	_ =	shalt  }
0x4a: {  	_ =	shalt  }
0x4b: {  	_ =	shalt  }
0x4c: {  	_ =	shalt  }
0x4d: {  	_ =	shalt  }
0x4e: {  	_ =	shalt  }
0x4f: {  	_ =	shalt  }
0x50: {  	_ =	shalt  }
0x51: {  	_ =	shalt  }
0x52: {  	_ =	shalt  }
0x53: {  	_ =	shalt  }
0x54: {  	_ =	shalt  }
0x55: {  	_ =	shalt  }
0x56: {  	_ =	shalt  }
0x57: {  	_ =	shalt  }
0x58: {  	_ =	shalt  }
0x59: {  	_ =	shalt  }
0x5a: {  	_ =	shalt  }
0x5b: {  	_ =	shalt  }
0x5c: {  	_ =	shalt  }
0x5d: {  	_ =	shalt  }
0x5e: {  	_ =	shalt  }
0x5f: {  	_ =	shalt  }
0x60: {  	_ =	shalt  }
0x61: {  	_ =	shalt  }
0x62: {  	_ =	shalt  }
0x63: {  	_ =	shalt  }
0x64: {  	_ =	shalt  }
0x65: {  	_ =	shalt  }
0x66: {  	_ =	shalt  }
0x67: {  	_ =	shalt  }
0x68: {  	_ =	shalt  }
0x69: {  	_ =	shalt  }
0x6a: {  	_ =	shalt  }
0x6b: {  	_ =	shalt  }
0x6c: {  	_ =	shalt  }
0x6d: {  	_ =	shalt  }
0x6e: {  	_ =	shalt  }
0x6f: {  	_ =	shalt  }
0x70: {  	_ =	shalt  }
0x71: {  	_ =	shalt  }
0x72: {  	_ =	shalt  }
0x73: {  	_ =	shalt  }
0x74: {  	_ =	shalt  }
0x75: {  	_ =	shalt  }
0x76: {  	_ =	shalt  }
0x77: {  	_ =	shalt  }
0x78: {  	_ =	shalt  }
0x79: {  	_ =	shalt  }
0x7a: {  	_ =	shalt  }
0x7b: {  	_ =	shalt  }
0x7c: {  	_ =	shalt  }
0x7d: {  	_ =	shalt  }
0x7e: {  	_ =	shalt  }
0x7f: {  	_ =	shalt  }
0x80: {  	_ =	shalt  }
0x81: {  	_ =	shalt  }
0x82: {  	_ =	shalt  }
0x83: {  	_ =	shalt  }
0x84: {  	_ =	shalt  }
0x85: {  	_ =	shalt  }
0x86: {  	_ =	shalt  }
0x87: {  	_ =	shalt  }
.Lfunc_end0:
.L_simem_size_0:
called_computation.2_lowered:
.L_overlay_start_0:
0x88: {  	s2 =	sld [smem:$0x3FD9]  }
0x89: {  	s3 =	sld [smem:$0x3FFE];
	_ =	sdelay $0x1  }
0x8a: {  	s1 =	srdreg.scid  }
0x8b: {  	s0 =	sand.u32 $0x1, s1  }
0x8c: {  	s17 =	sshll.u32 s0, $0xA;
	s2 =	sadd.s32 s3, s2  }
0x8d: {  	s2 =	sadd.s32 s2, s17  }
0x8e: {  	[smem:$0x3FC3] =	sst s2  }
0x8f: {  	_ = 	snop  }
0x90: {  	s2 =	sld [smem:$0x3FD0];
	(tm) =	ssettm $0x1  }
0x91: {  	s18 =	sld [smem:$0x3FFB];
	_ =	sdelay $0x3  }
0x92: {  	_ =	strace s18  }
0x93: {  	s3 =	sld [smem:$0x3FFC];
	_ =	sdelay $0x3  }
0x94: {  	_ =	strace s3  }
0x95: {  	s3 =	sld [smem:$0x3FFD];
	_ =	sdelay $0x3  }
0x96: {  	_ =	strace s3  }
0x97: {  	_ =	strace $0x8FFFFFFF  }
0x98: {  	s19 =	sld [smem:$0x3FDB];
	_ =	sdelay $0x1  }
0x99: {  	s4 =	simm.s32 $_scs_section_size  }
0x9a: {  	s5 =	simm.s32 $_size__tile_overlayer_lowered;
	s6 =	simm.s32 $_tile_overlayer_lowered  }
0x9b: {  	s22 =	simm.s32 $0x1BFF;
	s21 =	sshll.u32 s6, $0x1;
	s3 =	sadd.s32 s4, s19  }
0x9c: {  	s7 =	simm.s32 $0x0;
	s20 =	sshll.u32 s5, $0x1;
	s5 =	sadd.s32 s21, s3  }
0x9d: {  	[timem:s7], [sflag:s22] =	dma.local [hbm:s5], s20  }
0x9e: {  	_ =	swait.ge [sflag:s22], s20  }
0x9f: {  	s4 =	ssub.s32 $0x0, s20;
	[sflag:s22] =	ssyncset.done $0x0  }
0xa0: {  	[sflag:s22] =	ssyncadd.s32 s4;
	_ =	sdelay $0x1  }
0xa1: {  	s23 =	simm.s32 $0x1B8B  }
0xa2: {  	_ =	swait.ge [sflag:s23], $0x1  }
0xa3: {  	[sflag:s23] =	ssyncset.done $0x0  }
0xa4: {  	s25 =	simm.s32 $0x1B8E;
	s24 =	sld [smem:$0x3FFE];
	[sflag:s23] =	ssyncadd.s32 $0xFFFFFFFF  }
0xa5: {  	s26 =	simm.s32 $execute0_lowered;
	[smem:$0x3FD2] =	sst s25  }
0xa6: {  	s5 =	sshll.u32 s26, $0x1;
	_ =	strace $0x80000046;
	[dreg:$0x1] =	wrdreg $0xFFFFFFFF  }
0xa7: {  	s28 =	simm.s32 $_size_execute0_lowered;
	s3 =	sadd.s32 s3, s5;
	[dreg:$0x0] =	wrdreg $0x0  }
0xa8: {  	s5 =	sshll.u32 s28, $0x1;
	[dreg:$0x2] =	wrdreg s3  }
0xa9: {  	[dreg:$0x3] =	wrdreg s5  }
0xaa: {  	[dreg:$0x4] =	wrdreg $0xC0  }
0xab: {  	_ =	task [dreg:s7], $0x5FFFF  }
0xac: {  	[dreg:$0x1] =	wrdreg $0xFFFFFFFF  }
0xad: {  	[dreg:$0x0] =	wrdreg $0x60  }
0xae: {  	[dreg:$0x2] =	wrdreg s24  }
0xaf: {  	[dreg:$0x3] =	wrdreg s2  }
0xb0: {  	[dreg:$0x4] =	wrdreg $0x9  }
0xb1: {  	_ =	task.clear_ibuf [dreg:s7], $0x5FFFF;
	_ =	strace $0x90000046  }
0xb2: {  	s29 =	simm.s32 $0x9;
	_ =	strace $0x80000048  }
0xb3: {  	_ =	swait.ge [sflag:s29], $0x1  }
0xb4: {  	[sflag:s29] =	ssyncadd.s32 $0xFFFFFFFF  }
0xb5: {  	_ =	strace $0x90000048  }
0xb6: {  	_ =	sfence  }
0xb7: {  	s30 =	sld [smem:$0x0];
	_ =	sdelay $0x2  }
0xb8: {  	s31 =	sshll.u32 s1, $0xD;
	s1 =	sshrl.u32 s1, $0x2  }
0xb9: {  	s3 =	sand.u32 $0x4000, s31;
	s1 =	sadd.s32 s1, s30  }
0xba: {  	s0 =	sor.u32 s3, s0;
	s1 =	sshll.u32 s1, $0x11  }
0xbb: {  	s0 =	sor.u32 s1, s0  }
0xbc: {  	s0 =	sadd.s32 $0x8F2B, s0  }
0xbd: {  	[sflag:s0] =	ssyncadd.remote.s32 $0x1  }
0xbe: {  	_ =	sfence.sel $0xFFFF  }
0xbf: {  	[dreg:$0x0] =	wrdreg $0xFFFFFFFF;
	(pc) =	sbr.abs _section_cstart, $3  }
0xc0: {  	[dreg:$0x1] =	wrdreg $0xFFFFFFFF  }
0xc1: {  	_ =	task.clear_ibuf [dreg:s7], $0x2FFFF;
	_ =	strace $0x9FFFFFFF  }
0xc2: {  	(tm) =	ssettm $0x7FFFFFFF  }
0xc3: {  	_ =	shalt  }
tec
execute0_lowered:
.L_overlay_start_1:
0x0: {  	(tag) =	ssettag $0x1  }
0x1: {  	s0 =	rddreg [dreg:$0x0];
	s2 =	simm.s32 $0x0;
	s1 =	srdreg.scid  }
0x2: {  	s5 =	stileid.u32;
	s10 =	simm.s32 $0x1;
	s11 =	simm.s32 $0x80  }
0x3: {  	s12 =	simm.s32 $0x400;
	s13 =	simm.s32 $0x5;
	s14 =	simm.s32 $0x800  }
0x4: {  	s15 =	simm.s32 $0x1000;
	s16 =	simm.s32 $0x1800;
	s18 =	simm.s32 $0x5800  }
0x5: {  	s19 =	simm.s32 $0x2;
	s20 =	simm.s32 $0x3;
	s22 =	simm.s32 $0x4  }
0x6: {  	s29 =	simm.s32 $0x1400;
	s30 =	simm.s32 $0x1480;
	s31 =	simm.s32 $0x1500  }
0x7: {  	s9 =	simm.s32 $0x1680;
	s17 =	simm.s32 $0x1780;
	s23 =	simm.s32 $0x0  }
0x8: {  	[smem:$0x7FF] =	sst s2;
	s1 =	sand.u32 $0x1, s1;
	s4 =	sadd.s32 $0x2200, s0  }
0x9: {  	s7 =	sshll.u32 s5, $0x4;
	s5 =	sadd.s32 $0x212200, s0;
	s3 =	ssub.s32 $0x2, s1  }
0xa: {  	_ =	strace $0x80000047;
	s1 =	sshll.u32 s1, $0x3;
	s6 =	sshrl.u32 s3, $0x1  }
0xb: {  	s3 =	ssub.s32 s3, s6;
	s6 =	sor.u32 s1, s7;
	s7 =	sadd.s32 $0x202200, s0  }
0xc: {  	s0 =	simm.s32 $0x1580;
	s1 =	simm.s32 $0x1700;
	s28 =	smax.u32 s3, $0x1  }
0xd: {  	v0 =	vlaneseq.u32;
	s8 =	sshll.u32 s6, $0x8;
	s3 =	simm.s32 $0x1600;
	[dreg:$0x3] =	wrdreg s28  }
.LBB2_1:
0xe: {  	[dreg:$0x4] =	wrdreg s23;
	s21 =	simm.s32 $0x0  }
.LBB2_2:
0xf: {  	s23 =	sor.u32 s6, s21  }
0x10: {  	s24 =	sand.u32 $0x3, s21;
	s26 =	sshll.u32 s21, $0x4;
	s25 =	rddreg [dreg:$0x1]  }
0x11: {  	p0 =	seq.s32 s23, $0x0;
	p1 =	sne.s32 s24, $0x0;
	s24 =	sadd.s32 s8, s26  }
0x12: {  	p0 =	por !p0, !p1;
	s28 =	sadd.s32 s25, s24;
	s25 =	simm.s32 $0x0  }
0x13: {  	[tilespmem:s25], [sflag:$0x5] =	stream.strided.gather [hbm4b:s28+s11], $0x800, s12, s11, $0x38;
	[tilespmem:$0x9800] =	vst v63  }
0x14: {  	s26 =	simm.s32 $0x1;
	p0 =	por !p0, !p0;
	_ =	swait.ge [sflag:s13], $0x800  }
0x15: {  	s28 =	sshrl.u32 s23, $0x2;
	s26 =	simm.s32 @!p0 $0x0;
	[sflag:s13] =	ssyncset.done $0x0  }
0x16: {  	s26 =	ssub.s32 s28, s26;
	[sflag:s13] =	ssyncadd.s32 $0xFFFFF800  }
0x17: {  	s26 =	sshll.u32 s26, $0xB;
	v2 =	vld [tilespmem:s25+$0x0]  }
0x18: {  	s28 =	simm.s32 $0x0;
	v1 =	vor.u32 s26, v0;
	s26 =	simm.s32 $0x10  }
.LBB2_3:
0x19: {  	p0 =	sne.s32 s26, $0x7F0;
	_ =	sdelay $0x4  }
.Ltmp0:
0x1a: {  	v3 =	vor.u32 s25, v0;
	(pc) =	sbr.rel @p0 .LBB2_3-.Ltmp0, $4  }
0x1b: {  	[tilespmem:v2+s14+$0x0] =	vst.idx.msk $0xffff, v3;
	v3 =	vor.u32 s25, v1;
	s25 =	smov.u32 s26  }
0x1c: {  	s28 =	sadd.s32 $0x10, s28;
	[tilespmem:v2+s15+$0x0] =	vst.idx.msk $0xffff, v3  }
0x1d: {  	v2 =	vld [tilespmem:s28+$0x0]  }
0x1e: {  	s26 =	sadd.s32 $0x10, s26  }
0x1f: {  	_ =	sdelay $0x5  }
0x20: {  	v3 =	vor.u32 s25, v0  }
0x21: {  	v1 =	vor.u32 s25, v1;
	[tilespmem:v2+s14+$0x0] =	vst.idx.msk $0xffff, v3  }
0x22: {  	s24 =	sadd.s32 s7, s24;
	[tilespmem:v2+s15+$0x0] =	vst.idx.msk $0xffff, v1  }
0x23: {  	[hbm4b:s24+s11] =	stream.strided.scatter [tilespmem:s14], [sflag:$0x5], $0x800, s12, s11, $0x38;
	[tilespmem:$0x9800] =	vst v63  }
0x24: {  	_ =	swait.ge [sflag:s13], $0x800  }
0x25: {  	[sflag:s13] =	ssyncset.done $0x0  }
0x26: {  	[sflag:s13] =	ssyncadd.s32 $0xFFFFF800  }
0x27: {  	[tilespmem:s16], [sflag:$0x1] =	stream.indirect.gather [hbm4b:s4+s11], $0x80, s15, s11, $0xb8;
	[tilespmem:$0x9800] =	vst v63  }
0x28: {  	_ =	swait.ge [sflag:s10], $0x4000  }
0x29: {  	[sflag:s10] =	ssyncset.done $0x0  }
0x2a: {  	s23 =	sshll.u32 s23, $0xF;
	s25 =	simm.s32 $0x1080;
	[sflag:s10] =	ssyncadd.s32 $0xFFFFC000  }
0x2b: {  	[tilespmem:s18], [sflag:$0x2] =	stream.indirect.gather [hbm4b:s4+s11], $0x80, s25, s11, $0xb8;
	[tilespmem:$0x9800] =	vst v63  }
0x2c: {  	s23 =	sadd.s32 s5, s23  }
0x2d: {  	[hbm4b:s23+s2] =	stream.linear.scatter [tilespmem:s16], [sflag:$0x3], $0x4000, $0x38;
	[tilespmem:$0x9800] =	vst v63  }
0x2e: {  	_ =	swait.ge [sflag:s19], $0x4000  }
0x2f: {  	[sflag:s19] =	ssyncset.done $0x0  }
0x30: {  	[sflag:s19] =	ssyncadd.s32 $0xFFFFC000  }
0x31: {  	_ =	swait.ge [sflag:s20], $0x4000  }
0x32: {  	[sflag:s20] =	ssyncset.done $0x0  }
0x33: {  	s26 =	simm.s32 $0x1100;
	[sflag:s20] =	ssyncadd.s32 $0xFFFFC000  }
0x34: {  	[tilespmem:s16], [sflag:$0x1] =	stream.indirect.gather [hbm4b:s4+s11], $0x80, s26, s11, $0xb8;
	[tilespmem:$0x9800] =	vst v63  }
0x35: {  	s28 =	sadd.s32 $0x800, s23  }
0x36: {  	[hbm4b:s28+s2] =	stream.linear.scatter [tilespmem:s18], [sflag:$0x4], $0x4000, $0x38;
	[tilespmem:$0x9800] =	vst v63  }
0x37: {  	_ =	swait.ge [sflag:s10], $0x4000  }
0x38: {  	[sflag:s10] =	ssyncset.done $0x0  }
0x39: {  	[sflag:s10] =	ssyncadd.s32 $0xFFFFC000  }
0x3a: {  	_ =	swait.ge [sflag:s22], $0x4000  }
0x3b: {  	[sflag:s22] =	ssyncset.done $0x0  }
0x3c: {  	s25 =	simm.s32 $0x1180;
	[sflag:s22] =	ssyncadd.s32 $0xFFFFC000  }
0x3d: {  	[tilespmem:s18], [sflag:$0x2] =	stream.indirect.gather [hbm4b:s4+s11], $0x80, s25, s11, $0xb8;
	[tilespmem:$0x9800] =	vst v63  }
0x3e: {  	s26 =	sadd.s32 $0x1000, s23  }
0x3f: {  	[hbm4b:s26+s2] =	stream.linear.scatter [tilespmem:s16], [sflag:$0x3], $0x4000, $0x38;
	[tilespmem:$0x9800] =	vst v63  }
0x40: {  	_ =	swait.ge [sflag:s19], $0x4000  }
0x41: {  	[sflag:s19] =	ssyncset.done $0x0  }
0x42: {  	[sflag:s19] =	ssyncadd.s32 $0xFFFFC000  }
0x43: {  	_ =	swait.ge [sflag:s20], $0x4000  }
0x44: {  	[sflag:s20] =	ssyncset.done $0x0  }
0x45: {  	s28 =	simm.s32 $0x1200;
	[sflag:s20] =	ssyncadd.s32 $0xFFFFC000  }
0x46: {  	[tilespmem:s16], [sflag:$0x1] =	stream.indirect.gather [hbm4b:s4+s11], $0x80, s28, s11, $0xb8;
	[tilespmem:$0x9800] =	vst v63  }
0x47: {  	s25 =	sadd.s32 $0x1800, s23  }
0x48: {  	[hbm4b:s25+s2] =	stream.linear.scatter [tilespmem:s18], [sflag:$0x4], $0x4000, $0x38;
	[tilespmem:$0x9800] =	vst v63  }
0x49: {  	_ =	swait.ge [sflag:s10], $0x4000  }
0x4a: {  	[sflag:s10] =	ssyncset.done $0x0  }
0x4b: {  	[sflag:s10] =	ssyncadd.s32 $0xFFFFC000  }
0x4c: {  	_ =	swait.ge [sflag:s22], $0x4000  }
0x4d: {  	[sflag:s22] =	ssyncset.done $0x0  }
0x4e: {  	s26 =	simm.s32 $0x1280;
	[sflag:s22] =	ssyncadd.s32 $0xFFFFC000  }
0x4f: {  	[tilespmem:s18], [sflag:$0x2] =	stream.indirect.gather [hbm4b:s4+s11], $0x80, s26, s11, $0xb8;
	[tilespmem:$0x9800] =	vst v63  }
0x50: {  	s28 =	sadd.s32 $0x2000, s23  }
0x51: {  	[hbm4b:s28+s2] =	stream.linear.scatter [tilespmem:s16], [sflag:$0x3], $0x4000, $0x38;
	[tilespmem:$0x9800] =	vst v63  }
0x52: {  	_ =	swait.ge [sflag:s19], $0x4000  }
0x53: {  	[sflag:s19] =	ssyncset.done $0x0  }
0x54: {  	[sflag:s19] =	ssyncadd.s32 $0xFFFFC000  }
0x55: {  	_ =	swait.ge [sflag:s20], $0x4000  }
0x56: {  	[sflag:s20] =	ssyncset.done $0x0  }
0x57: {  	s25 =	simm.s32 $0x1300;
	[sflag:s20] =	ssyncadd.s32 $0xFFFFC000  }
0x58: {  	[tilespmem:s16], [sflag:$0x1] =	stream.indirect.gather [hbm4b:s4+s11], $0x80, s25, s11, $0xb8;
	[tilespmem:$0x9800] =	vst v63  }
0x59: {  	s26 =	sadd.s32 $0x2800, s23  }
0x5a: {  	[hbm4b:s26+s2] =	stream.linear.scatter [tilespmem:s18], [sflag:$0x4], $0x4000, $0x38;
	[tilespmem:$0x9800] =	vst v63  }
0x5b: {  	_ =	swait.ge [sflag:s10], $0x4000  }
0x5c: {  	[sflag:s10] =	ssyncset.done $0x0  }
0x5d: {  	[sflag:s10] =	ssyncadd.s32 $0xFFFFC000  }
0x5e: {  	_ =	swait.ge [sflag:s22], $0x4000  }
0x5f: {  	[sflag:s22] =	ssyncset.done $0x0  }
0x60: {  	s28 =	simm.s32 $0x1380;
	[sflag:s22] =	ssyncadd.s32 $0xFFFFC000  }
0x61: {  	[tilespmem:s18], [sflag:$0x2] =	stream.indirect.gather [hbm4b:s4+s11], $0x80, s28, s11, $0xb8;
	[tilespmem:$0x9800] =	vst v63  }
0x62: {  	s25 =	sadd.s32 $0x3000, s23  }
0x63: {  	[hbm4b:s25+s2] =	stream.linear.scatter [tilespmem:s16], [sflag:$0x3], $0x4000, $0x38;
	[tilespmem:$0x9800] =	vst v63  }
0x64: {  	_ =	swait.ge [sflag:s19], $0x4000  }
0x65: {  	[sflag:s19] =	ssyncset.done $0x0  }
0x66: {  	[sflag:s19] =	ssyncadd.s32 $0xFFFFC000  }
0x67: {  	_ =	swait.ge [sflag:s20], $0x4000  }
0x68: {  	[sflag:s20] =	ssyncset.done $0x0  }
0x69: {  	[sflag:s20] =	ssyncadd.s32 $0xFFFFC000  }
0x6a: {  	[tilespmem:s16], [sflag:$0x1] =	stream.indirect.gather [hbm4b:s4+s11], $0x80, s29, s11, $0xb8;
	[tilespmem:$0x9800] =	vst v63  }
0x6b: {  	s26 =	sadd.s32 $0x3800, s23  }
0x6c: {  	[hbm4b:s26+s2] =	stream.linear.scatter [tilespmem:s18], [sflag:$0x4], $0x4000, $0x38;
	[tilespmem:$0x9800] =	vst v63  }
0x6d: {  	_ =	swait.ge [sflag:s10], $0x4000  }
0x6e: {  	[sflag:s10] =	ssyncset.done $0x0  }
0x6f: {  	[sflag:s10] =	ssyncadd.s32 $0xFFFFC000  }
0x70: {  	_ =	swait.ge [sflag:s22], $0x4000  }
0x71: {  	[sflag:s22] =	ssyncset.done $0x0  }
0x72: {  	[sflag:s22] =	ssyncadd.s32 $0xFFFFC000  }
0x73: {  	[tilespmem:s18], [sflag:$0x2] =	stream.indirect.gather [hbm4b:s4+s11], $0x80, s30, s11, $0xb8;
	[tilespmem:$0x9800] =	vst v63  }
0x74: {  	s28 =	sadd.s32 $0x4000, s23  }
0x75: {  	[hbm4b:s28+s2] =	stream.linear.scatter [tilespmem:s16], [sflag:$0x3], $0x4000, $0x38;
	[tilespmem:$0x9800] =	vst v63  }
0x76: {  	_ =	swait.ge [sflag:s19], $0x4000  }
0x77: {  	[sflag:s19] =	ssyncset.done $0x0  }
0x78: {  	[sflag:s19] =	ssyncadd.s32 $0xFFFFC000  }
0x79: {  	_ =	swait.ge [sflag:s20], $0x4000  }
0x7a: {  	[sflag:s20] =	ssyncset.done $0x0  }
0x7b: {  	[sflag:s20] =	ssyncadd.s32 $0xFFFFC000  }
0x7c: {  	[tilespmem:s16], [sflag:$0x1] =	stream.indirect.gather [hbm4b:s4+s11], $0x80, s31, s11, $0xb8;
	[tilespmem:$0x9800] =	vst v63  }
0x7d: {  	s25 =	sadd.s32 $0x4800, s23  }
0x7e: {  	[hbm4b:s25+s2] =	stream.linear.scatter [tilespmem:s18], [sflag:$0x4], $0x4000, $0x38;
	[tilespmem:$0x9800] =	vst v63  }
0x7f: {  	_ =	swait.ge [sflag:s10], $0x4000  }
0x80: {  	[sflag:s10] =	ssyncset.done $0x0  }
0x81: {  	[sflag:s10] =	ssyncadd.s32 $0xFFFFC000  }
0x82: {  	_ =	swait.ge [sflag:s22], $0x4000  }
0x83: {  	[sflag:s22] =	ssyncset.done $0x0  }
0x84: {  	[sflag:s22] =	ssyncadd.s32 $0xFFFFC000  }
0x85: {  	[tilespmem:s18], [sflag:$0x2] =	stream.indirect.gather [hbm4b:s4+s11], $0x80, s0, s11, $0xb8;
	[tilespmem:$0x9800] =	vst v63  }
0x86: {  	s26 =	sadd.s32 $0x5000, s23  }
0x87: {  	[hbm4b:s26+s2] =	stream.linear.scatter [tilespmem:s16], [sflag:$0x3], $0x4000, $0x38;
	[tilespmem:$0x9800] =	vst v63  }
0x88: {  	_ =	swait.ge [sflag:s19], $0x4000  }
0x89: {  	[sflag:s19] =	ssyncset.done $0x0  }
0x8a: {  	[sflag:s19] =	ssyncadd.s32 $0xFFFFC000  }
0x8b: {  	_ =	swait.ge [sflag:s20], $0x4000  }
0x8c: {  	[sflag:s20] =	ssyncset.done $0x0  }
0x8d: {  	[sflag:s20] =	ssyncadd.s32 $0xFFFFC000  }
0x8e: {  	[tilespmem:s16], [sflag:$0x1] =	stream.indirect.gather [hbm4b:s4+s11], $0x80, s3, s11, $0xb8;
	[tilespmem:$0x9800] =	vst v63  }
0x8f: {  	s28 =	sadd.s32 $0x5800, s23  }
0x90: {  	[hbm4b:s28+s2] =	stream.linear.scatter [tilespmem:s18], [sflag:$0x4], $0x4000, $0x38;
	[tilespmem:$0x9800] =	vst v63  }
0x91: {  	_ =	swait.ge [sflag:s10], $0x4000  }
0x92: {  	[sflag:s10] =	ssyncset.done $0x0  }
0x93: {  	[sflag:s10] =	ssyncadd.s32 $0xFFFFC000  }
0x94: {  	_ =	swait.ge [sflag:s22], $0x4000  }
0x95: {  	[sflag:s22] =	ssyncset.done $0x0  }
0x96: {  	[sflag:s22] =	ssyncadd.s32 $0xFFFFC000  }
0x97: {  	[tilespmem:s18], [sflag:$0x2] =	stream.indirect.gather [hbm4b:s4+s11], $0x80, s9, s11, $0xb8;
	[tilespmem:$0x9800] =	vst v63  }
0x98: {  	s25 =	sadd.s32 $0x6000, s23  }
0x99: {  	[hbm4b:s25+s2] =	stream.linear.scatter [tilespmem:s16], [sflag:$0x3], $0x4000, $0x38;
	[tilespmem:$0x9800] =	vst v63  }
0x9a: {  	_ =	swait.ge [sflag:s19], $0x4000  }
0x9b: {  	[sflag:s19] =	ssyncset.done $0x0  }
0x9c: {  	[sflag:s19] =	ssyncadd.s32 $0xFFFFC000  }
0x9d: {  	_ =	swait.ge [sflag:s20], $0x4000  }
0x9e: {  	[sflag:s20] =	ssyncset.done $0x0  }
0x9f: {  	[sflag:s20] =	ssyncadd.s32 $0xFFFFC000  }
0xa0: {  	[tilespmem:s16], [sflag:$0x1] =	stream.indirect.gather [hbm4b:s4+s11], $0x80, s1, s11, $0xb8;
	[tilespmem:$0x9800] =	vst v63  }
0xa1: {  	s26 =	sadd.s32 $0x6800, s23  }
0xa2: {  	[hbm4b:s26+s2] =	stream.linear.scatter [tilespmem:s18], [sflag:$0x4], $0x4000, $0x38;
	[tilespmem:$0x9800] =	vst v63  }
0xa3: {  	_ =	swait.ge [sflag:s10], $0x4000  }
0xa4: {  	[sflag:s10] =	ssyncset.done $0x0  }
0xa5: {  	[sflag:s10] =	ssyncadd.s32 $0xFFFFC000  }
0xa6: {  	_ =	swait.ge [sflag:s22], $0x4000  }
0xa7: {  	[sflag:s22] =	ssyncset.done $0x0  }
0xa8: {  	[sflag:s22] =	ssyncadd.s32 $0xFFFFC000  }
0xa9: {  	[tilespmem:s18], [sflag:$0x2] =	stream.indirect.gather [hbm4b:s4+s11], $0x80, s17, s11, $0xb8;
	[tilespmem:$0x9800] =	vst v63  }
0xaa: {  	s28 =	sadd.s32 $0x7000, s23  }
0xab: {  	[hbm4b:s28+s2] =	stream.linear.scatter [tilespmem:s16], [sflag:$0x3], $0x4000, $0x38;
	[tilespmem:$0x9800] =	vst v63  }
0xac: {  	_ =	swait.ge [sflag:s19], $0x4000  }
0xad: {  	[sflag:s19] =	ssyncset.done $0x0  }
0xae: {  	[sflag:s19] =	ssyncadd.s32 $0xFFFFC000  }
0xaf: {  	s21 =	sadd.s32 $0x1, s21;
	_ =	swait.ge [sflag:s20], $0x4000  }
0xb0: {  	p0 =	sne.s32 s21, $0x8;
	[sflag:s20] =	ssyncset.done $0x0  }
.Ltmp1:
0xb1: {  	s23 =	sadd.s32 $0x7800, s23;
	[sflag:s20] =	ssyncadd.s32 $0xFFFFC000;
	(pc) =	sbr.rel @p0 .LBB2_2-.Ltmp1, $4  }
0xb2: {  	[hbm4b:s23+s2] =	stream.linear.scatter [tilespmem:s18], [sflag:$0x4], $0x4000, $0x38;
	[tilespmem:$0x9800] =	vst v63  }
0xb3: {  	_ =	swait.ge [sflag:s22], $0x4000  }
0xb4: {  	[sflag:s22] =	ssyncset.done $0x0  }
0xb5: {  	[sflag:s22] =	ssyncadd.s32 $0xFFFFC000  }
0xb6: {  	s23 =	rddreg [dreg:$0x4]  }
0xb7: {  	s21 =	rddreg [dreg:$0x3];
	s23 =	sadd.s32 $0x1, s23  }
0xb8: {  	p0 =	sne.s32 s23, s21  }
.Ltmp2:
0xb9: {  	_ = 	snop;
	(pc) =	sbr.rel @p0 .LBB2_1-.Ltmp2, $1  }
0xba: {  	_ =	sdelay $0x3  }
0xbb: {  	_ =	sfence.sel $0x180000  }
0xbc: {  	[bflag:$0x0] =	sbarrier.arrive $0xFFFF  }
0xbd: {  	_ =	strace $0x90000047  }
0xbe: {  	s0 =	stileid.u32;
	[bflag:$0x2] =	sbarrier.arrive $0xFFFF  }
0xbf: {  	p0 =	sne.s32 s0, $0x0;
	s0 =	rddreg [dreg:$0x2]  }
0xc0: {  	s0 =	sadd.s32 @!p0 $0x100000, s0  }
0xc1: {  	[sflag:s0] =	ssyncadd.tile.s32 @!p0 $0x1;
	_ =	shalt  }
.Lfunc_end2:
_tile_overlayer_lowered:
.L_overlay_start_2:
0xc2: {  	(tag) =	ssettag $0x2  }
0xc3: {  	s0 =	rddreg [dreg:$0x0];
	s2 =	stileid.u32  }
0xc4: {  	s1 =	rddreg [dreg:$0x1];
	p0 =	sne.s32 s2, $0x0  }
0xc5: {  	s3 =	rddreg [dreg:$0x2];
	[bflag:$0x3] =	sbarrier.arrive $0xFFFF;
	s2 =	simm.s32 @!p0 $0x1C05  }
0xc6: {  	[timem:s3], [sflag:s2] =	dma.local @!p0 [hbm:s0], s1  }
0xc7: {  	s0 =	simm.s32 @!p0 $0x5  }
0xc8: {  	_ =	swait.ge @!p0 [sflag:s0], s1  }
0xc9: {  	s1 =	ssub.s32 @!p0 $0x0, s1;
	[sflag:s0] =	ssyncset.done @!p0 $0x0  }
0xca: {  	[sflag:s0] =	ssyncadd.s32 @!p0 s1  }
0xcb: {  	[bflag:$0x3] =	sbarrier.arrive $0xFFFF  }
0xcc: {  	_ =	shalt  }

// kernel: sparse-core-data-format-call.1.cloned.1.call-start
scs
called_computation.1_lowered:
.L_overlay_start_0:
0x0: {  	s1 =	sld [smem:$0x3FD9]  }
0x1: {  	s2 =	sld [smem:$0x3FFE];
	_ =	sdelay $0x1  }
0x2: {  	s3 =	srdreg.scid  }
0x3: {  	s0 =	sand.u32 $0x1, s3  }
0x4: {  	s17 =	sshll.u32 s0, $0xA;
	s1 =	sadd.s32 s2, s1  }
0x5: {  	s1 =	sadd.s32 s1, s17  }
0x6: {  	[smem:$0x3FC3] =	sst s1  }
0x7: {  	_ = 	snop  }
0x8: {  	(tm) =	ssettm $0x1  }
0x9: {  	s18 =	sld [smem:$0x3FFB];
	_ =	sdelay $0x3  }
0xa: {  	_ =	strace s18  }
0xb: {  	s1 =	sld [smem:$0x3FFC];
	_ =	sdelay $0x3  }
0xc: {  	_ =	strace s1  }
0xd: {  	s1 =	sld [smem:$0x3FFD];
	_ =	sdelay $0x3  }
0xe: {  	_ =	strace s1  }
0xf: {  	_ =	strace $0x8FFFFFFF  }
0x10: {  	s19 =	sld [smem:$0x3FDB];
	_ =	sdelay $0x1  }
0x11: {  	s20 =	simm.s32 $_scs_section_size  }
0x12: {  	s4 =	simm.s32 $_size__tile_overlayer_lowered;
	s5 =	simm.s32 $_tile_overlayer_lowered  }
0x13: {  	s23 =	simm.s32 $0x1BFF;
	s22 =	sshll.u32 s5, $0x1;
	s1 =	sadd.s32 s20, s19  }
0x14: {  	s6 =	simm.s32 $0x0;
	s21 =	sshll.u32 s4, $0x1;
	s4 =	sadd.s32 s22, s1  }
0x15: {  	[timem:s6], [sflag:s23] =	dma.local [hbm:s4], s21  }
0x16: {  	_ =	swait.ge [sflag:s23], s21  }
0x17: {  	s2 =	ssub.s32 $0x0, s21;
	[sflag:s23] =	ssyncset.done $0x0  }
0x18: {  	[sflag:s23] =	ssyncadd.s32 s2;
	_ =	sdelay $0x1  }
0x19: {  	s24 =	simm.s32 $0x1B8B  }
0x1a: {  	_ =	swait.ge [sflag:s24], $0x1  }
0x1b: {  	[sflag:s24] =	ssyncset.done $0x0  }
0x1c: {  	s26 =	simm.s32 $0x1B8E;
	s25 =	sld [smem:$0x3FFE];
	[sflag:s24] =	ssyncadd.s32 $0xFFFFFFFF  }
0x1d: {  	s27 =	simm.s32 $execute0_lowered;
	[smem:$0x3FD2] =	sst s26  }
0x1e: {  	s4 =	sshll.u32 s27, $0x1;
	_ =	strace $0x8000004C;
	[dreg:$0x1] =	wrdreg $0xFFFFFFFF  }
0x1f: {  	s28 =	simm.s32 $_size_execute0_lowered;
	s1 =	sadd.s32 s1, s4;
	[dreg:$0x0] =	wrdreg $0x0  }
0x20: {  	s4 =	sshll.u32 s28, $0x1;
	[dreg:$0x2] =	wrdreg s1  }
0x21: {  	[dreg:$0x3] =	wrdreg s4  }
0x22: {  	[dreg:$0x4] =	wrdreg $0xC0  }
0x23: {  	_ =	task [dreg:s6], $0x5FFFF  }
0x24: {  	[dreg:$0x1] =	wrdreg $0xFFFFFFFF  }
0x25: {  	[dreg:$0x0] =	wrdreg $0x60  }
0x26: {  	[dreg:$0x2] =	wrdreg s25  }
0x27: {  	[dreg:$0x3] =	wrdreg $0x9  }
0x28: {  	_ =	task.clear_ibuf [dreg:s6], $0x4FFFF;
	_ =	strace $0x9000004C  }
0x29: {  	s29 =	simm.s32 $0x9;
	_ =	strace $0x8000004E  }
0x2a: {  	_ =	swait.ge [sflag:s29], $0x1  }
0x2b: {  	[sflag:s29] =	ssyncadd.s32 $0xFFFFFFFF  }
0x2c: {  	_ =	strace $0x9000004E  }
0x2d: {  	_ =	sfence  }
0x2e: {  	s30 =	sld [smem:$0x0];
	_ =	sdelay $0x2  }
0x2f: {  	s31 =	sshll.u32 s3, $0xD;
	s3 =	sshrl.u32 s3, $0x2  }
0x30: {  	s2 =	sand.u32 $0x4000, s31;
	s1 =	sadd.s32 s3, s30  }
0x31: {  	s0 =	sor.u32 s2, s0;
	s1 =	sshll.u32 s1, $0x11  }
0x32: {  	s0 =	sor.u32 s1, s0  }
0x33: {  	s0 =	sadd.s32 $0x8F2B, s0  }
0x34: {  	[sflag:s0] =	ssyncadd.remote.s32 $0x1  }
0x35: {  	_ =	sfence.sel $0xFFFF  }
0x36: {  	[dreg:$0x0] =	wrdreg $0xFFFFFFFF;
	(pc) =	sbr.abs _section_cstart, $3  }
0x37: {  	[dreg:$0x1] =	wrdreg $0xFFFFFFFF  }
0x38: {  	_ =	task.clear_ibuf [dreg:s6], $0x2FFFF;
	_ =	strace $0x9FFFFFFF  }
0x39: {  	(tm) =	ssettm $0x7FFFFFFF  }
tec
execute0_lowered:
.L_overlay_start_1:
0x0: {  	(tag) =	ssettag $0x1  }
0x1: {  	s1 =	srdreg.scid;
	s0 =	stileid.u32  }
0x2: {  	s8 =	rddreg [dreg:$0x0];
	s7 =	simm.s32 $0x0;
	s1 =	sshll.u32 s1, $0x4  }
0x3: {  	s5 =	simm.s32 $0x1;
	s9 =	simm.s32 $0x2;
	s1 =	sor.u32 s0, s1  }
0x4: {  	s15 =	simm.s32 $0x0;
	s10 =	simm.s32 $0x2000;
	s1 =	sshrl.u32 s1, $0x1  }
0x5: {  	s16 =	simm.s32 $0x0;
	s17 =	simm.s32 $0x0;
	s2 =	sand.u32 $0xE, s1  }
0x6: {  	s11 =	simm.s32 $0x0;
	s14 =	simm.s32 $0x0;
	s6 =	ssub.s32 $0x10, s2  }
0x7: {  	s3 =	sadd.s32 $0x802200, s8;
	s1 =	rddreg [dreg:$0x1];
	s4 =	sand.u32 $0xE, s6  }
.Ltmp0:
0x8: {  	_ =	strace $0x8000004D;
	p0 =	seq.s32 s4, $0x0;
	(pc) =	sbr.rel .LBB1_1-.Ltmp0, $4  }
0x9: {  	[sflag:s5] =	ssyncpa.u1 $0x0;
	s12 =	smov.u32 s2;
	s7 =	simm.s32 @!p0 $0x10  }
0xa: {  	[sflag:s9] =	ssyncpa.u1 $0x0;
	s4 =	sadd.s32 $0x2200, s8;
	s7 =	sadd.s32 s6, s7  }
0xb: {  	s8 =	sadd.s32 $0x80A200, s8;
	s6 =	sand.u32 $0x3, s0;
	s7 =	sand.u32 $0x30, s7  }
0xc: {  	p0 =	por $0x0, $0x0;
	s13 =	smov.u32 s6;
	s9 =	sor.u32 $0x1, s7  }
.LBB1_7:
0xd: {  	s18 =	sadd.s32 $0x80, s11  }
0xe: {  	s15 =	sadd.s32 $0x10, s12;
	s19 =	smov.u32 s12;
	p2 =	sgt.s32 s18, $0x7FF  }
0xf: {  	s19 =	smov.u32 @p2 s15  }
0x10: {  	s21 =	smov.u32 s13;
	s15 =	sadd.s32 $0x4, s13;
	p3 =	sgt.s32 s19, $0xF  }
0x11: {  	s21 =	smov.u32 @p3 s15  }
0x12: {  	s18 =	simm.s32 @p2 $0x0;
	p2 =	sgt.s32 s21, $0x3  }
0x13: {  	p1 =	slt.u32 s14, $0x2;
	s21 =	smov.u32 @p2 s6;
	p2 =	sne.s32 s14, s9  }
.Ltmp1:
0x14: {  	s20 =	simm.s32 @!p1 $0x2;
	(pc) =	sbr.rel @!p2 .LBB1_8-.Ltmp1, $4  }
0x15: {  	s16 =	smov.u32 s12;
	s17 =	smov.u32 s13;
	_ =	swait.ge @!p1 [sflag:s20], $0x4000  }
0x16: {  	p0 =	por !p0, !p0;
	[sflag:s20] =	ssyncset.done @!p1 $0x0;
	s19 =	smov.u32 @p3 s2  }
0x17: {  	s15 =	smov.u32 s11;
	[sflag:s20] =	ssyncadd.s32 @!p1 $0xFFFFC000;
	s11 =	smov.u32 s18  }
0x18: {  	s12 =	smov.u32 s19;
	s14 =	sadd.s32 $0x1, s14;
	s13 =	smov.u32 s21  }
.LBB1_1:
0x19: {  	p1 =	sge.u32 s14, s7  }
0x1a: {  	s18 =	sxor.u32 @!p1 $0xFFFFFFFF, s14;
	s19 =	sshll.u32 @!p1 s13, $0x13  }
0x1b: {  	s20 =	sshll.u32 @!p1 s12, $0xF;
	s22 =	sshll.u32 @!p1 s11, $0x4;
	s23 =	simm.s32 @!p1 $0x40  }
0x1c: {  	s24 =	simm.s32 @!p1 $0x80;
	s18 =	sshll.u32 @!p1 s18, $0xE;
	s21 =	sadd.s32 @!p1 s19, s20  }
0x1d: {  	s22 =	sand.u32 @!p1 $0x7FF0, s22;
	s19 =	sadd.s32 @!p1 s19, s8;
	s21 =	sadd.s32 @!p1 s3, s21  }
0x1e: {  	s18 =	sand.u32 @!p1 $0x4000, s18;
	s19 =	sadd.s32 @!p1 s20, s19;
	s21 =	sadd.s32 @!p1 s22, s21  }
0x1f: {  	[tilespmem:s18], [sflag:$0x1] =	stream.strided.gather @!p1 [hbm4b:s21+s23], $0x2000, s24, s23, $0x38;
	[tilespmem:$0x10100] =	vst v63  }
0x20: {  	s31 =	sadd.s32 $0xFFFFFFFF, s14;
	s19 =	sadd.s32 @!p1 s22, s19;
	s18 =	sor.u32 @!p1 $0x2000, s18  }
0x21: {  	[tilespmem:s18], [sflag:$0x1] =	stream.strided.gather @!p1 [hbm4b:s19+s23], $0x2000, s24, s23, $0x38;
	[tilespmem:$0x10100] =	vst v63  }
0x22: {  	p1 =	sge.u32 s31, s7  }
.Ltmp2:
0x23: {  	_ = 	snop;
	(pc) =	sbr.rel @p1 .LBB1_7-.Ltmp2, $1  }
0x24: {  	_ =	sdelay $0x3  }
0x25: {  	s18 =	simm.s32 $0x1;
	s20 =	sand.u32 $0x1, s14  }
0x26: {  	_ =	swait.ge [sflag:s5], $0x4000;
	s18 =	simm.s32 @!p0 $0x0;
	s20 =	smul.u32 $0x10200, s20  }
0x27: {  	p2 =	por $0x1, $0x1;
	[sflag:s5] =	ssyncset.done $0x0;
	s19 =	smul.u32 $0x10200, s18  }
0x28: {  	s21 =	sshll.u32 s18, $0x10;
	[sflag:s5] =	ssyncadd.s32 $0xFFFFC000;
	s30 =	sshrl.u32 s20, $0x2  }
0x29: {  	s31 =	sshrl.u32 s21, $0x2;
	s21 =	simm.s32 $0x0;
	s19 =	sshrl.u32 s19, $0x2  }
0x2a: {  	s18 =	sor.u32 $0x8000, s30;
	s20 =	sadd.s32 $0x20, s31;
	s19 =	sor.u32 $0x8000, s19  }
.LBB1_3:
0x2b: {  	s22 =	sshll.u32 s21, $0xD  }
0x2c: {  	s22 =	sand.u32 $0x3FFFE000, s22  }
0x2d: {  	s24 =	sadd.s32 s22, s20  }
0x2e: {  	s31 =	smul.u32 $0x8100, s21;
	v3 =	vld [tilespmem:s24+$0x10]  }
0x2f: {  	v1 =	vld [tilespmem:s24+$0xFFFFFFF0]  }
0x30: {  	s21 =	sshra.s32 s31, $0x2;
	v0 =	vld [tilespmem:s24+$0x0]  }
0x31: {  	s21 =	sadd.s32 s21, s19;
	v2 =	vld [tilespmem:s24+$0xFFFFFFE0]  }
0x32: {  	s22 =	sadd.s32 $0x0, s21  }
0x33: {  	p1 =	por p2, p2;
	s23 =	simm.s32 $0x4;
	s24 =	sadd.s32 $0x40, s24;
	[tilespmem:s22+$0x1830 ss:$0x81] =	vst.msk $0xffff, v3  }
.LBB1_4:
0x34: {  	v3 =	vld [tilespmem:s24+$0x10];
	p2 =	sne.s32 s23, $0x1FC;
	[tilespmem:s22+$0x810 ss:$0x81] =	vst.msk $0xffff, v1;
	s25 =	smov.u32 s23;
	s23 =	sadd.s32 $0x4, s23  }
.Ltmp3:
0x35: {  	v1 =	vld [tilespmem:s24+$0xFFFFFFF0];
	[tilespmem:s22+$0x1020 ss:$0x81] =	vst.msk $0xffff, v0;
	(pc) =	sbr.rel @p2 .LBB1_4-.Ltmp3, $4  }
0x36: {  	v0 =	vld [tilespmem:s24+$0x0];
	[tilespmem:s22+$0x0 ss:$0x81] =	vst.msk $0xffff, v2  }
0x37: {  	s22 =	sshra.s32 s25, $0x2;
	v2 =	vld [tilespmem:s24+$0xFFFFFFE0]  }
0x38: {  	s22 =	sadd.s32 s22, s21  }
0x39: {  	s24 =	sadd.s32 $0x40, s24;
	[tilespmem:s22+$0x1830 ss:$0x81] =	vst.msk $0xffff, v3  }
.Ltmp4:
0x3a: {  	(pc) =	sbr.rel @p1 .LBB1_3-.Ltmp4, $4  }
0x3b: {  	_ = 	snop  }
0x3c: {  	[tilespmem:s22+$0x810 ss:$0x81] =	vst.msk $0xffff, v1  }
0x3d: {  	[tilespmem:s22+$0x1020 ss:$0x81] =	vst.msk $0xffff, v0  }
0x3e: {  	s21 =	simm.s32 $0x1;
	p2 =	por $0x0, $0x0;
	[tilespmem:s22+$0x0 ss:$0x81] =	vst.msk $0xffff, v2  }
0x3f: {  	s17 =	sshll.u32 s17, $0x7  }
0x40: {  	s19 =	sand.u32 $0x78, s15;
	s20 =	sshll.u32 s15, $0x2;
	s16 =	sshll.u32 s16, $0x10  }
0x41: {  	s30 =	sshrl.u32 s15, $0x1;
	s31 =	sand.u32 $0x7, s15;
	s17 =	sand.u32 $0x180, s17  }
.Ltmp5:
0x42: {  	s20 =	sand.u32 $0x600, s20;
	s17 =	sor.u32 s17, s19;
	(pc) =	sbr.rel .LBB1_7-.Ltmp5, $4  }
0x43: {  	s16 =	sadd.s32 s4, s16;
	s19 =	sand.u32 $0x300, s30;
	s17 =	sor.u32 s20, s17  }
0x44: {  	s15 =	sshll.u32 s31, $0x12;
	s16 =	sadd.s32 s19, s16;
	s17 =	sshrl.u32 s17, $0x3  }
0x45: {  	s15 =	sor.u32 $0x80, s15;
	s16 =	sadd.s32 s17, s16  }
0x46: {  	[hbm4b:s16+s15] =	stream.strided.scatter [tilespmem:s18], [sflag:$0x2], $0x4000, s10, s15, $0x20;
	[tilespmem:$0x10100] =	vst v63  }
.LBB1_8:
0x47: {  	_ =	sfence.sel $0x180000  }
0x48: {  	s2 =	simm.s32 $0x1;
	[bflag:$0x0] =	sbarrier.arrive $0xFFFF  }
0x49: {  	s31 =	simm.s32 $0x2;
	[sflag:s2] =	ssyncpa.u1 $0x1  }
0x4a: {  	[sflag:s31] =	ssyncpa.u1 $0x1  }
0x4b: {  	p0 =	sne.s32 s0, $0x0;
	_ =	strace $0x9000004D  }
0x4c: {  	s0 =	sadd.s32 @!p0 $0x100000, s1;
	[bflag:$0x2] =	sbarrier.arrive $0xFFFF  }
0x4d: {  	[sflag:s0] =	ssyncadd.tile.s32 @!p0 $0x1;
	_ =	shalt  }
.Lfunc_end1:
_tile_overlayer_lowered:
.L_overlay_start_2:
0x4e: {  	(tag) =	ssettag $0x2  }
0x4f: {  	s0 =	rddreg [dreg:$0x0];
	s2 =	stileid.u32  }
0x50: {  	s1 =	rddreg [dreg:$0x1];
	p0 =	sne.s32 s2, $0x0  }
0x51: {  	s3 =	rddreg [dreg:$0x2];
	[bflag:$0x3] =	sbarrier.arrive $0xFFFF;
	s2 =	simm.s32 @!p0 $0x1C01  }
0x52: {  	[timem:s3], [sflag:s2] =	dma.local @!p0 [hbm:s0], s1  }
0x53: {  	s0 =	simm.s32 @!p0 $0x1  }
0x54: {  	_ =	swait.ge @!p0 [sflag:s0], s1  }
0x55: {  	s1 =	ssub.s32 @!p0 $0x0, s1;
	[sflag:s0] =	ssyncset.done @!p0 $0x0  }
0x56: {  	[sflag:s0] =	ssyncadd.s32 @!p0 s1  }
0x57: {  	[bflag:$0x3] =	sbarrier.arrive $0xFFFF  }
0x58: {  	_ =	shalt  }

// kernel: sparse-core-data-format-call.cloned.1.call-start
scs
called_computation_lowered:
.L_overlay_start_0:
0x0: {  	s2 =	sld [smem:$0x3FD9]  }
0x1: {  	s3 =	sld [smem:$0x3FFE];
	_ =	sdelay $0x1  }
0x2: {  	s1 =	srdreg.scid  }
0x3: {  	s0 =	sand.u32 $0x1, s1  }
0x4: {  	s18 =	sshll.u32 s0, $0xA;
	s2 =	sadd.s32 s3, s2  }
0x5: {  	s2 =	sadd.s32 s2, s18  }
0x6: {  	[smem:$0x3FC3] =	sst s2  }
0x7: {  	_ = 	snop  }
0x8: {  	s2 =	sld [smem:$0x3FD0];
	(tm) =	ssettm $0x1  }
0x9: {  	s19 =	sld [smem:$0x3FFB];
	_ =	sdelay $0x3  }
0xa: {  	_ =	strace s19  }
0xb: {  	s3 =	sld [smem:$0x3FFC];
	_ =	sdelay $0x3  }
0xc: {  	_ =	strace s3  }
0xd: {  	s3 =	sld [smem:$0x3FFD];
	_ =	sdelay $0x3  }
0xe: {  	_ =	strace s3  }
0xf: {  	_ =	strace $0x8FFFFFFF  }
0x10: {  	s20 =	sld [smem:$0x3FDB];
	_ =	sdelay $0x1  }
0x11: {  	s4 =	simm.s32 $_scs_section_size  }
0x12: {  	s5 =	simm.s32 $_size__tile_overlayer_lowered;
	s6 =	simm.s32 $_tile_overlayer_lowered  }
0x13: {  	s23 =	simm.s32 $0x1BFF;
	s22 =	sshll.u32 s6, $0x1;
	s3 =	sadd.s32 s4, s20  }
0x14: {  	s7 =	simm.s32 $0x0;
	s21 =	sshll.u32 s5, $0x1;
	s5 =	sadd.s32 s22, s3  }
0x15: {  	[timem:s7], [sflag:s23] =	dma.local [hbm:s5], s21  }
0x16: {  	_ =	swait.ge [sflag:s23], s21  }
0x17: {  	s4 =	ssub.s32 $0x0, s21;
	[sflag:s23] =	ssyncset.done $0x0  }
0x18: {  	[sflag:s23] =	ssyncadd.s32 s4;
	_ =	sdelay $0x1  }
0x19: {  	s24 =	simm.s32 $0x1B8B  }
0x1a: {  	_ =	swait.ge [sflag:s24], $0x1  }
0x1b: {  	[sflag:s24] =	ssyncset.done $0x0  }
0x1c: {  	s26 =	simm.s32 $0x1B8E;
	s25 =	sld [smem:$0x3FFE];
	[sflag:s24] =	ssyncadd.s32 $0xFFFFFFFF  }
0x1d: {  	s27 =	simm.s32 $execute0_lowered;
	[smem:$0x3FD2] =	sst s26  }
0x1e: {  	s5 =	sshll.u32 s27, $0x1;
	_ =	strace $0x8000004F;
	[dreg:$0x1] =	wrdreg $0xFFFFFFFF  }
0x1f: {  	s28 =	simm.s32 $_size_execute0_lowered;
	s3 =	sadd.s32 s3, s5;
	[dreg:$0x0] =	wrdreg $0x0  }
0x20: {  	s5 =	sshll.u32 s28, $0x1;
	[dreg:$0x2] =	wrdreg s3  }
0x21: {  	[dreg:$0x3] =	wrdreg s5  }
0x22: {  	[dreg:$0x4] =	wrdreg $0xC0  }
0x23: {  	_ =	task [dreg:s7], $0x5FFFF  }
0x24: {  	[dreg:$0x1] =	wrdreg $0xFFFFFFFF  }
0x25: {  	[dreg:$0x0] =	wrdreg $0x60  }
0x26: {  	[dreg:$0x2] =	wrdreg s25  }
0x27: {  	[dreg:$0x3] =	wrdreg s2  }
0x28: {  	[dreg:$0x4] =	wrdreg $0x9  }
0x29: {  	_ =	task.clear_ibuf [dreg:s7], $0x5FFFF;
	_ =	strace $0x9000004F  }
0x2a: {  	s29 =	simm.s32 $0x9;
	_ =	strace $0x80000051  }
0x2b: {  	_ =	swait.ge [sflag:s29], $0x1  }
0x2c: {  	[sflag:s29] =	ssyncadd.s32 $0xFFFFFFFF  }
0x2d: {  	_ =	strace $0x90000051  }
0x2e: {  	_ =	sfence  }
0x2f: {  	s30 =	sld [smem:$0x0];
	_ =	sdelay $0x2  }
0x30: {  	s31 =	sshll.u32 s1, $0xD;
	s1 =	sshrl.u32 s1, $0x2  }
0x31: {  	s3 =	sand.u32 $0x4000, s31;
	s1 =	sadd.s32 s1, s30  }
0x32: {  	s0 =	sor.u32 s3, s0;
	s1 =	sshll.u32 s1, $0x11  }
0x33: {  	s0 =	sor.u32 s1, s0  }
0x34: {  	s0 =	sadd.s32 $0x8F2B, s0  }
0x35: {  	[sflag:s0] =	ssyncadd.remote.s32 $0x1  }
0x36: {  	_ =	sfence.sel $0xFFFF  }
0x37: {  	[dreg:$0x0] =	wrdreg $0xFFFFFFFF;
	(pc) =	sbr.abs _section_cstart, $3  }
0x38: {  	[dreg:$0x1] =	wrdreg $0xFFFFFFFF  }
0x39: {  	_ =	task.clear_ibuf [dreg:s7], $0x2FFFF;
	_ =	strace $0x9FFFFFFF  }
0x3a: {  	(tm) =	ssettm $0x7FFFFFFF  }
0x3b: {  	_ =	shalt  }
tec
execute0_lowered:
.L_overlay_start_1:
0x0: {  	(tag) =	ssettag $0x1  }
0x1: {  	s1 =	rddreg [dreg:$0x0]  }
0x2: {  	s2 =	rddreg [dreg:$0x1]  }
0x3: {  	s0 =	rddreg [dreg:$0x2];
	_ =	strace $0x80000050;
	s4 =	srdreg.scid  }
0x4: {  	s6 =	simm.s32 $0x2;
	s12 =	simm.s32 $0x0;
	p0 =	por $0x0, $0x0  }
0x5: {  	s13 =	simm.s32 $0x0;
	s15 =	simm.s32 $0x0;
	s14 =	simm.s32 $0x0  }
.Ltmp0:
0x6: {  	s8 =	simm.s32 $0x0;
	s9 =	simm.s32 $0x0;
	(pc) =	sbr.rel .LBB1_1-.Ltmp0, $4  }
0x7: {  	s10 =	simm.s32 $0x0;
	s3 =	sadd.s32 $0x2200, s1;
	s5 =	sshll.u32 s4, $0x4  }
0x8: {  	s1 =	stileid.u32;
	s4 =	simm.s32 $0x1;
	s5 =	sand.u32 $0x10, s5  }
0x9: {  	s7 =	simm.s32 $0x0;
	[sflag:s4] =	ssyncpa.u1 $0x0;
	s5 =	sor.u32 s1, s5  }
0xa: {  	[sflag:s6] =	ssyncpa.u1 $0x0;
	s6 =	simm.s32 $0x4000;
	s11 =	smov.u32 s5  }
.LBB1_7:
0xb: {  	s16 =	sadd.s32 $0x200, s8  }
0xc: {  	s12 =	sadd.s32 $0x4, s9;
	s17 =	smov.u32 s9;
	p2 =	sgt.s32 s16, $0x7FF  }
0xd: {  	s17 =	smov.u32 @p2 s12  }
0xe: {  	s18 =	smov.u32 s10;
	s12 =	sadd.s32 $0x8, s10;
	p3 =	sgt.s32 s17, $0x3  }
0xf: {  	s18 =	smov.u32 @p3 s12  }
0x10: {  	s19 =	smov.u32 s11;
	s12 =	sadd.s32 $0x20, s11;
	p4 =	sgt.s32 s18, $0x7  }
0x11: {  	p1 =	slt.u32 s7, $0x2;
	s19 =	smov.u32 @p4 s12  }
0x12: {  	s7 =	sadd.s32 $0x1, s7;
	s16 =	simm.s32 @p2 $0x0;
	p2 =	sgt.s32 s19, $0x7F  }
0x13: {  	s20 =	simm.s32 @!p1 $0x2;
	s19 =	smov.u32 @p2 s5;
	p2 =	sne.s32 s7, $0x12  }
.Ltmp1:
0x14: {  	s13 =	smov.u32 s9;
	_ =	swait.ge @!p1 [sflag:s20], $0x4000;
	(pc) =	sbr.rel @!p2 .LBB1_8-.Ltmp1, $4  }
0x15: {  	s15 =	smov.u32 s10;
	s14 =	smov.u32 s11;
	[sflag:s20] =	ssyncset.done @!p1 $0x0  }
0x16: {  	p0 =	por !p0, !p0;
	s17 =	simm.s32 @p3 $0x0;
	[sflag:s20] =	ssyncadd.s32 @!p1 $0xFFFFC000  }
0x17: {  	s9 =	smov.u32 s17;
	s18 =	simm.s32 @p4 $0x0;
	s12 =	smov.u32 s8  }
0x18: {  	s8 =	smov.u32 s16;
	s10 =	smov.u32 s18;
	s11 =	smov.u32 s19  }
.LBB1_1:
0x19: {  	p1 =	sgt.u32 s7, $0xF  }
0x1a: {  	s16 =	sxor.u32 @!p1 $0xFFFFFFFF, s7;
	s17 =	sshll.u32 @!p1 s9, $0x7  }
0x1b: {  	s18 =	sand.u32 @!p1 $0x78, s8;
	s19 =	sshll.u32 @!p1 s8, $0x2;
	s20 =	sshrl.u32 @!p1 s8, $0x1  }
0x1c: {  	s17 =	sand.u32 @!p1 $0x180, s17;
	s16 =	sshll.u32 @!p1 s16, $0xE;
	s19 =	sand.u32 @!p1 $0x600, s19  }
0x1d: {  	s20 =	sand.u32 @!p1 $0x300, s20;
	s17 =	sor.u32 @!p1 s17, s18;
	s18 =	sshll.u32 @!p1 s11, $0xD  }
0x1e: {  	s17 =	sor.u32 @!p1 s19, s17;
	s19 =	sshll.u32 @!p1 s10, $0xA;
	s18 =	sadd.s32 @!p1 s3, s18  }
0x1f: {  	s16 =	sand.u32 @!p1 $0x4000, s16;
	s18 =	sadd.s32 @!p1 s19, s18;
	s19 =	sand.u32 @!p1 $0x7, s8  }
0x20: {  	s17 =	sshrl.u32 @!p1 s17, $0x3;
	s18 =	sadd.s32 @!p1 s20, s18;
	s19 =	sshll.u32 @!p1 s19, $0x12  }
0x21: {  	s17 =	sadd.s32 @!p1 s17, s18;
	s18 =	sor.u32 @!p1 $0x800, s19;
	s19 =	simm.s32 @!p1 $0x2000  }
0x22: {  	[tilespmem:s16], [sflag:$0x1] =	stream.strided.gather @!p1 [hbm4b:s17+s18], $0x4000, s19, s18, $0x38;
	[tilespmem:$0x10000] =	vst v63  }
0x23: {  	p1 =	seq.s32 s7, $0x0  }
0x24: {  	p2 =	seq.s32 @!p1 s7, $0x11  }
0x25: {  	p1 =	por p1, p2  }
.Ltmp2:
0x26: {  	_ = 	snop;
	(pc) =	sbr.rel @p1 .LBB1_7-.Ltmp2, $1  }
0x27: {  	_ =	sdelay $0x3  }
0x28: {  	s16 =	simm.s32 $0x1  }
0x29: {  	_ =	swait.ge [sflag:s4], $0x4000;
	s31 =	sshll.u32 s7, $0xE;
	s16 =	simm.s32 @!p0 $0x0  }
0x2a: {  	s20 =	simm.s32 $0x0;
	s21 =	simm.s32 $0x0;
	s16 =	sshll.u32 s16, $0x10  }
0x2b: {  	s22 =	simm.s32 $0x0;
	[sflag:s4] =	ssyncset.done $0x0;
	s19 =	sshrl.u32 s16, $0x2  }
0x2c: {  	[sflag:s4] =	ssyncadd.s32 $0xFFFFC000;
	s16 =	sand.u32 $0x4000, s31;
	s17 =	sor.u32 $0x400, s19  }
0x2d: {  	s18 =	sor.u32 $0x8000, s19;
	s16 =	sor.u32 $0x8000, s16;
	s19 =	sadd.s32 $0x8C00, s19  }
.LBB1_3:
0x2e: {  	v0 =	vmov s18;
	v1 =	vld [tilespmem:s17+$0x270]  }
0x2f: {  	v2 =	vld [tilespmem:s17+$0xFFFFFC10]  }
0x30: {  	v3 =	vld [tilespmem:s17+$0xFFFFFC20]  }
0x31: {  	s23 =	sshll.u32 s21, $0x2;
	s24 =	sand.u32 $0x3, s20;
	v4 =	vld [tilespmem:s17+$0xFFFFFC30]  }
0x32: {  	v5 =	vld [tilespmem:s17+$0xFFFFFC40];
	s25 =	sand.u32 $0xFFFFF800, s23;
	s24 =	sshll.u32 s24, $0x9;
	s23 =	simm.s32 $0x0  }
0x33: {  	v6 =	vld [tilespmem:s17+$0xFFFFFC50];
	s24 =	sor.u32 s24, s25;
	[tilespmem:v0+s23+$0xC70 ss:$0x1] =	vst.idx.msk $0xffff, v1  }
0x34: {  	v7 =	vld [tilespmem:s17+$0x220];
	s24 =	sshrl.u32 s24, $0x2;
	[tilespmem:v0+s23+$0x10 ss:$0x1] =	vst.idx.msk $0xffff, v2  }
0x35: {  	v8 =	vld [tilespmem:s17+$0x230];
	s24 =	sadd.s32 s24, s19;
	[tilespmem:v0+s23+$0x20 ss:$0x1] =	vst.idx.msk $0xffff, v3  }
0x36: {  	v1 =	vmov s24;
	[tilespmem:v0+s23+$0x30 ss:$0x1] =	vst.idx.msk $0xffff, v4;
	v4 =	vld [tilespmem:s17+$0xFFFFFE00]  }
0x37: {  	[tilespmem:v0+s23+$0x40 ss:$0x1] =	vst.idx.msk $0xffff, v5;
	v5 =	vld [tilespmem:s17+$0xFFFFFE10]  }
0x38: {  	[tilespmem:v0+s23+$0x50 ss:$0x1] =	vst.idx.msk $0xffff, v6;
	v6 =	vld [tilespmem:s17+$0xFFFFFE20]  }
0x39: {  	v2 =	vld [tilespmem:s17+$0xFFFFFC60];
	[tilespmem:v0+s23+$0xC20 ss:$0x1] =	vst.idx.msk $0xffff, v7  }
0x3a: {  	v3 =	vld [tilespmem:s17+$0xFFFFFC70];
	[tilespmem:v0+s23+$0xC30 ss:$0x1] =	vst.idx.msk $0xffff, v8  }
0x3b: {  	[tilespmem:v1+s23+$0xFFFFF800 ss:$0x1] =	vst.idx.msk $0xffff, v4;
	v4 =	vld [tilespmem:s17+$0xFFFFFE50]  }
0x3c: {  	[tilespmem:v0+s23+$0x410 ss:$0x1] =	vst.idx.msk $0xffff, v5;
	v5 =	vld [tilespmem:s17+$0xFFFFFE60]  }
0x3d: {  	[tilespmem:v0+s23+$0x420 ss:$0x1] =	vst.idx.msk $0xffff, v6;
	v6 =	vld [tilespmem:s17+$0xFFFFFE70]  }
0x3e: {  	[tilespmem:v0+s23+$0x60 ss:$0x1] =	vst.idx.msk $0xffff, v2;
	v2 =	vld [tilespmem:s17+$0xFFFFFE30]  }
0x3f: {  	[tilespmem:v0+s23+$0x70 ss:$0x1] =	vst.idx.msk $0xffff, v3;
	v3 =	vld [tilespmem:s17+$0xFFFFFE40]  }
0x40: {  	[tilespmem:v0+s23+$0x450 ss:$0x1] =	vst.idx.msk $0xffff, v4;
	v4 =	vld [tilespmem:s17+$0x20]  }
0x41: {  	[tilespmem:v0+s23+$0x460 ss:$0x1] =	vst.idx.msk $0xffff, v5;
	v5 =	vld [tilespmem:s17+$0x30]  }
0x42: {  	[tilespmem:v0+s23+$0x470 ss:$0x1] =	vst.idx.msk $0xffff, v6;
	v6 =	vld [tilespmem:s17+$0x40]  }
0x43: {  	[tilespmem:v0+s23+$0x430 ss:$0x1] =	vst.idx.msk $0xffff, v2;
	v2 =	vld [tilespmem:s17+$0x0]  }
0x44: {  	[tilespmem:v0+s23+$0x440 ss:$0x1] =	vst.idx.msk $0xffff, v3;
	v3 =	vld [tilespmem:s17+$0x10]  }
0x45: {  	[tilespmem:v0+s23+$0x820 ss:$0x1] =	vst.idx.msk $0xffff, v4;
	v4 =	vld [tilespmem:s17+$0x70]  }
0x46: {  	[tilespmem:v0+s23+$0x830 ss:$0x1] =	vst.idx.msk $0xffff, v5;
	v5 =	vld [tilespmem:s17+$0x200]  }
0x47: {  	[tilespmem:v0+s23+$0x840 ss:$0x1] =	vst.idx.msk $0xffff, v6;
	v6 =	vld [tilespmem:s17+$0x210]  }
0x48: {  	[tilespmem:v1+s23+$0xFFFFFC00 ss:$0x1] =	vst.idx.msk $0xffff, v2;
	v2 =	vld [tilespmem:s17+$0x50]  }
0x49: {  	[tilespmem:v0+s23+$0x810 ss:$0x1] =	vst.idx.msk $0xffff, v3;
	v3 =	vld [tilespmem:s17+$0x60]  }
0x4a: {  	[tilespmem:v0+s23+$0x870 ss:$0x1] =	vst.idx.msk $0xffff, v4;
	v4 =	vld [tilespmem:s17+$0x240]  }
0x4b: {  	[tilespmem:v1+s23+$0x0 ss:$0x1] =	vst.idx.msk $0xffff, v5;
	v5 =	vld [tilespmem:s17+$0x250]  }
0x4c: {  	[tilespmem:v0+s23+$0xC10 ss:$0x1] =	vst.idx.msk $0xffff, v6;
	v6 =	vld [tilespmem:s17+$0x260]  }
0x4d: {  	s24 =	sadd.s32 $0x80, s17;
	[tilespmem:v0+s23+$0x850 ss:$0x1] =	vst.idx.msk $0xffff, v2;
	v2 =	vld [tilespmem:s17+$0xFFFFFC00]  }
0x4e: {  	s26 =	simm.s32 $0x8000;
	s25 =	simm.s32 $0x4000;
	[tilespmem:v0+s23+$0x860 ss:$0x1] =	vst.idx.msk $0xffff, v3;
	v3 =	vld [tilespmem:s24+$0x270]  }
.LBB1_4:
0x4f: {  	p1 =	sne.s32 s26, $0xC000;
	v7 =	vld [tilespmem:s24+$0xFFFFFC10];
	[tilespmem:v0+s23+$0xC40 ss:$0x1] =	vst.idx.msk $0xffff, v4  }
0x50: {  	v4 =	vld [tilespmem:s24+$0xFFFFFC20];
	[tilespmem:v0+s23+$0xC50 ss:$0x1] =	vst.idx.msk $0xffff, v5  }
0x51: {  	v5 =	vld [tilespmem:s24+$0xFFFFFC30];
	[tilespmem:v0+s23+$0xC60 ss:$0x1] =	vst.idx.msk $0xffff, v6  }
0x52: {  	v6 =	vld [tilespmem:s24+$0xFFFFFC40];
	[tilespmem:v0+s23+$0x0 ss:$0x1] =	vst.idx.msk $0xffff, v2;
	s23 =	sshra.s32 s25, $0x2;
	s25 =	smov.u32 s26  }
0x53: {  	v2 =	vld [tilespmem:s24+$0xFFFFFC50];
	[tilespmem:v0+s23+$0xC70 ss:$0x1] =	vst.idx.msk $0xffff, v3  }
0x54: {  	[tilespmem:v0+s23+$0x10 ss:$0x1] =	vst.idx.msk $0xffff, v7;
	v3 =	vld [tilespmem:s24+$0xFFFFFC60]  }
0x55: {  	[tilespmem:v0+s23+$0x20 ss:$0x1] =	vst.idx.msk $0xffff, v4;
	v4 =	vld [tilespmem:s24+$0xFFFFFC70]  }
0x56: {  	[tilespmem:v0+s23+$0x30 ss:$0x1] =	vst.idx.msk $0xffff, v5;
	v5 =	vld [tilespmem:s24+$0xFFFFFE00]  }
0x57: {  	[tilespmem:v0+s23+$0x40 ss:$0x1] =	vst.idx.msk $0xffff, v6;
	v6 =	vld [tilespmem:s24+$0xFFFFFE10]  }
0x58: {  	[tilespmem:v0+s23+$0x50 ss:$0x1] =	vst.idx.msk $0xffff, v2;
	v2 =	vld [tilespmem:s24+$0xFFFFFE20]  }
0x59: {  	[tilespmem:v0+s23+$0x60 ss:$0x1] =	vst.idx.msk $0xffff, v3;
	v3 =	vld [tilespmem:s24+$0xFFFFFE30]  }
0x5a: {  	[tilespmem:v0+s23+$0x70 ss:$0x1] =	vst.idx.msk $0xffff, v4;
	v4 =	vld [tilespmem:s24+$0xFFFFFE40]  }
0x5b: {  	[tilespmem:v1+s23+$0xFFFFF800 ss:$0x1] =	vst.idx.msk $0xffff, v5;
	v5 =	vld [tilespmem:s24+$0xFFFFFE50]  }
0x5c: {  	[tilespmem:v0+s23+$0x410 ss:$0x1] =	vst.idx.msk $0xffff, v6;
	v6 =	vld [tilespmem:s24+$0xFFFFFE60]  }
0x5d: {  	[tilespmem:v0+s23+$0x420 ss:$0x1] =	vst.idx.msk $0xffff, v2;
	v2 =	vld [tilespmem:s24+$0xFFFFFE70]  }
0x5e: {  	[tilespmem:v0+s23+$0x430 ss:$0x1] =	vst.idx.msk $0xffff, v3;
	v3 =	vld [tilespmem:s24+$0x0]  }
0x5f: {  	[tilespmem:v0+s23+$0x440 ss:$0x1] =	vst.idx.msk $0xffff, v4;
	v4 =	vld [tilespmem:s24+$0x10]  }
0x60: {  	[tilespmem:v0+s23+$0x450 ss:$0x1] =	vst.idx.msk $0xffff, v5;
	v5 =	vld [tilespmem:s24+$0x20]  }
0x61: {  	[tilespmem:v0+s23+$0x460 ss:$0x1] =	vst.idx.msk $0xffff, v6;
	v6 =	vld [tilespmem:s24+$0x30]  }
0x62: {  	[tilespmem:v0+s23+$0x470 ss:$0x1] =	vst.idx.msk $0xffff, v2;
	v2 =	vld [tilespmem:s24+$0x40]  }
0x63: {  	[tilespmem:v1+s23+$0xFFFFFC00 ss:$0x1] =	vst.idx.msk $0xffff, v3;
	v3 =	vld [tilespmem:s24+$0x50]  }
0x64: {  	[tilespmem:v0+s23+$0x810 ss:$0x1] =	vst.idx.msk $0xffff, v4;
	v4 =	vld [tilespmem:s24+$0x60]  }
0x65: {  	[tilespmem:v0+s23+$0x820 ss:$0x1] =	vst.idx.msk $0xffff, v5;
	v5 =	vld [tilespmem:s24+$0x70]  }
0x66: {  	[tilespmem:v0+s23+$0x830 ss:$0x1] =	vst.idx.msk $0xffff, v6;
	v6 =	vld [tilespmem:s24+$0x200]  }
0x67: {  	[tilespmem:v0+s23+$0x840 ss:$0x1] =	vst.idx.msk $0xffff, v2;
	v2 =	vld [tilespmem:s24+$0x210]  }
0x68: {  	[tilespmem:v0+s23+$0x850 ss:$0x1] =	vst.idx.msk $0xffff, v3;
	v3 =	vld [tilespmem:s24+$0x220]  }
0x69: {  	[tilespmem:v0+s23+$0x860 ss:$0x1] =	vst.idx.msk $0xffff, v4;
	v7 =	vld [tilespmem:s24+$0x230]  }
.Ltmp3:
0x6a: {  	[tilespmem:v0+s23+$0x870 ss:$0x1] =	vst.idx.msk $0xffff, v5;
	v4 =	vld [tilespmem:s24+$0x240];
	(pc) =	sbr.rel @p1 .LBB1_4-.Ltmp3, $4  }
0x6b: {  	[tilespmem:v1+s23+$0x0 ss:$0x1] =	vst.idx.msk $0xffff, v6;
	v5 =	vld [tilespmem:s24+$0x250]  }
0x6c: {  	[tilespmem:v0+s23+$0xC10 ss:$0x1] =	vst.idx.msk $0xffff, v2;
	v6 =	vld [tilespmem:s24+$0x260]  }
0x6d: {  	v2 =	vld [tilespmem:s24+$0xFFFFFC00];
	[tilespmem:v0+s23+$0xC20 ss:$0x1] =	vst.idx.msk $0xffff, v3;
	s24 =	sadd.s32 $0x80, s24  }
0x6e: {  	s26 =	sadd.s32 $0x4000, s26;
	v3 =	vld [tilespmem:s24+$0x270];
	[tilespmem:v0+s23+$0xC30 ss:$0x1] =	vst.idx.msk $0xffff, v7  }
0x6f: {  	_ =	sdelay $0x3  }
0x70: {  	v7 =	vld [tilespmem:s24+$0xFFFFFC10];
	[tilespmem:v0+s23+$0xC40 ss:$0x1] =	vst.idx.msk $0xffff, v4  }
0x71: {  	v34 =	vld [tilespmem:s24+$0xFFFFFC20];
	[tilespmem:v0+s23+$0xC50 ss:$0x1] =	vst.idx.msk $0xffff, v5  }
0x72: {  	v35 =	vld [tilespmem:s24+$0xFFFFFC30];
	[tilespmem:v0+s23+$0xC60 ss:$0x1] =	vst.idx.msk $0xffff, v6  }
0x73: {  	s25 =	sshra.s32 s25, $0x2;
	v36 =	vld [tilespmem:s24+$0xFFFFFC40];
	[tilespmem:v0+s23+$0x0 ss:$0x1] =	vst.idx.msk $0xffff, v2  }
0x74: {  	v37 =	vld [tilespmem:s24+$0xFFFFFC50];
	[tilespmem:v0+s25+$0xC70 ss:$0x1] =	vst.idx.msk $0xffff, v3  }
0x75: {  	v38 =	vld [tilespmem:s24+$0xFFFFFC60];
	[tilespmem:v0+s25+$0x10 ss:$0x1] =	vst.idx.msk $0xffff, v7  }
0x76: {  	v39 =	vld [tilespmem:s24+$0xFFFFFC70];
	[tilespmem:v0+s25+$0x20 ss:$0x1] =	vst.idx.msk $0xffff, v34  }
0x77: {  	v40 =	vld [tilespmem:s24+$0xFFFFFE00];
	[tilespmem:v0+s25+$0x30 ss:$0x1] =	vst.idx.msk $0xffff, v35  }
0x78: {  	v41 =	vld [tilespmem:s24+$0xFFFFFE10];
	[tilespmem:v0+s25+$0x40 ss:$0x1] =	vst.idx.msk $0xffff, v36  }
0x79: {  	v42 =	vld [tilespmem:s24+$0xFFFFFE20];
	[tilespmem:v0+s25+$0x50 ss:$0x1] =	vst.idx.msk $0xffff, v37  }
0x7a: {  	v43 =	vld [tilespmem:s24+$0xFFFFFE30];
	[tilespmem:v0+s25+$0x60 ss:$0x1] =	vst.idx.msk $0xffff, v38  }
0x7b: {  	v44 =	vld [tilespmem:s24+$0xFFFFFE40];
	[tilespmem:v0+s25+$0x70 ss:$0x1] =	vst.idx.msk $0xffff, v39  }
0x7c: {  	v45 =	vld [tilespmem:s24+$0xFFFFFE50];
	[tilespmem:v1+s25+$0xFFFFF800 ss:$0x1] =	vst.idx.msk $0xffff, v40  }
0x7d: {  	v46 =	vld [tilespmem:s24+$0xFFFFFE60];
	[tilespmem:v0+s25+$0x410 ss:$0x1] =	vst.idx.msk $0xffff, v41  }
0x7e: {  	v47 =	vld [tilespmem:s24+$0xFFFFFE70];
	[tilespmem:v0+s25+$0x420 ss:$0x1] =	vst.idx.msk $0xffff, v42  }
0x7f: {  	v48 =	vld [tilespmem:s24+$0x0];
	[tilespmem:v0+s25+$0x430 ss:$0x1] =	vst.idx.msk $0xffff, v43  }
0x80: {  	v49 =	vld [tilespmem:s24+$0x10];
	[tilespmem:v0+s25+$0x440 ss:$0x1] =	vst.idx.msk $0xffff, v44  }
0x81: {  	v50 =	vld [tilespmem:s24+$0x20];
	[tilespmem:v0+s25+$0x450 ss:$0x1] =	vst.idx.msk $0xffff, v45  }
0x82: {  	v51 =	vld [tilespmem:s24+$0x30];
	[tilespmem:v0+s25+$0x460 ss:$0x1] =	vst.idx.msk $0xffff, v46  }
0x83: {  	v52 =	vld [tilespmem:s24+$0x40];
	[tilespmem:v0+s25+$0x470 ss:$0x1] =	vst.idx.msk $0xffff, v47  }
0x84: {  	v53 =	vld [tilespmem:s24+$0x50];
	[tilespmem:v1+s25+$0xFFFFFC00 ss:$0x1] =	vst.idx.msk $0xffff, v48  }
0x85: {  	v54 =	vld [tilespmem:s24+$0x60];
	[tilespmem:v0+s25+$0x810 ss:$0x1] =	vst.idx.msk $0xffff, v49  }
0x86: {  	v55 =	vld [tilespmem:s24+$0x70];
	[tilespmem:v0+s25+$0x820 ss:$0x1] =	vst.idx.msk $0xffff, v50  }
0x87: {  	v56 =	vld [tilespmem:s24+$0x200];
	[tilespmem:v0+s25+$0x830 ss:$0x1] =	vst.idx.msk $0xffff, v51  }
0x88: {  	v57 =	vld [tilespmem:s24+$0x210];
	[tilespmem:v0+s25+$0x840 ss:$0x1] =	vst.idx.msk $0xffff, v52  }
0x89: {  	v58 =	vld [tilespmem:s24+$0x220];
	[tilespmem:v0+s25+$0x850 ss:$0x1] =	vst.idx.msk $0xffff, v53  }
0x8a: {  	v59 =	vld [tilespmem:s24+$0x230];
	[tilespmem:v0+s25+$0x860 ss:$0x1] =	vst.idx.msk $0xffff, v54  }
0x8b: {  	v60 =	vld [tilespmem:s24+$0x240];
	[tilespmem:v0+s25+$0x870 ss:$0x1] =	vst.idx.msk $0xffff, v55  }
0x8c: {  	v61 =	vld [tilespmem:s24+$0x250];
	[tilespmem:v1+s25+$0x0 ss:$0x1] =	vst.idx.msk $0xffff, v56  }
0x8d: {  	v62 =	vld [tilespmem:s24+$0x260];
	s22 =	sadd.s32 $0x1, s22;
	[tilespmem:v0+s25+$0xC10 ss:$0x1] =	vst.idx.msk $0xffff, v57  }
0x8e: {  	v63 =	vld [tilespmem:s24+$0xFFFFFC00];
	p1 =	sne.s32 s22, $0x8;
	[tilespmem:v0+s25+$0xC20 ss:$0x1] =	vst.idx.msk $0xffff, v58  }
.Ltmp4:
0x8f: {  	[tilespmem:v0+s25+$0xC30 ss:$0x1] =	vst.idx.msk $0xffff, v59;
	(pc) =	sbr.rel @p1 .LBB1_3-.Ltmp4, $4  }
0x90: {  	[tilespmem:v0+s25+$0xC40 ss:$0x1] =	vst.idx.msk $0xffff, v60  }
0x91: {  	[tilespmem:v0+s25+$0xC50 ss:$0x1] =	vst.idx.msk $0xffff, v61  }
0x92: {  	s17 =	sadd.s32 $0x800, s17;
	[tilespmem:v0+s25+$0xC60 ss:$0x1] =	vst.idx.msk $0xffff, v62  }
0x93: {  	s21 =	sadd.s32 $0x80, s21;
	s20 =	sadd.s32 $0x1, s20;
	s18 =	sadd.s32 $0x80, s18;
	[tilespmem:v0+s25+$0x0 ss:$0x1] =	vst.idx.msk $0xffff, v63  }
0x94: {  	s15 =	sshll.u32 s15, $0x7;
	s17 =	sand.u32 $0x78, s12  }
0x95: {  	s18 =	sshll.u32 s12, $0x3;
	s14 =	sshll.u32 s14, $0xD;
	s13 =	sshll.u32 s13, $0xB  }
0x96: {  	s29 =	sand.u32 $0x700, s12;
	s15 =	sand.u32 $0x380, s15;
	s18 =	sand.u32 $0x400, s18  }
.Ltmp5:
0x97: {  	s14 =	sadd.s32 s2, s14;
	s15 =	sor.u32 s15, s17;
	(pc) =	sbr.rel .LBB1_7-.Ltmp5, $4  }
0x98: {  	s30 =	sand.u32 $0x7, s12;
	s13 =	sadd.s32 s13, s14;
	s15 =	sor.u32 s18, s15  }
0x99: {  	s12 =	sshll.u32 s30, $0x12;
	s13 =	sadd.s32 s29, s13;
	s31 =	sshrl.u32 s15, $0x3  }
0x9a: {  	s12 =	sor.u32 $0x1000, s12;
	s13 =	sadd.s32 s31, s13  }
0x9b: {  	[hbm4b:s13+s12] =	stream.strided.scatter [tilespmem:s16], [sflag:$0x2], $0x4000, s6, s12, $0x38;
	[tilespmem:$0x10000] =	vst v63  }
.LBB1_8:
0x9c: {  	_ =	sfence.sel $0x180000  }
0x9d: {  	s2 =	simm.s32 $0x1;
	[bflag:$0x0] =	sbarrier.arrive $0xFFFF  }
0x9e: {  	s31 =	simm.s32 $0x2;
	[sflag:s2] =	ssyncpa.u1 $0x1  }
0x9f: {  	[sflag:s31] =	ssyncpa.u1 $0x1  }
0xa0: {  	p0 =	sne.s32 s1, $0x0;
	_ =	strace $0x90000050  }
0xa1: {  	s0 =	sadd.s32 @!p0 $0x100000, s0;
	[bflag:$0x2] =	sbarrier.arrive $0xFFFF  }
0xa2: {  	[sflag:s0] =	ssyncadd.tile.s32 @!p0 $0x1;
	_ =	shalt  }
.Lfunc_end1:
_tile_overlayer_lowered:
.L_overlay_start_2:
0xa3: {  	(tag) =	ssettag $0x2  }
0xa4: {  	s0 =	rddreg [dreg:$0x0];
	s2 =	stileid.u32  }
0xa5: {  	s1 =	rddreg [dreg:$0x1];
	p0 =	sne.s32 s2, $0x0  }
0xa6: {  	s3 =	rddreg [dreg:$0x2];
	[bflag:$0x3] =	sbarrier.arrive $0xFFFF;
	s2 =	simm.s32 @!p0 $0x1C01  }
0xa7: {  	[timem:s3], [sflag:s2] =	dma.local @!p0 [hbm:s0], s1  }
0xa8: {  	s0 =	simm.s32 @!p0 $0x1  }
0xa9: {  	_ =	swait.ge @!p0 [sflag:s0], s1  }
0xaa: {  	s1 =	ssub.s32 @!p0 $0x0, s1;
	[sflag:s0] =	ssyncset.done @!p0 $0x0  }
0xab: {  	[sflag:s0] =	ssyncadd.s32 @!p0 s1  }
0xac: {  	[bflag:$0x3] =	sbarrier.arrive $0xFFFF  }
0xad: {  	_ =	shalt  }

</sc_bundles>
